<compile_context>
chip_gen: v7x
topology: tpu7x:2x2x1
jax: 0.10.2.dev20260603
libtpu: 0.0.44.dev20260713+nightly
codegen_flags: <defaults>
</compile_context>

<pallas_src>
import functools

import jax
import jax.numpy as jnp
from jax import lax
from jax.experimental import pallas as pl
from jax.experimental.pallas import tpu as pltpu
from jax.experimental.pallas import tpu_sc as plsc

NUM_FIELDS = 26
VOCAB_PER_FIELD = 100000
EMBED_DIM = 128
BATCH = 4096

NC, NS, L = 2, 16, 16
NW = NC * NS
N_FLAT = BATCH * NUM_FIELDS
PER_W = N_FLAT // NW
UNIT = 256
UPW = PER_W // UNIT
UPF = BATCH // UNIT
CHUNK = 128
N_CHUNK = PER_W // CHUNK
NBUF = 7
AHEAD = 5


@functools.partial(
    pl.kernel,
    out_type=jax.ShapeDtypeStruct((N_FLAT, EMBED_DIM), jnp.float32),
    mesh=plsc.VectorSubcoreMesh(core_axis_name="c", subcore_axis_name="s"),
    scratch_types=[
        pltpu.VMEM((PER_W,), jnp.int32),
    ] + [pltpu.VMEM((CHUNK, EMBED_DIM), jnp.float32) for _ in range(NBUF)]
      + [pltpu.SemaphoreType.DMA for _ in range(2 * NBUF)]
      + [pltpu.SemaphoreType.DMA, pltpu.SemaphoreType.DMA],
)
def _sok_gather(idx_hbm, table_hbm, out_hbm, idx_v, *rest):
    bufs = rest[:NBUF]
    gsem = rest[NBUF:2 * NBUF]
    ssem = rest[2 * NBUF:3 * NBUF]
    isem = rest[3 * NBUF]
    isem_head = rest[3 * NBUF + 1]
    wid = lax.axis_index("s") * NC + lax.axis_index("c")
    base = wid * PER_W

    HEAD_UNITS = 3
    for u in range(UPW):
        g = wid * UPW + u
        f = lax.div(g, UPF)
        c = lax.rem(g, UPF)
        pltpu.async_copy(idx_hbm.at[f, pl.ds(c * UNIT, UNIT)],
                         idx_v.at[pl.ds(u * UNIT, UNIT)],
                         isem_head if u < HEAD_UNITS else isem)

    def wait_units(sem, n):
        for _ in range(n):
            pltpu.make_async_copy(idx_hbm.at[0, pl.ds(0, UNIT)],
                                  idx_v.at[pl.ds(0, UNIT)], sem).wait()

    wait_units(isem_head, HEAD_UNITS)
    iota = lax.iota(jnp.int32, L)

    def fuse(t):
        off = lax.div(wid * PER_W + t * L, BATCH) * VOCAB_PER_FIELD
        idx_v[pl.ds(t * L, L)] = idx_v[pl.ds(t * L, L)] + off

    FUSE1 = (AHEAD * CHUNK + L - 1) // L + 1

    @pl.loop(0, FUSE1, unroll=8)
    def _fuse_head(t):
        fuse(t)

    def gather(j, b):
        pltpu.async_copy(table_hbm.at[idx_v.at[pl.ds(j * CHUNK, CHUNK)]],
                         bufs[b], gsem[b])

    def wait_gather(b):
        pltpu.make_async_copy(table_hbm.at[pl.ds(0, CHUNK)], bufs[b],
                              gsem[b]).wait()

    def store(j, b):
        pltpu.async_copy(bufs[b], out_hbm.at[pl.ds(base + j * CHUNK, CHUNK)],
                         ssem[b])

    def wait_store(b):
        pltpu.make_async_copy(bufs[b], out_hbm.at[pl.ds(0, CHUNK)],
                              ssem[b]).wait()

    def step(j, b, prefetch, wait_prev):
        wait_gather(b)
        store(j, b)
        if prefetch:
            bn = (b + AHEAD) % NBUF
            if wait_prev:
                wait_store(bn)
            gather(j + AHEAD, bn)

    for b in range(AHEAD):
        gather(b, b)

    wait_units(isem, UPW - HEAD_UNITS)

    @pl.loop(FUSE1, PER_W // L, unroll=8)
    def _fuse_tail(t):
        fuse(t)

    for j in range(N_CHUNK):
        step(j, j % NBUF, j + AHEAD < N_CHUNK,
             j + AHEAD >= NBUF)
    for j in range(N_CHUNK - NBUF, N_CHUNK):
        wait_store(j % NBUF)


def kernel(inputs, table):
    out = _sok_gather(inputs.T, table)
    return out.reshape(NUM_FIELDS, BATCH, EMBED_DIM).transpose(1, 0, 2)

# --- scband reference (transcript-rebuilt; emitter-appended) ---
"""Pipeline reference for scband-sokembedding-31688268709909 (READ-ONLY COPY).

The authoritative reference and input builder live on the scoring server;
editing this copy changes nothing except your own understanding.
"""

import jax, jax.numpy as jnp
import numpy as np

NUM_FIELDS = 26
VOCAB_PER_FIELD = 100000
EMBED_DIM = 128
BATCH = 4096
TOTAL_VOCAB = NUM_FIELDS * VOCAB_PER_FIELD


def setup_inputs(seed: int = 0) -> dict:
    key = jax.random.key(seed)
    k1, k2 = jax.random.split(key)
    inputs = jax.random.randint(k1, (BATCH, NUM_FIELDS), 0, VOCAB_PER_FIELD, dtype=jnp.int32)
    # Fused embedding table (sok.Variable with RandomUniform(-0.05, 0.05))
    table = jax.random.uniform(k2, (TOTAL_VOCAB, EMBED_DIM), dtype=jnp.float32, minval=-0.05, maxval=0.05)
    return {"inputs": inputs, "table": table}


def reference(inputs, table):
    # vocab prefix sum: offset of each field in the fused table
    prefix = (jnp.arange(NUM_FIELDS, dtype=jnp.int32) * VOCAB_PER_FIELD).reshape(1, -1)
    fused_inputs = inputs + prefix  # [B, 26]
    fused_flat = fused_inputs.reshape(-1)  # [B*26]
    # sok.lookup_sparse with one id per ragged row and 'sum' combiner == plain gather
    emb_vectors = jnp.take(table, fused_flat, axis=0)  # [B*26, D]
    emb_vectors = emb_vectors.reshape(-1, NUM_FIELDS, EMBED_DIM)  # [B, 26, D]
    return emb_vectors

if __name__ == "__main__":
    import jax
    _d = setup_inputs()
    print(jax.jit(kernel)(*tuple(_d.values())))

</pallas_src>

<mosaic_0001>
#map = affine_map<(d0, d1) -> (0, 0)>
module attributes {stable_mosaic.version = 14 : i64} {
  func.func @_sok_gather(%arg0: i32, %arg1: i32, %arg2: memref<26x4096xi32, #tpu.memory_space<hbm>>, %arg3: memref<2600000x128xf32, #tpu.memory_space<hbm>>, %arg4: memref<106496x128xf32, #tpu.memory_space<hbm>>, %arg5: memref<3328xi32, #tpu.memory_space<vmem>>, %arg6: memref<128x128xf32, #tpu.memory_space<vmem>>, %arg7: memref<128x128xf32, #tpu.memory_space<vmem>>, %arg8: memref<128x128xf32, #tpu.memory_space<vmem>>, %arg9: memref<128x128xf32, #tpu.memory_space<vmem>>, %arg10: memref<128x128xf32, #tpu.memory_space<vmem>>, %arg11: memref<128x128xf32, #tpu.memory_space<vmem>>, %arg12: memref<128x128xf32, #tpu.memory_space<vmem>>, %arg13: memref<!tpu.dma_semaphore, #tpu.memory_space<semaphore_mem>>, %arg14: memref<!tpu.dma_semaphore, #tpu.memory_space<semaphore_mem>>, %arg15: memref<!tpu.dma_semaphore, #tpu.memory_space<semaphore_mem>>, %arg16: memref<!tpu.dma_semaphore, #tpu.memory_space<semaphore_mem>>, %arg17: memref<!tpu.dma_semaphore, #tpu.memory_space<semaphore_mem>>, %arg18: memref<!tpu.dma_semaphore, #tpu.memory_space<semaphore_mem>>, %arg19: memref<!tpu.dma_semaphore, #tpu.memory_space<semaphore_mem>>, %arg20: memref<!tpu.dma_semaphore, #tpu.memory_space<semaphore_mem>>, %arg21: memref<!tpu.dma_semaphore, #tpu.memory_space<semaphore_mem>>, %arg22: memref<!tpu.dma_semaphore, #tpu.memory_space<semaphore_mem>>, %arg23: memref<!tpu.dma_semaphore, #tpu.memory_space<semaphore_mem>>, %arg24: memref<!tpu.dma_semaphore, #tpu.memory_space<semaphore_mem>>, %arg25: memref<!tpu.dma_semaphore, #tpu.memory_space<semaphore_mem>>, %arg26: memref<!tpu.dma_semaphore, #tpu.memory_space<semaphore_mem>>, %arg27: memref<!tpu.dma_semaphore, #tpu.memory_space<semaphore_mem>>, %arg28: memref<!tpu.dma_semaphore, #tpu.memory_space<semaphore_mem>>) attributes {dimension_semantics = [#tpu.dimension_semantics<core_parallel>, #tpu.dimension_semantics<subcore_parallel>], iteration_bounds = array<i64: 2, 16>, scalar_prefetch = 0 : i64, scratch_operands = 24 : i64, tpu.core_type = #tpu.core_type<sc_vector_subcore>, window_params = [{transform_indices = #map}, {transform_indices = #map}, {transform_indices = #map}]} {
    %mul3A = arith.constant 2 : i32
    %mul3A_0 = arith.muli %arg1, %mul3A : i32
    %add3A = arith.addi %mul3A_0, %arg0 : i32
    %mul3A_1 = arith.constant 3328 : i32
    %mul3A_2 = arith.muli %add3A, %mul3A_1 : i32
    %mul3A_3 = arith.constant 13 : i32
    %mul3A_4 = arith.muli %add3A, %mul3A_3 : i32
    %add3A_5 = arith.constant 0 : i32
    %add3A_6 = arith.addi %mul3A_4, %add3A_5 : i32
    %div3A = arith.constant 16 : i32
    %div3A_7 = arith.divsi %add3A_6, %div3A : i32
    %rem3A = arith.constant 16 : i32
    %rem3A_8 = arith.remsi %add3A_6, %rem3A : i32
    %mul3A_9 = arith.constant 256 : i32
    %mul3A_10 = arith.muli %rem3A_8, %mul3A_9 : i32
    %dma_start3A = arith.constant 0 : i32
    %dma_start3A_11 = tpu.memref_slice %arg5[%dma_start3A] : memref<3328xi32, #tpu.memory_space<vmem>> -> memref<256xi32, #tpu.memory_space<vmem>>
    %dma_start3A_12 = tpu.memref_slice %arg2[%div3A_7, %mul3A_10] : memref<26x4096xi32, #tpu.memory_space<hbm>> -> memref<1x256xi32, #tpu.memory_space<hbm>>
    %dma_start3A_13 = tpu.memref_squeeze %dma_start3A_12 : memref<1x256xi32, #tpu.memory_space<hbm>> -> memref<256xi32, #tpu.memory_space<hbm>>
    %dma_start3A_14 = arith.constant 0 : i32
    %dma_start3A_15 = tpu.memref_slice %arg5[%dma_start3A_14] : memref<3328xi32, #tpu.memory_space<vmem>> -> memref<256xi32, #tpu.memory_space<vmem>>
    %dma_start3A_16 = tpu.memref_slice %arg2[%div3A_7, %mul3A_10] : memref<26x4096xi32, #tpu.memory_space<hbm>> -> memref<1x256xi32, #tpu.memory_space<hbm>>
    %dma_start3A_17 = tpu.memref_squeeze %dma_start3A_16 : memref<1x256xi32, #tpu.memory_space<hbm>> -> memref<256xi32, #tpu.memory_space<hbm>>
    tpu.enqueue_dma source(%dma_start3A_17 : memref<256xi32, #tpu.memory_space<hbm>>) target(%dma_start3A_15 : memref<256xi32, #tpu.memory_space<vmem>>) target_semaphore(%arg28 : memref<!tpu.dma_semaphore, #tpu.memory_space<semaphore_mem>>)
    %mul3A_18 = arith.constant 13 : i32
    %mul3A_19 = arith.muli %add3A, %mul3A_18 : i32
    %add3A_20 = arith.constant 1 : i32
    %add3A_21 = arith.addi %mul3A_19, %add3A_20 : i32
    %div3A_22 = arith.constant 16 : i32
    %div3A_23 = arith.divsi %add3A_21, %div3A_22 : i32
    %rem3A_24 = arith.constant 16 : i32
    %rem3A_25 = arith.remsi %add3A_21, %rem3A_24 : i32
    %mul3A_26 = arith.constant 256 : i32
    %mul3A_27 = arith.muli %rem3A_25, %mul3A_26 : i32
    %dma_start3A_28 = arith.constant 256 : i32
    %dma_start3A_29 = tpu.memref_slice %arg5[%dma_start3A_28] : memref<3328xi32, #tpu.memory_space<vmem>> -> memref<256xi32, #tpu.memory_space<vmem>>
    %dma_start3A_30 = tpu.memref_slice %arg2[%div3A_23, %mul3A_27] : memref<26x4096xi32, #tpu.memory_space<hbm>> -> memref<1x256xi32, #tpu.memory_space<hbm>>
    %dma_start3A_31 = tpu.memref_squeeze %dma_start3A_30 : memref<1x256xi32, #tpu.memory_space<hbm>> -> memref<256xi32, #tpu.memory_space<hbm>>
    %dma_start3A_32 = arith.constant 256 : i32
    %dma_start3A_33 = tpu.memref_slice %arg5[%dma_start3A_32] : memref<3328xi32, #tpu.memory_space<vmem>> -> memref<256xi32, #tpu.memory_space<vmem>>
    %dma_start3A_34 = tpu.memref_slice %arg2[%div3A_23, %mul3A_27] : memref<26x4096xi32, #tpu.memory_space<hbm>> -> memref<1x256xi32, #tpu.memory_space<hbm>>
    %dma_start3A_35 = tpu.memref_squeeze %dma_start3A_34 : memref<1x256xi32, #tpu.memory_space<hbm>> -> memref<256xi32, #tpu.memory_space<hbm>>
    tpu.enqueue_dma source(%dma_start3A_35 : memref<256xi32, #tpu.memory_space<hbm>>) target(%dma_start3A_33 : memref<256xi32, #tpu.memory_space<vmem>>) target_semaphore(%arg28 : memref<!tpu.dma_semaphore, #tpu.memory_space<semaphore_mem>>)
    %mul3A_36 = arith.constant 13 : i32
    %mul3A_37 = arith.muli %add3A, %mul3A_36 : i32
    %add3A_38 = arith.constant 2 : i32
    %add3A_39 = arith.addi %mul3A_37, %add3A_38 : i32
    %div3A_40 = arith.constant 16 : i32
    %div3A_41 = arith.divsi %add3A_39, %div3A_40 : i32
    %rem3A_42 = arith.constant 16 : i32
    %rem3A_43 = arith.remsi %add3A_39, %rem3A_42 : i32
    %mul3A_44 = arith.constant 256 : i32
    %mul3A_45 = arith.muli %rem3A_43, %mul3A_44 : i32
    %dma_start3A_46 = arith.constant 512 : i32
    %dma_start3A_47 = tpu.memref_slice %arg5[%dma_start3A_46] : memref<3328xi32, #tpu.memory_space<vmem>> -> memref<256xi32, #tpu.memory_space<vmem>>
    %dma_start3A_48 = tpu.memref_slice %arg2[%div3A_41, %mul3A_45] : memref<26x4096xi32, #tpu.memory_space<hbm>> -> memref<1x256xi32, #tpu.memory_space<hbm>>
    %dma_start3A_49 = tpu.memref_squeeze %dma_start3A_48 : memref<1x256xi32, #tpu.memory_space<hbm>> -> memref<256xi32, #tpu.memory_space<hbm>>
    %dma_start3A_50 = arith.constant 512 : i32
    %dma_start3A_51 = tpu.memref_slice %arg5[%dma_start3A_50] : memref<3328xi32, #tpu.memory_space<vmem>> -> memref<256xi32, #tpu.memory_space<vmem>>
    %dma_start3A_52 = tpu.memref_slice %arg2[%div3A_41, %mul3A_45] : memref<26x4096xi32, #tpu.memory_space<hbm>> -> memref<1x256xi32, #tpu.memory_space<hbm>>
    %dma_start3A_53 = tpu.memref_squeeze %dma_start3A_52 : memref<1x256xi32, #tpu.memory_space<hbm>> -> memref<256xi32, #tpu.memory_space<hbm>>
    tpu.enqueue_dma source(%dma_start3A_53 : memref<256xi32, #tpu.memory_space<hbm>>) target(%dma_start3A_51 : memref<256xi32, #tpu.memory_space<vmem>>) target_semaphore(%arg28 : memref<!tpu.dma_semaphore, #tpu.memory_space<semaphore_mem>>)
    %mul3A_54 = arith.constant 13 : i32
    %mul3A_55 = arith.muli %add3A, %mul3A_54 : i32
    %add3A_56 = arith.constant 3 : i32
    %add3A_57 = arith.addi %mul3A_55, %add3A_56 : i32
    %div3A_58 = arith.constant 16 : i32
    %div3A_59 = arith.divsi %add3A_57, %div3A_58 : i32
    %rem3A_60 = arith.constant 16 : i32
    %rem3A_61 = arith.remsi %add3A_57, %rem3A_60 : i32
    %mul3A_62 = arith.constant 256 : i32
    %mul3A_63 = arith.muli %rem3A_61, %mul3A_62 : i32
    %dma_start3A_64 = arith.constant 768 : i32
    %dma_start3A_65 = tpu.memref_slice %arg5[%dma_start3A_64] : memref<3328xi32, #tpu.memory_space<vmem>> -> memref<256xi32, #tpu.memory_space<vmem>>
    %dma_start3A_66 = tpu.memref_slice %arg2[%div3A_59, %mul3A_63] : memref<26x4096xi32, #tpu.memory_space<hbm>> -> memref<1x256xi32, #tpu.memory_space<hbm>>
    %dma_start3A_67 = tpu.memref_squeeze %dma_start3A_66 : memref<1x256xi32, #tpu.memory_space<hbm>> -> memref<256xi32, #tpu.memory_space<hbm>>
    %dma_start3A_68 = arith.constant 768 : i32
    %dma_start3A_69 = tpu.memref_slice %arg5[%dma_start3A_68] : memref<3328xi32, #tpu.memory_space<vmem>> -> memref<256xi32, #tpu.memory_space<vmem>>
    %dma_start3A_70 = tpu.memref_slice %arg2[%div3A_59, %mul3A_63] : memref<26x4096xi32, #tpu.memory_space<hbm>> -> memref<1x256xi32, #tpu.memory_space<hbm>>
    %dma_start3A_71 = tpu.memref_squeeze %dma_start3A_70 : memref<1x256xi32, #tpu.memory_space<hbm>> -> memref<256xi32, #tpu.memory_space<hbm>>
    tpu.enqueue_dma source(%dma_start3A_71 : memref<256xi32, #tpu.memory_space<hbm>>) target(%dma_start3A_69 : memref<256xi32, #tpu.memory_space<vmem>>) target_semaphore(%arg27 : memref<!tpu.dma_semaphore, #tpu.memory_space<semaphore_mem>>)
    %mul3A_72 = arith.constant 13 : i32
    %mul3A_73 = arith.muli %add3A, %mul3A_72 : i32
    %add3A_74 = arith.constant 4 : i32
    %add3A_75 = arith.addi %mul3A_73, %add3A_74 : i32
    %div3A_76 = arith.constant 16 : i32
    %div3A_77 = arith.divsi %add3A_75, %div3A_76 : i32
    %rem3A_78 = arith.constant 16 : i32
    %rem3A_79 = arith.remsi %add3A_75, %rem3A_78 : i32
    %mul3A_80 = arith.constant 256 : i32
    %mul3A_81 = arith.muli %rem3A_79, %mul3A_80 : i32
    %dma_start3A_82 = arith.constant 1024 : i32
    %dma_start3A_83 = tpu.memref_slice %arg5[%dma_start3A_82] : memref<3328xi32, #tpu.memory_space<vmem>> -> memref<256xi32, #tpu.memory_space<vmem>>
    %dma_start3A_84 = tpu.memref_slice %arg2[%div3A_77, %mul3A_81] : memref<26x4096xi32, #tpu.memory_space<hbm>> -> memref<1x256xi32, #tpu.memory_space<hbm>>
    %dma_start3A_85 = tpu.memref_squeeze %dma_start3A_84 : memref<1x256xi32, #tpu.memory_space<hbm>> -> memref<256xi32, #tpu.memory_space<hbm>>
    %dma_start3A_86 = arith.constant 1024 : i32
    %dma_start3A_87 = tpu.memref_slice %arg5[%dma_start3A_86] : memref<3328xi32, #tpu.memory_space<vmem>> -> memref<256xi32, #tpu.memory_space<vmem>>
    %dma_start3A_88 = tpu.memref_slice %arg2[%div3A_77, %mul3A_81] : memref<26x4096xi32, #tpu.memory_space<hbm>> -> memref<1x256xi32, #tpu.memory_space<hbm>>
    %dma_start3A_89 = tpu.memref_squeeze %dma_start3A_88 : memref<1x256xi32, #tpu.memory_space<hbm>> -> memref<256xi32, #tpu.memory_space<hbm>>
    tpu.enqueue_dma source(%dma_start3A_89 : memref<256xi32, #tpu.memory_space<hbm>>) target(%dma_start3A_87 : memref<256xi32, #tpu.memory_space<vmem>>) target_semaphore(%arg27 : memref<!tpu.dma_semaphore, #tpu.memory_space<semaphore_mem>>)
    %mul3A_90 = arith.constant 13 : i32
    %mul3A_91 = arith.muli %add3A, %mul3A_90 : i32
    %add3A_92 = arith.constant 5 : i32
    %add3A_93 = arith.addi %mul3A_91, %add3A_92 : i32
    %div3A_94 = arith.constant 16 : i32
    %div3A_95 = arith.divsi %add3A_93, %div3A_94 : i32
    %rem3A_96 = arith.constant 16 : i32
    %rem3A_97 = arith.remsi %add3A_93, %rem3A_96 : i32
    %mul3A_98 = arith.constant 256 : i32
    %mul3A_99 = arith.muli %rem3A_97, %mul3A_98 : i32
    %dma_start3A_100 = arith.constant 1280 : i32
    %dma_start3A_101 = tpu.memref_slice %arg5[%dma_start3A_100] : memref<3328xi32, #tpu.memory_space<vmem>> -> memref<256xi32, #tpu.memory_space<vmem>>
    %dma_start3A_102 = tpu.memref_slice %arg2[%div3A_95, %mul3A_99] : memref<26x4096xi32, #tpu.memory_space<hbm>> -> memref<1x256xi32, #tpu.memory_space<hbm>>
    %dma_start3A_103 = tpu.memref_squeeze %dma_start3A_102 : memref<1x256xi32, #tpu.memory_space<hbm>> -> memref<256xi32, #tpu.memory_space<hbm>>
    %dma_start3A_104 = arith.constant 1280 : i32
    %dma_start3A_105 = tpu.memref_slice %arg5[%dma_start3A_104] : memref<3328xi32, #tpu.memory_space<vmem>> -> memref<256xi32, #tpu.memory_space<vmem>>
    %dma_start3A_106 = tpu.memref_slice %arg2[%div3A_95, %mul3A_99] : memref<26x4096xi32, #tpu.memory_space<hbm>> -> memref<1x256xi32, #tpu.memory_space<hbm>>
    %dma_start3A_107 = tpu.memref_squeeze %dma_start3A_106 : memref<1x256xi32, #tpu.memory_space<hbm>> -> memref<256xi32, #tpu.memory_space<hbm>>
    tpu.enqueue_dma source(%dma_start3A_107 : memref<256xi32, #tpu.memory_space<hbm>>) target(%dma_start3A_105 : memref<256xi32, #tpu.memory_space<vmem>>) target_semaphore(%arg27 : memref<!tpu.dma_semaphore, #tpu.memory_space<semaphore_mem>>)
    %mul3A_108 = arith.constant 13 : i32
    %mul3A_109 = arith.muli %add3A, %mul3A_108 : i32
    %add3A_110 = arith.constant 6 : i32
    %add3A_111 = arith.addi %mul3A_109, %add3A_110 : i32
    %div3A_112 = arith.constant 16 : i32
    %div3A_113 = arith.divsi %add3A_111, %div3A_112 : i32
    %rem3A_114 = arith.constant 16 : i32
    %rem3A_115 = arith.remsi %add3A_111, %rem3A_114 : i32
    %mul3A_116 = arith.constant 256 : i32
    %mul3A_117 = arith.muli %rem3A_115, %mul3A_116 : i32
    %dma_start3A_118 = arith.constant 1536 : i32
    %dma_start3A_119 = tpu.memref_slice %arg5[%dma_start3A_118] : memref<3328xi32, #tpu.memory_space<vmem>> -> memref<256xi32, #tpu.memory_space<vmem>>
    %dma_start3A_120 = tpu.memref_slice %arg2[%div3A_113, %mul3A_117] : memref<26x4096xi32, #tpu.memory_space<hbm>> -> memref<1x256xi32, #tpu.memory_space<hbm>>
    %dma_start3A_121 = tpu.memref_squeeze %dma_start3A_120 : memref<1x256xi32, #tpu.memory_space<hbm>> -> memref<256xi32, #tpu.memory_space<hbm>>
    %dma_start3A_122 = arith.constant 1536 : i32
    %dma_start3A_123 = tpu.memref_slice %arg5[%dma_start3A_122] : memref<3328xi32, #tpu.memory_space<vmem>> -> memref<256xi32, #tpu.memory_space<vmem>>
    %dma_start3A_124 = tpu.memref_slice %arg2[%div3A_113, %mul3A_117] : memref<26x4096xi32, #tpu.memory_space<hbm>> -> memref<1x256xi32, #tpu.memory_space<hbm>>
    %dma_start3A_125 = tpu.memref_squeeze %dma_start3A_124 : memref<1x256xi32, #tpu.memory_space<hbm>> -> memref<256xi32, #tpu.memory_space<hbm>>
    tpu.enqueue_dma source(%dma_start3A_125 : memref<256xi32, #tpu.memory_space<hbm>>) target(%dma_start3A_123 : memref<256xi32, #tpu.memory_space<vmem>>) target_semaphore(%arg27 : memref<!tpu.dma_semaphore, #tpu.memory_space<semaphore_mem>>)
    %mul3A_126 = arith.constant 13 : i32
    %mul3A_127 = arith.muli %add3A, %mul3A_126 : i32
    %add3A_128 = arith.constant 7 : i32
    %add3A_129 = arith.addi %mul3A_127, %add3A_128 : i32
    %div3A_130 = arith.constant 16 : i32
    %div3A_131 = arith.divsi %add3A_129, %div3A_130 : i32
    %rem3A_132 = arith.constant 16 : i32
    %rem3A_133 = arith.remsi %add3A_129, %rem3A_132 : i32
    %mul3A_134 = arith.constant 256 : i32
    %mul3A_135 = arith.muli %rem3A_133, %mul3A_134 : i32
    %dma_start3A_136 = arith.constant 1792 : i32
    %dma_start3A_137 = tpu.memref_slice %arg5[%dma_start3A_136] : memref<3328xi32, #tpu.memory_space<vmem>> -> memref<256xi32, #tpu.memory_space<vmem>>
    %dma_start3A_138 = tpu.memref_slice %arg2[%div3A_131, %mul3A_135] : memref<26x4096xi32, #tpu.memory_space<hbm>> -> memref<1x256xi32, #tpu.memory_space<hbm>>
    %dma_start3A_139 = tpu.memref_squeeze %dma_start3A_138 : memref<1x256xi32, #tpu.memory_space<hbm>> -> memref<256xi32, #tpu.memory_space<hbm>>
    %dma_start3A_140 = arith.constant 1792 : i32
    %dma_start3A_141 = tpu.memref_slice %arg5[%dma_start3A_140] : memref<3328xi32, #tpu.memory_space<vmem>> -> memref<256xi32, #tpu.memory_space<vmem>>
    %dma_start3A_142 = tpu.memref_slice %arg2[%div3A_131, %mul3A_135] : memref<26x4096xi32, #tpu.memory_space<hbm>> -> memref<1x256xi32, #tpu.memory_space<hbm>>
    %dma_start3A_143 = tpu.memref_squeeze %dma_start3A_142 : memref<1x256xi32, #tpu.memory_space<hbm>> -> memref<256xi32, #tpu.memory_space<hbm>>
    tpu.enqueue_dma source(%dma_start3A_143 : memref<256xi32, #tpu.memory_space<hbm>>) target(%dma_start3A_141 : memref<256xi32, #tpu.memory_space<vmem>>) target_semaphore(%arg27 : memref<!tpu.dma_semaphore, #tpu.memory_space<semaphore_mem>>)
    %mul3A_144 = arith.constant 13 : i32
    %mul3A_145 = arith.muli %add3A, %mul3A_144 : i32
    %add3A_146 = arith.constant 8 : i32
    %add3A_147 = arith.addi %mul3A_145, %add3A_146 : i32
    %div3A_148 = arith.constant 16 : i32
    %div3A_149 = arith.divsi %add3A_147, %div3A_148 : i32
    %rem3A_150 = arith.constant 16 : i32
    %rem3A_151 = arith.remsi %add3A_147, %rem3A_150 : i32
    %mul3A_152 = arith.constant 256 : i32
    %mul3A_153 = arith.muli %rem3A_151, %mul3A_152 : i32
    %dma_start3A_154 = arith.constant 2048 : i32
    %dma_start3A_155 = tpu.memref_slice %arg5[%dma_start3A_154] : memref<3328xi32, #tpu.memory_space<vmem>> -> memref<256xi32, #tpu.memory_space<vmem>>
    %dma_start3A_156 = tpu.memref_slice %arg2[%div3A_149, %mul3A_153] : memref<26x4096xi32, #tpu.memory_space<hbm>> -> memref<1x256xi32, #tpu.memory_space<hbm>>
    %dma_start3A_157 = tpu.memref_squeeze %dma_start3A_156 : memref<1x256xi32, #tpu.memory_space<hbm>> -> memref<256xi32, #tpu.memory_space<hbm>>
    %dma_start3A_158 = arith.constant 2048 : i32
    %dma_start3A_159 = tpu.memref_slice %arg5[%dma_start3A_158] : memref<3328xi32, #tpu.memory_space<vmem>> -> memref<256xi32, #tpu.memory_space<vmem>>
    %dma_start3A_160 = tpu.memref_slice %arg2[%div3A_149, %mul3A_153] : memref<26x4096xi32, #tpu.memory_space<hbm>> -> memref<1x256xi32, #tpu.memory_space<hbm>>
    %dma_start3A_161 = tpu.memref_squeeze %dma_start3A_160 : memref<1x256xi32, #tpu.memory_space<hbm>> -> memref<256xi32, #tpu.memory_space<hbm>>
    tpu.enqueue_dma source(%dma_start3A_161 : memref<256xi32, #tpu.memory_space<hbm>>) target(%dma_start3A_159 : memref<256xi32, #tpu.memory_space<vmem>>) target_semaphore(%arg27 : memref<!tpu.dma_semaphore, #tpu.memory_space<semaphore_mem>>)
    %mul3A_162 = arith.constant 13 : i32
    %mul3A_163 = arith.muli %add3A, %mul3A_162 : i32
    %add3A_164 = arith.constant 9 : i32
    %add3A_165 = arith.addi %mul3A_163, %add3A_164 : i32
    %div3A_166 = arith.constant 16 : i32
    %div3A_167 = arith.divsi %add3A_165, %div3A_166 : i32
    %rem3A_168 = arith.constant 16 : i32
    %rem3A_169 = arith.remsi %add3A_165, %rem3A_168 : i32
    %mul3A_170 = arith.constant 256 : i32
    %mul3A_171 = arith.muli %rem3A_169, %mul3A_170 : i32
    %dma_start3A_172 = arith.constant 2304 : i32
    %dma_start3A_173 = tpu.memref_slice %arg5[%dma_start3A_172] : memref<3328xi32, #tpu.memory_space<vmem>> -> memref<256xi32, #tpu.memory_space<vmem>>
    %dma_start3A_174 = tpu.memref_slice %arg2[%div3A_167, %mul3A_171] : memref<26x4096xi32, #tpu.memory_space<hbm>> -> memref<1x256xi32, #tpu.memory_space<hbm>>
    %dma_start3A_175 = tpu.memref_squeeze %dma_start3A_174 : memref<1x256xi32, #tpu.memory_space<hbm>> -> memref<256xi32, #tpu.memory_space<hbm>>
    %dma_start3A_176 = arith.constant 2304 : i32
    %dma_start3A_177 = tpu.memref_slice %arg5[%dma_start3A_176] : memref<3328xi32, #tpu.memory_space<vmem>> -> memref<256xi32, #tpu.memory_space<vmem>>
    %dma_start3A_178 = tpu.memref_slice %arg2[%div3A_167, %mul3A_171] : memref<26x4096xi32, #tpu.memory_space<hbm>> -> memref<1x256xi32, #tpu.memory_space<hbm>>
    %dma_start3A_179 = tpu.memref_squeeze %dma_start3A_178 : memref<1x256xi32, #tpu.memory_space<hbm>> -> memref<256xi32, #tpu.memory_space<hbm>>
    tpu.enqueue_dma source(%dma_start3A_179 : memref<256xi32, #tpu.memory_space<hbm>>) target(%dma_start3A_177 : memref<256xi32, #tpu.memory_space<vmem>>) target_semaphore(%arg27 : memref<!tpu.dma_semaphore, #tpu.memory_space<semaphore_mem>>)
    %mul3A_180 = arith.constant 13 : i32
    %mul3A_181 = arith.muli %add3A, %mul3A_180 : i32
    %add3A_182 = arith.constant 10 : i32
    %add3A_183 = arith.addi %mul3A_181, %add3A_182 : i32
    %div3A_184 = arith.constant 16 : i32
    %div3A_185 = arith.divsi %add3A_183, %div3A_184 : i32
    %rem3A_186 = arith.constant 16 : i32
    %rem3A_187 = arith.remsi %add3A_183, %rem3A_186 : i32
    %mul3A_188 = arith.constant 256 : i32
    %mul3A_189 = arith.muli %rem3A_187, %mul3A_188 : i32
    %dma_start3A_190 = arith.constant 2560 : i32
    %dma_start3A_191 = tpu.memref_slice %arg5[%dma_start3A_190] : memref<3328xi32, #tpu.memory_space<vmem>> -> memref<256xi32, #tpu.memory_space<vmem>>
    %dma_start3A_192 = tpu.memref_slice %arg2[%div3A_185, %mul3A_189] : memref<26x4096xi32, #tpu.memory_space<hbm>> -> memref<1x256xi32, #tpu.memory_space<hbm>>
    %dma_start3A_193 = tpu.memref_squeeze %dma_start3A_192 : memref<1x256xi32, #tpu.memory_space<hbm>> -> memref<256xi32, #tpu.memory_space<hbm>>
    %dma_start3A_194 = arith.constant 2560 : i32
    %dma_start3A_195 = tpu.memref_slice %arg5[%dma_start3A_194] : memref<3328xi32, #tpu.memory_space<vmem>> -> memref<256xi32, #tpu.memory_space<vmem>>
    %dma_start3A_196 = tpu.memref_slice %arg2[%div3A_185, %mul3A_189] : memref<26x4096xi32, #tpu.memory_space<hbm>> -> memref<1x256xi32, #tpu.memory_space<hbm>>
    %dma_start3A_197 = tpu.memref_squeeze %dma_start3A_196 : memref<1x256xi32, #tpu.memory_space<hbm>> -> memref<256xi32, #tpu.memory_space<hbm>>
    tpu.enqueue_dma source(%dma_start3A_197 : memref<256xi32, #tpu.memory_space<hbm>>) target(%dma_start3A_195 : memref<256xi32, #tpu.memory_space<vmem>>) target_semaphore(%arg27 : memref<!tpu.dma_semaphore, #tpu.memory_space<semaphore_mem>>)
    %mul3A_198 = arith.constant 13 : i32
    %mul3A_199 = arith.muli %add3A, %mul3A_198 : i32
    %add3A_200 = arith.constant 11 : i32
    %add3A_201 = arith.addi %mul3A_199, %add3A_200 : i32
    %div3A_202 = arith.constant 16 : i32
    %div3A_203 = arith.divsi %add3A_201, %div3A_202 : i32
    %rem3A_204 = arith.constant 16 : i32
    %rem3A_205 = arith.remsi %add3A_201, %rem3A_204 : i32
    %mul3A_206 = arith.constant 256 : i32
    %mul3A_207 = arith.muli %rem3A_205, %mul3A_206 : i32
    %dma_start3A_208 = arith.constant 2816 : i32
    %dma_start3A_209 = tpu.memref_slice %arg5[%dma_start3A_208] : memref<3328xi32, #tpu.memory_space<vmem>> -> memref<256xi32, #tpu.memory_space<vmem>>
    %dma_start3A_210 = tpu.memref_slice %arg2[%div3A_203, %mul3A_207] : memref<26x4096xi32, #tpu.memory_space<hbm>> -> memref<1x256xi32, #tpu.memory_space<hbm>>
    %dma_start3A_211 = tpu.memref_squeeze %dma_start3A_210 : memref<1x256xi32, #tpu.memory_space<hbm>> -> memref<256xi32, #tpu.memory_space<hbm>>
    %dma_start3A_212 = arith.constant 2816 : i32
    %dma_start3A_213 = tpu.memref_slice %arg5[%dma_start3A_212] : memref<3328xi32, #tpu.memory_space<vmem>> -> memref<256xi32, #tpu.memory_space<vmem>>
    %dma_start3A_214 = tpu.memref_slice %arg2[%div3A_203, %mul3A_207] : memref<26x4096xi32, #tpu.memory_space<hbm>> -> memref<1x256xi32, #tpu.memory_space<hbm>>
    %dma_start3A_215 = tpu.memref_squeeze %dma_start3A_214 : memref<1x256xi32, #tpu.memory_space<hbm>> -> memref<256xi32, #tpu.memory_space<hbm>>
    tpu.enqueue_dma source(%dma_start3A_215 : memref<256xi32, #tpu.memory_space<hbm>>) target(%dma_start3A_213 : memref<256xi32, #tpu.memory_space<vmem>>) target_semaphore(%arg27 : memref<!tpu.dma_semaphore, #tpu.memory_space<semaphore_mem>>)
    %mul3A_216 = arith.constant 13 : i32
    %mul3A_217 = arith.muli %add3A, %mul3A_216 : i32
    %add3A_218 = arith.constant 12 : i32
    %add3A_219 = arith.addi %mul3A_217, %add3A_218 : i32
    %div3A_220 = arith.constant 16 : i32
    %div3A_221 = arith.divsi %add3A_219, %div3A_220 : i32
    %rem3A_222 = arith.constant 16 : i32
    %rem3A_223 = arith.remsi %add3A_219, %rem3A_222 : i32
    %mul3A_224 = arith.constant 256 : i32
    %mul3A_225 = arith.muli %rem3A_223, %mul3A_224 : i32
    %dma_start3A_226 = arith.constant 3072 : i32
    %dma_start3A_227 = tpu.memref_slice %arg5[%dma_start3A_226] : memref<3328xi32, #tpu.memory_space<vmem>> -> memref<256xi32, #tpu.memory_space<vmem>>
    %dma_start3A_228 = tpu.memref_slice %arg2[%div3A_221, %mul3A_225] : memref<26x4096xi32, #tpu.memory_space<hbm>> -> memref<1x256xi32, #tpu.memory_space<hbm>>
    %dma_start3A_229 = tpu.memref_squeeze %dma_start3A_228 : memref<1x256xi32, #tpu.memory_space<hbm>> -> memref<256xi32, #tpu.memory_space<hbm>>
    %dma_start3A_230 = arith.constant 3072 : i32
    %dma_start3A_231 = tpu.memref_slice %arg5[%dma_start3A_230] : memref<3328xi32, #tpu.memory_space<vmem>> -> memref<256xi32, #tpu.memory_space<vmem>>
    %dma_start3A_232 = tpu.memref_slice %arg2[%div3A_221, %mul3A_225] : memref<26x4096xi32, #tpu.memory_space<hbm>> -> memref<1x256xi32, #tpu.memory_space<hbm>>
    %dma_start3A_233 = tpu.memref_squeeze %dma_start3A_232 : memref<1x256xi32, #tpu.memory_space<hbm>> -> memref<256xi32, #tpu.memory_space<hbm>>
    tpu.enqueue_dma source(%dma_start3A_233 : memref<256xi32, #tpu.memory_space<hbm>>) target(%dma_start3A_231 : memref<256xi32, #tpu.memory_space<vmem>>) target_semaphore(%arg27 : memref<!tpu.dma_semaphore, #tpu.memory_space<semaphore_mem>>)
    %dma_wait3A = arith.constant 0 : i32
    %dma_wait3A_234 = arith.constant 0 : i32
    %dma_wait3A_235 = tpu.memref_slice %arg5[%dma_wait3A_234] : memref<3328xi32, #tpu.memory_space<vmem>> -> memref<256xi32, #tpu.memory_space<vmem>>
    %dma_wait3A_236 = arith.constant 0 : i32
    %dma_wait3A_237 = tpu.memref_slice %arg2[%dma_wait3A, %dma_wait3A_236] : memref<26x4096xi32, #tpu.memory_space<hbm>> -> memref<1x256xi32, #tpu.memory_space<hbm>>
    %dma_wait3A_238 = tpu.memref_squeeze %dma_wait3A_237 : memref<1x256xi32, #tpu.memory_space<hbm>> -> memref<256xi32, #tpu.memory_space<hbm>>
    %dma_wait3A_239 = arith.constant 0 : i32
    %dma_wait3A_240 = tpu.memref_slice %arg5[%dma_wait3A_239] : memref<3328xi32, #tpu.memory_space<vmem>> -> memref<256xi32, #tpu.memory_space<vmem>>
    %dma_wait3A_241 = arith.constant 0 : i32
    %dma_wait3A_242 = tpu.memref_slice %arg2[%dma_wait3A, %dma_wait3A_241] : memref<26x4096xi32, #tpu.memory_space<hbm>> -> memref<1x256xi32, #tpu.memory_space<hbm>>
    %dma_wait3A_243 = tpu.memref_squeeze %dma_wait3A_242 : memref<1x256xi32, #tpu.memory_space<hbm>> -> memref<256xi32, #tpu.memory_space<hbm>>
    tpu.wait_dma2 semaphore(%arg28 : memref<!tpu.dma_semaphore, #tpu.memory_space<semaphore_mem>>) src(%dma_wait3A_243 : memref<256xi32, #tpu.memory_space<hbm>>) dst(%dma_wait3A_240 : memref<256xi32, #tpu.memory_space<vmem>>)
    %dma_wait3A_244 = arith.constant 0 : i32
    %dma_wait3A_245 = arith.constant 0 : i32
    %dma_wait3A_246 = tpu.memref_slice %arg5[%dma_wait3A_245] : memref<3328xi32, #tpu.memory_space<vmem>> -> memref<256xi32, #tpu.memory_space<vmem>>
    %dma_wait3A_247 = arith.constant 0 : i32
    %dma_wait3A_248 = tpu.memref_slice %arg2[%dma_wait3A_244, %dma_wait3A_247] : memref<26x4096xi32, #tpu.memory_space<hbm>> -> memref<1x256xi32, #tpu.memory_space<hbm>>
    %dma_wait3A_249 = tpu.memref_squeeze %dma_wait3A_248 : memref<1x256xi32, #tpu.memory_space<hbm>> -> memref<256xi32, #tpu.memory_space<hbm>>
    %dma_wait3A_250 = arith.constant 0 : i32
    %dma_wait3A_251 = tpu.memref_slice %arg5[%dma_wait3A_250] : memref<3328xi32, #tpu.memory_space<vmem>> -> memref<256xi32, #tpu.memory_space<vmem>>
    %dma_wait3A_252 = arith.constant 0 : i32
    %dma_wait3A_253 = tpu.memref_slice %arg2[%dma_wait3A_244, %dma_wait3A_252] : memref<26x4096xi32, #tpu.memory_space<hbm>> -> memref<1x256xi32, #tpu.memory_space<hbm>>
    %dma_wait3A_254 = tpu.memref_squeeze %dma_wait3A_253 : memref<1x256xi32, #tpu.memory_space<hbm>> -> memref<256xi32, #tpu.memory_space<hbm>>
    tpu.wait_dma2 semaphore(%arg28 : memref<!tpu.dma_semaphore, #tpu.memory_space<semaphore_mem>>) src(%dma_wait3A_254 : memref<256xi32, #tpu.memory_space<hbm>>) dst(%dma_wait3A_251 : memref<256xi32, #tpu.memory_space<vmem>>)
    %dma_wait3A_255 = arith.constant 0 : i32
    %dma_wait3A_256 = arith.constant 0 : i32
    %dma_wait3A_257 = tpu.memref_slice %arg5[%dma_wait3A_256] : memref<3328xi32, #tpu.memory_space<vmem>> -> memref<256xi32, #tpu.memory_space<vmem>>
    %dma_wait3A_258 = arith.constant 0 : i32
    %dma_wait3A_259 = tpu.memref_slice %arg2[%dma_wait3A_255, %dma_wait3A_258] : memref<26x4096xi32, #tpu.memory_space<hbm>> -> memref<1x256xi32, #tpu.memory_space<hbm>>
    %dma_wait3A_260 = tpu.memref_squeeze %dma_wait3A_259 : memref<1x256xi32, #tpu.memory_space<hbm>> -> memref<256xi32, #tpu.memory_space<hbm>>
    %dma_wait3A_261 = arith.constant 0 : i32
    %dma_wait3A_262 = tpu.memref_slice %arg5[%dma_wait3A_261] : memref<3328xi32, #tpu.memory_space<vmem>> -> memref<256xi32, #tpu.memory_space<vmem>>
    %dma_wait3A_263 = arith.constant 0 : i32
    %dma_wait3A_264 = tpu.memref_slice %arg2[%dma_wait3A_255, %dma_wait3A_263] : memref<26x4096xi32, #tpu.memory_space<hbm>> -> memref<1x256xi32, #tpu.memory_space<hbm>>
    %dma_wait3A_265 = tpu.memref_squeeze %dma_wait3A_264 : memref<1x256xi32, #tpu.memory_space<hbm>> -> memref<256xi32, #tpu.memory_space<hbm>>
    tpu.wait_dma2 semaphore(%arg28 : memref<!tpu.dma_semaphore, #tpu.memory_space<semaphore_mem>>) src(%dma_wait3A_265 : memref<256xi32, #tpu.memory_space<hbm>>) dst(%dma_wait3A_262 : memref<256xi32, #tpu.memory_space<vmem>>)
    %iota3A = tpu.iota {dimensions = array<i32: 0>} : vector<16xi32>
    %scan3A = arith.constant 0 : i32
    %scan3A_266 = arith.constant 40 : i32
    %scan3A_267 = arith.addi %scan3A, %scan3A_266 : i32
    %scan3A_268 = arith.constant 8 : i32
    scf.for %scan3A_1205 = %scan3A to %scan3A_267 step %scan3A_268  : i32 {
      %mul3A_1206 = arith.constant 1 : i32
      %mul3A_1207 = arith.muli %scan3A_1205, %mul3A_1206 : i32
      %add3A_1208 = arith.constant 0 : i32
      %add3A_1209 = arith.addi %add3A_1208, %mul3A_1207 : i32
      %mul3A_1210 = arith.constant 3328 : i32
      %mul3A_1211 = arith.muli %add3A, %mul3A_1210 : i32
      %mul3A_1212 = arith.constant 16 : i32
      %mul3A_1213 = arith.muli %add3A_1209, %mul3A_1212 : i32
      %add3A_1214 = arith.addi %mul3A_1211, %mul3A_1213 : i32
      %div3A_1215 = arith.constant 4096 : i32
      %div3A_1216 = arith.divsi %add3A_1214, %div3A_1215 : i32
      %mul3A_1217 = arith.constant 100000 : i32
      %mul3A_1218 = arith.muli %div3A_1216, %mul3A_1217 : i32
      %mul3A_1219 = arith.constant 16 : i32
      %mul3A_1220 = arith.muli %add3A_1209, %mul3A_1219 : i32
      %get3A_1221 = arith.index_cast %mul3A_1220 : i32 to index
      %get3A_1222 = tpu.vector_load %arg5[%get3A_1221] {strides = array<i32>} : memref<3328xi32, #tpu.memory_space<vmem>>, vector<16xi32>,
      %get3A_1223 = vector.shape_cast %get3A_1222 : vector<16xi32> to vector<16xi32>
      %add3A_1224 = vector.broadcast %mul3A_1218 : i32 to vector<16xi32>
      %add3A_1225 = arith.addi %get3A_1223, %add3A_1224 : vector<16xi32>
      %mul3A_1226 = arith.constant 16 : i32
      %mul3A_1227 = arith.muli %add3A_1209, %mul3A_1226 : i32
      %swap3A_1228 = arith.index_cast %mul3A_1227 : i32 to index
      %swap3A_1229 = tpu.vector_load %arg5[%swap3A_1228] {strides = array<i32>} : memref<3328xi32, #tpu.memory_space<vmem>>, vector<16xi32>,
      %swap3A_1230 = vector.shape_cast %swap3A_1229 : vector<16xi32> to vector<16xi32>
      %swap3A_1231 = vector.shape_cast %add3A_1225 : vector<16xi32> to vector<16xi32>
      tpu.vector_store %arg5[%swap3A_1228], %swap3A_1231 {strides = array<i32>} : memref<3328xi32, #tpu.memory_space<vmem>>, vector<16xi32>,
      %scan3A_1232 = arith.constant 1 : i32
      %scan3A_1233 = arith.addi %scan3A_1205, %scan3A_1232 : i32
      %mul3A_1234 = arith.constant 1 : i32
      %mul3A_1235 = arith.muli %scan3A_1233, %mul3A_1234 : i32
      %add3A_1236 = arith.constant 0 : i32
      %add3A_1237 = arith.addi %add3A_1236, %mul3A_1235 : i32
      %mul3A_1238 = arith.constant 3328 : i32
      %mul3A_1239 = arith.muli %add3A, %mul3A_1238 : i32
      %mul3A_1240 = arith.constant 16 : i32
      %mul3A_1241 = arith.muli %add3A_1237, %mul3A_1240 : i32
      %add3A_1242 = arith.addi %mul3A_1239, %mul3A_1241 : i32
      %div3A_1243 = arith.constant 4096 : i32
      %div3A_1244 = arith.divsi %add3A_1242, %div3A_1243 : i32
      %mul3A_1245 = arith.constant 100000 : i32
      %mul3A_1246 = arith.muli %div3A_1244, %mul3A_1245 : i32
      %mul3A_1247 = arith.constant 16 : i32
      %mul3A_1248 = arith.muli %add3A_1237, %mul3A_1247 : i32
      %get3A_1249 = arith.index_cast %mul3A_1248 : i32 to index
      %get3A_1250 = tpu.vector_load %arg5[%get3A_1249] {strides = array<i32>} : memref<3328xi32, #tpu.memory_space<vmem>>, vector<16xi32>,
      %get3A_1251 = vector.shape_cast %get3A_1250 : vector<16xi32> to vector<16xi32>
      %add3A_1252 = vector.broadcast %mul3A_1246 : i32 to vector<16xi32>
      %add3A_1253 = arith.addi %get3A_1251, %add3A_1252 : vector<16xi32>
      %mul3A_1254 = arith.constant 16 : i32
      %mul3A_1255 = arith.muli %add3A_1237, %mul3A_1254 : i32
      %swap3A_1256 = arith.index_cast %mul3A_1255 : i32 to index
      %swap3A_1257 = tpu.vector_load %arg5[%swap3A_1256] {strides = array<i32>} : memref<3328xi32, #tpu.memory_space<vmem>>, vector<16xi32>,
      %swap3A_1258 = vector.shape_cast %swap3A_1257 : vector<16xi32> to vector<16xi32>
      %swap3A_1259 = vector.shape_cast %add3A_1253 : vector<16xi32> to vector<16xi32>
      tpu.vector_store %arg5[%swap3A_1256], %swap3A_1259 {strides = array<i32>} : memref<3328xi32, #tpu.memory_space<vmem>>, vector<16xi32>,
      %scan3A_1260 = arith.constant 2 : i32
      %scan3A_1261 = arith.addi %scan3A_1205, %scan3A_1260 : i32
      %mul3A_1262 = arith.constant 1 : i32
      %mul3A_1263 = arith.muli %scan3A_1261, %mul3A_1262 : i32
      %add3A_1264 = arith.constant 0 : i32
      %add3A_1265 = arith.addi %add3A_1264, %mul3A_1263 : i32
      %mul3A_1266 = arith.constant 3328 : i32
      %mul3A_1267 = arith.muli %add3A, %mul3A_1266 : i32
      %mul3A_1268 = arith.constant 16 : i32
      %mul3A_1269 = arith.muli %add3A_1265, %mul3A_1268 : i32
      %add3A_1270 = arith.addi %mul3A_1267, %mul3A_1269 : i32
      %div3A_1271 = arith.constant 4096 : i32
      %div3A_1272 = arith.divsi %add3A_1270, %div3A_1271 : i32
      %mul3A_1273 = arith.constant 100000 : i32
      %mul3A_1274 = arith.muli %div3A_1272, %mul3A_1273 : i32
      %mul3A_1275 = arith.constant 16 : i32
      %mul3A_1276 = arith.muli %add3A_1265, %mul3A_1275 : i32
      %get3A_1277 = arith.index_cast %mul3A_1276 : i32 to index
      %get3A_1278 = tpu.vector_load %arg5[%get3A_1277] {strides = array<i32>} : memref<3328xi32, #tpu.memory_space<vmem>>, vector<16xi32>,
      %get3A_1279 = vector.shape_cast %get3A_1278 : vector<16xi32> to vector<16xi32>
      %add3A_1280 = vector.broadcast %mul3A_1274 : i32 to vector<16xi32>
      %add3A_1281 = arith.addi %get3A_1279, %add3A_1280 : vector<16xi32>
      %mul3A_1282 = arith.constant 16 : i32
      %mul3A_1283 = arith.muli %add3A_1265, %mul3A_1282 : i32
      %swap3A_1284 = arith.index_cast %mul3A_1283 : i32 to index
      %swap3A_1285 = tpu.vector_load %arg5[%swap3A_1284] {strides = array<i32>} : memref<3328xi32, #tpu.memory_space<vmem>>, vector<16xi32>,
      %swap3A_1286 = vector.shape_cast %swap3A_1285 : vector<16xi32> to vector<16xi32>
      %swap3A_1287 = vector.shape_cast %add3A_1281 : vector<16xi32> to vector<16xi32>
      tpu.vector_store %arg5[%swap3A_1284], %swap3A_1287 {strides = array<i32>} : memref<3328xi32, #tpu.memory_space<vmem>>, vector<16xi32>,
      %scan3A_1288 = arith.constant 3 : i32
      %scan3A_1289 = arith.addi %scan3A_1205, %scan3A_1288 : i32
      %mul3A_1290 = arith.constant 1 : i32
      %mul3A_1291 = arith.muli %scan3A_1289, %mul3A_1290 : i32
      %add3A_1292 = arith.constant 0 : i32
      %add3A_1293 = arith.addi %add3A_1292, %mul3A_1291 : i32
      %mul3A_1294 = arith.constant 3328 : i32
      %mul3A_1295 = arith.muli %add3A, %mul3A_1294 : i32
      %mul3A_1296 = arith.constant 16 : i32
      %mul3A_1297 = arith.muli %add3A_1293, %mul3A_1296 : i32
      %add3A_1298 = arith.addi %mul3A_1295, %mul3A_1297 : i32
      %div3A_1299 = arith.constant 4096 : i32
      %div3A_1300 = arith.divsi %add3A_1298, %div3A_1299 : i32
      %mul3A_1301 = arith.constant 100000 : i32
      %mul3A_1302 = arith.muli %div3A_1300, %mul3A_1301 : i32
      %mul3A_1303 = arith.constant 16 : i32
      %mul3A_1304 = arith.muli %add3A_1293, %mul3A_1303 : i32
      %get3A_1305 = arith.index_cast %mul3A_1304 : i32 to index
      %get3A_1306 = tpu.vector_load %arg5[%get3A_1305] {strides = array<i32>} : memref<3328xi32, #tpu.memory_space<vmem>>, vector<16xi32>,
      %get3A_1307 = vector.shape_cast %get3A_1306 : vector<16xi32> to vector<16xi32>
      %add3A_1308 = vector.broadcast %mul3A_1302 : i32 to vector<16xi32>
      %add3A_1309 = arith.addi %get3A_1307, %add3A_1308 : vector<16xi32>
      %mul3A_1310 = arith.constant 16 : i32
      %mul3A_1311 = arith.muli %add3A_1293, %mul3A_1310 : i32
      %swap3A_1312 = arith.index_cast %mul3A_1311 : i32 to index
      %swap3A_1313 = tpu.vector_load %arg5[%swap3A_1312] {strides = array<i32>} : memref<3328xi32, #tpu.memory_space<vmem>>, vector<16xi32>,
      %swap3A_1314 = vector.shape_cast %swap3A_1313 : vector<16xi32> to vector<16xi32>
      %swap3A_1315 = vector.shape_cast %add3A_1309 : vector<16xi32> to vector<16xi32>
      tpu.vector_store %arg5[%swap3A_1312], %swap3A_1315 {strides = array<i32>} : memref<3328xi32, #tpu.memory_space<vmem>>, vector<16xi32>,
      %scan3A_1316 = arith.constant 4 : i32
      %scan3A_1317 = arith.addi %scan3A_1205, %scan3A_1316 : i32
      %mul3A_1318 = arith.constant 1 : i32
      %mul3A_1319 = arith.muli %scan3A_1317, %mul3A_1318 : i32
      %add3A_1320 = arith.constant 0 : i32
      %add3A_1321 = arith.addi %add3A_1320, %mul3A_1319 : i32
      %mul3A_1322 = arith.constant 3328 : i32
      %mul3A_1323 = arith.muli %add3A, %mul3A_1322 : i32
      %mul3A_1324 = arith.constant 16 : i32
      %mul3A_1325 = arith.muli %add3A_1321, %mul3A_1324 : i32
      %add3A_1326 = arith.addi %mul3A_1323, %mul3A_1325 : i32
      %div3A_1327 = arith.constant 4096 : i32
      %div3A_1328 = arith.divsi %add3A_1326, %div3A_1327 : i32
      %mul3A_1329 = arith.constant 100000 : i32
      %mul3A_1330 = arith.muli %div3A_1328, %mul3A_1329 : i32
      %mul3A_1331 = arith.constant 16 : i32
      %mul3A_1332 = arith.muli %add3A_1321, %mul3A_1331 : i32
      %get3A_1333 = arith.index_cast %mul3A_1332 : i32 to index
      %get3A_1334 = tpu.vector_load %arg5[%get3A_1333] {strides = array<i32>} : memref<3328xi32, #tpu.memory_space<vmem>>, vector<16xi32>,
      %get3A_1335 = vector.shape_cast %get3A_1334 : vector<16xi32> to vector<16xi32>
      %add3A_1336 = vector.broadcast %mul3A_1330 : i32 to vector<16xi32>
      %add3A_1337 = arith.addi %get3A_1335, %add3A_1336 : vector<16xi32>
      %mul3A_1338 = arith.constant 16 : i32
      %mul3A_1339 = arith.muli %add3A_1321, %mul3A_1338 : i32
      %swap3A_1340 = arith.index_cast %mul3A_1339 : i32 to index
      %swap3A_1341 = tpu.vector_load %arg5[%swap3A_1340] {strides = array<i32>} : memref<3328xi32, #tpu.memory_space<vmem>>, vector<16xi32>,
      %swap3A_1342 = vector.shape_cast %swap3A_1341 : vector<16xi32> to vector<16xi32>
      %swap3A_1343 = vector.shape_cast %add3A_1337 : vector<16xi32> to vector<16xi32>
      tpu.vector_store %arg5[%swap3A_1340], %swap3A_1343 {strides = array<i32>} : memref<3328xi32, #tpu.memory_space<vmem>>, vector<16xi32>,
      %scan3A_1344 = arith.constant 5 : i32
      %scan3A_1345 = arith.addi %scan3A_1205, %scan3A_1344 : i32
      %mul3A_1346 = arith.constant 1 : i32
      %mul3A_1347 = arith.muli %scan3A_1345, %mul3A_1346 : i32
      %add3A_1348 = arith.constant 0 : i32
      %add3A_1349 = arith.addi %add3A_1348, %mul3A_1347 : i32
      %mul3A_1350 = arith.constant 3328 : i32
      %mul3A_1351 = arith.muli %add3A, %mul3A_1350 : i32
      %mul3A_1352 = arith.constant 16 : i32
      %mul3A_1353 = arith.muli %add3A_1349, %mul3A_1352 : i32
      %add3A_1354 = arith.addi %mul3A_1351, %mul3A_1353 : i32
      %div3A_1355 = arith.constant 4096 : i32
      %div3A_1356 = arith.divsi %add3A_1354, %div3A_1355 : i32
      %mul3A_1357 = arith.constant 100000 : i32
      %mul3A_1358 = arith.muli %div3A_1356, %mul3A_1357 : i32
      %mul3A_1359 = arith.constant 16 : i32
      %mul3A_1360 = arith.muli %add3A_1349, %mul3A_1359 : i32
      %get3A_1361 = arith.index_cast %mul3A_1360 : i32 to index
      %get3A_1362 = tpu.vector_load %arg5[%get3A_1361] {strides = array<i32>} : memref<3328xi32, #tpu.memory_space<vmem>>, vector<16xi32>,
      %get3A_1363 = vector.shape_cast %get3A_1362 : vector<16xi32> to vector<16xi32>
      %add3A_1364 = vector.broadcast %mul3A_1358 : i32 to vector<16xi32>
      %add3A_1365 = arith.addi %get3A_1363, %add3A_1364 : vector<16xi32>
      %mul3A_1366 = arith.constant 16 : i32
      %mul3A_1367 = arith.muli %add3A_1349, %mul3A_1366 : i32
      %swap3A_1368 = arith.index_cast %mul3A_1367 : i32 to index
      %swap3A_1369 = tpu.vector_load %arg5[%swap3A_1368] {strides = array<i32>} : memref<3328xi32, #tpu.memory_space<vmem>>, vector<16xi32>,
      %swap3A_1370 = vector.shape_cast %swap3A_1369 : vector<16xi32> to vector<16xi32>
      %swap3A_1371 = vector.shape_cast %add3A_1365 : vector<16xi32> to vector<16xi32>
      tpu.vector_store %arg5[%swap3A_1368], %swap3A_1371 {strides = array<i32>} : memref<3328xi32, #tpu.memory_space<vmem>>, vector<16xi32>,
      %scan3A_1372 = arith.constant 6 : i32
      %scan3A_1373 = arith.addi %scan3A_1205, %scan3A_1372 : i32
      %mul3A_1374 = arith.constant 1 : i32
      %mul3A_1375 = arith.muli %scan3A_1373, %mul3A_1374 : i32
      %add3A_1376 = arith.constant 0 : i32
      %add3A_1377 = arith.addi %add3A_1376, %mul3A_1375 : i32
      %mul3A_1378 = arith.constant 3328 : i32
      %mul3A_1379 = arith.muli %add3A, %mul3A_1378 : i32
      %mul3A_1380 = arith.constant 16 : i32
      %mul3A_1381 = arith.muli %add3A_1377, %mul3A_1380 : i32
      %add3A_1382 = arith.addi %mul3A_1379, %mul3A_1381 : i32
      %div3A_1383 = arith.constant 4096 : i32
      %div3A_1384 = arith.divsi %add3A_1382, %div3A_1383 : i32
      %mul3A_1385 = arith.constant 100000 : i32
      %mul3A_1386 = arith.muli %div3A_1384, %mul3A_1385 : i32
      %mul3A_1387 = arith.constant 16 : i32
      %mul3A_1388 = arith.muli %add3A_1377, %mul3A_1387 : i32
      %get3A_1389 = arith.index_cast %mul3A_1388 : i32 to index
      %get3A_1390 = tpu.vector_load %arg5[%get3A_1389] {strides = array<i32>} : memref<3328xi32, #tpu.memory_space<vmem>>, vector<16xi32>,
      %get3A_1391 = vector.shape_cast %get3A_1390 : vector<16xi32> to vector<16xi32>
      %add3A_1392 = vector.broadcast %mul3A_1386 : i32 to vector<16xi32>
      %add3A_1393 = arith.addi %get3A_1391, %add3A_1392 : vector<16xi32>
      %mul3A_1394 = arith.constant 16 : i32
      %mul3A_1395 = arith.muli %add3A_1377, %mul3A_1394 : i32
      %swap3A_1396 = arith.index_cast %mul3A_1395 : i32 to index
      %swap3A_1397 = tpu.vector_load %arg5[%swap3A_1396] {strides = array<i32>} : memref<3328xi32, #tpu.memory_space<vmem>>, vector<16xi32>,
      %swap3A_1398 = vector.shape_cast %swap3A_1397 : vector<16xi32> to vector<16xi32>
      %swap3A_1399 = vector.shape_cast %add3A_1393 : vector<16xi32> to vector<16xi32>
      tpu.vector_store %arg5[%swap3A_1396], %swap3A_1399 {strides = array<i32>} : memref<3328xi32, #tpu.memory_space<vmem>>, vector<16xi32>,
      %scan3A_1400 = arith.constant 7 : i32
      %scan3A_1401 = arith.addi %scan3A_1205, %scan3A_1400 : i32
      %mul3A_1402 = arith.constant 1 : i32
      %mul3A_1403 = arith.muli %scan3A_1401, %mul3A_1402 : i32
      %add3A_1404 = arith.constant 0 : i32
      %add3A_1405 = arith.addi %add3A_1404, %mul3A_1403 : i32
      %mul3A_1406 = arith.constant 3328 : i32
      %mul3A_1407 = arith.muli %add3A, %mul3A_1406 : i32
      %mul3A_1408 = arith.constant 16 : i32
      %mul3A_1409 = arith.muli %add3A_1405, %mul3A_1408 : i32
      %add3A_1410 = arith.addi %mul3A_1407, %mul3A_1409 : i32
      %div3A_1411 = arith.constant 4096 : i32
      %div3A_1412 = arith.divsi %add3A_1410, %div3A_1411 : i32
      %mul3A_1413 = arith.constant 100000 : i32
      %mul3A_1414 = arith.muli %div3A_1412, %mul3A_1413 : i32
      %mul3A_1415 = arith.constant 16 : i32
      %mul3A_1416 = arith.muli %add3A_1405, %mul3A_1415 : i32
      %get3A_1417 = arith.index_cast %mul3A_1416 : i32 to index
      %get3A_1418 = tpu.vector_load %arg5[%get3A_1417] {strides = array<i32>} : memref<3328xi32, #tpu.memory_space<vmem>>, vector<16xi32>,
      %get3A_1419 = vector.shape_cast %get3A_1418 : vector<16xi32> to vector<16xi32>
      %add3A_1420 = vector.broadcast %mul3A_1414 : i32 to vector<16xi32>
      %add3A_1421 = arith.addi %get3A_1419, %add3A_1420 : vector<16xi32>
      %mul3A_1422 = arith.constant 16 : i32
      %mul3A_1423 = arith.muli %add3A_1405, %mul3A_1422 : i32
      %swap3A_1424 = arith.index_cast %mul3A_1423 : i32 to index
      %swap3A_1425 = tpu.vector_load %arg5[%swap3A_1424] {strides = array<i32>} : memref<3328xi32, #tpu.memory_space<vmem>>, vector<16xi32>,
      %swap3A_1426 = vector.shape_cast %swap3A_1425 : vector<16xi32> to vector<16xi32>
      %swap3A_1427 = vector.shape_cast %add3A_1421 : vector<16xi32> to vector<16xi32>
      tpu.vector_store %arg5[%swap3A_1424], %swap3A_1427 {strides = array<i32>} : memref<3328xi32, #tpu.memory_space<vmem>>, vector<16xi32>,
    }
    %scan3A_269 = arith.constant 40 : i32
    %scan3A_270 = arith.addi %scan3A, %scan3A_269 : i32
    %mul3A_271 = arith.constant 1 : i32
    %mul3A_272 = arith.muli %scan3A_270, %mul3A_271 : i32
    %add3A_273 = arith.constant 0 : i32
    %add3A_274 = arith.addi %add3A_273, %mul3A_272 : i32
    %mul3A_275 = arith.constant 3328 : i32
    %mul3A_276 = arith.muli %add3A, %mul3A_275 : i32
    %mul3A_277 = arith.constant 16 : i32
    %mul3A_278 = arith.muli %add3A_274, %mul3A_277 : i32
    %add3A_279 = arith.addi %mul3A_276, %mul3A_278 : i32
    %div3A_280 = arith.constant 4096 : i32
    %div3A_281 = arith.divsi %add3A_279, %div3A_280 : i32
    %mul3A_282 = arith.constant 100000 : i32
    %mul3A_283 = arith.muli %div3A_281, %mul3A_282 : i32
    %mul3A_284 = arith.constant 16 : i32
    %mul3A_285 = arith.muli %add3A_274, %mul3A_284 : i32
    %get3A = arith.index_cast %mul3A_285 : i32 to index
    %get3A_286 = tpu.vector_load %arg5[%get3A] {strides = array<i32>} : memref<3328xi32, #tpu.memory_space<vmem>>, vector<16xi32>,
    %get3A_287 = vector.shape_cast %get3A_286 : vector<16xi32> to vector<16xi32>
    %add3A_288 = vector.broadcast %mul3A_283 : i32 to vector<16xi32>
    %add3A_289 = arith.addi %get3A_287, %add3A_288 : vector<16xi32>
    %mul3A_290 = arith.constant 16 : i32
    %mul3A_291 = arith.muli %add3A_274, %mul3A_290 : i32
    %swap3A = arith.index_cast %mul3A_291 : i32 to index
    %swap3A_292 = tpu.vector_load %arg5[%swap3A] {strides = array<i32>} : memref<3328xi32, #tpu.memory_space<vmem>>, vector<16xi32>,
    %swap3A_293 = vector.shape_cast %swap3A_292 : vector<16xi32> to vector<16xi32>
    %swap3A_294 = vector.shape_cast %add3A_289 : vector<16xi32> to vector<16xi32>
    tpu.vector_store %arg5[%swap3A], %swap3A_294 {strides = array<i32>} : memref<3328xi32, #tpu.memory_space<vmem>>, vector<16xi32>,
    %scan3A_295 = arith.constant 41 : i32
    %dma_start3A_296 = arith.constant 0 : i32
    %dma_start3A_297 = tpu.memref_slice %arg5[%dma_start3A_296] : memref<3328xi32, #tpu.memory_space<vmem>> -> memref<128xi32, #tpu.memory_space<vmem>>
    %dma_start3A_298 = arith.constant 0 : i32
    %dma_start3A_299 = arith.constant 0 : i32
    %dma_start3A_300 = tpu.memref_slice %arg3[%dma_start3A_298, %dma_start3A_299] : memref<2600000x128xf32, #tpu.memory_space<hbm>> -> memref<2600000x128xf32, #tpu.memory_space<hbm>>
    tpu.enqueue_indirect_dma source(%dma_start3A_300 : memref<2600000x128xf32, #tpu.memory_space<hbm>>) target(%arg6 : memref<128x128xf32, #tpu.memory_space<vmem>>) offsets(%dma_start3A_297 : memref<128xi32, #tpu.memory_space<vmem>>) semaphore(%arg13 : memref<!tpu.dma_semaphore, #tpu.memory_space<semaphore_mem>>)
    %dma_start3A_301 = arith.constant 128 : i32
    %dma_start3A_302 = tpu.memref_slice %arg5[%dma_start3A_301] : memref<3328xi32, #tpu.memory_space<vmem>> -> memref<128xi32, #tpu.memory_space<vmem>>
    %dma_start3A_303 = arith.constant 0 : i32
    %dma_start3A_304 = arith.constant 0 : i32
    %dma_start3A_305 = tpu.memref_slice %arg3[%dma_start3A_303, %dma_start3A_304] : memref<2600000x128xf32, #tpu.memory_space<hbm>> -> memref<2600000x128xf32, #tpu.memory_space<hbm>>
    tpu.enqueue_indirect_dma source(%dma_start3A_305 : memref<2600000x128xf32, #tpu.memory_space<hbm>>) target(%arg7 : memref<128x128xf32, #tpu.memory_space<vmem>>) offsets(%dma_start3A_302 : memref<128xi32, #tpu.memory_space<vmem>>) semaphore(%arg14 : memref<!tpu.dma_semaphore, #tpu.memory_space<semaphore_mem>>)
    %dma_start3A_306 = arith.constant 256 : i32
    %dma_start3A_307 = tpu.memref_slice %arg5[%dma_start3A_306] : memref<3328xi32, #tpu.memory_space<vmem>> -> memref<128xi32, #tpu.memory_space<vmem>>
    %dma_start3A_308 = arith.constant 0 : i32
    %dma_start3A_309 = arith.constant 0 : i32
    %dma_start3A_310 = tpu.memref_slice %arg3[%dma_start3A_308, %dma_start3A_309] : memref<2600000x128xf32, #tpu.memory_space<hbm>> -> memref<2600000x128xf32, #tpu.memory_space<hbm>>
    tpu.enqueue_indirect_dma source(%dma_start3A_310 : memref<2600000x128xf32, #tpu.memory_space<hbm>>) target(%arg8 : memref<128x128xf32, #tpu.memory_space<vmem>>) offsets(%dma_start3A_307 : memref<128xi32, #tpu.memory_space<vmem>>) semaphore(%arg15 : memref<!tpu.dma_semaphore, #tpu.memory_space<semaphore_mem>>)
    %dma_start3A_311 = arith.constant 384 : i32
    %dma_start3A_312 = tpu.memref_slice %arg5[%dma_start3A_311] : memref<3328xi32, #tpu.memory_space<vmem>> -> memref<128xi32, #tpu.memory_space<vmem>>
    %dma_start3A_313 = arith.constant 0 : i32
    %dma_start3A_314 = arith.constant 0 : i32
    %dma_start3A_315 = tpu.memref_slice %arg3[%dma_start3A_313, %dma_start3A_314] : memref<2600000x128xf32, #tpu.memory_space<hbm>> -> memref<2600000x128xf32, #tpu.memory_space<hbm>>
    tpu.enqueue_indirect_dma source(%dma_start3A_315 : memref<2600000x128xf32, #tpu.memory_space<hbm>>) target(%arg9 : memref<128x128xf32, #tpu.memory_space<vmem>>) offsets(%dma_start3A_312 : memref<128xi32, #tpu.memory_space<vmem>>) semaphore(%arg16 : memref<!tpu.dma_semaphore, #tpu.memory_space<semaphore_mem>>)
    %dma_start3A_316 = arith.constant 512 : i32
    %dma_start3A_317 = tpu.memref_slice %arg5[%dma_start3A_316] : memref<3328xi32, #tpu.memory_space<vmem>> -> memref<128xi32, #tpu.memory_space<vmem>>
    %dma_start3A_318 = arith.constant 0 : i32
    %dma_start3A_319 = arith.constant 0 : i32
    %dma_start3A_320 = tpu.memref_slice %arg3[%dma_start3A_318, %dma_start3A_319] : memref<2600000x128xf32, #tpu.memory_space<hbm>> -> memref<2600000x128xf32, #tpu.memory_space<hbm>>
    tpu.enqueue_indirect_dma source(%dma_start3A_320 : memref<2600000x128xf32, #tpu.memory_space<hbm>>) target(%arg10 : memref<128x128xf32, #tpu.memory_space<vmem>>) offsets(%dma_start3A_317 : memref<128xi32, #tpu.memory_space<vmem>>) semaphore(%arg17 : memref<!tpu.dma_semaphore, #tpu.memory_space<semaphore_mem>>)
    %dma_wait3A_321 = arith.constant 0 : i32
    %dma_wait3A_322 = arith.constant 0 : i32
    %dma_wait3A_323 = tpu.memref_slice %arg5[%dma_wait3A_322] : memref<3328xi32, #tpu.memory_space<vmem>> -> memref<256xi32, #tpu.memory_space<vmem>>
    %dma_wait3A_324 = arith.constant 0 : i32
    %dma_wait3A_325 = tpu.memref_slice %arg2[%dma_wait3A_321, %dma_wait3A_324] : memref<26x4096xi32, #tpu.memory_space<hbm>> -> memref<1x256xi32, #tpu.memory_space<hbm>>
    %dma_wait3A_326 = tpu.memref_squeeze %dma_wait3A_325 : memref<1x256xi32, #tpu.memory_space<hbm>> -> memref<256xi32, #tpu.memory_space<hbm>>
    %dma_wait3A_327 = arith.constant 0 : i32
    %dma_wait3A_328 = tpu.memref_slice %arg5[%dma_wait3A_327] : memref<3328xi32, #tpu.memory_space<vmem>> -> memref<256xi32, #tpu.memory_space<vmem>>
    %dma_wait3A_329 = arith.constant 0 : i32
    %dma_wait3A_330 = tpu.memref_slice %arg2[%dma_wait3A_321, %dma_wait3A_329] : memref<26x4096xi32, #tpu.memory_space<hbm>> -> memref<1x256xi32, #tpu.memory_space<hbm>>
    %dma_wait3A_331 = tpu.memref_squeeze %dma_wait3A_330 : memref<1x256xi32, #tpu.memory_space<hbm>> -> memref<256xi32, #tpu.memory_space<hbm>>
    tpu.wait_dma2 semaphore(%arg27 : memref<!tpu.dma_semaphore, #tpu.memory_space<semaphore_mem>>) src(%dma_wait3A_331 : memref<256xi32, #tpu.memory_space<hbm>>) dst(%dma_wait3A_328 : memref<256xi32, #tpu.memory_space<vmem>>)
    %dma_wait3A_332 = arith.constant 0 : i32
    %dma_wait3A_333 = arith.constant 0 : i32
    %dma_wait3A_334 = tpu.memref_slice %arg5[%dma_wait3A_333] : memref<3328xi32, #tpu.memory_space<vmem>> -> memref<256xi32, #tpu.memory_space<vmem>>
    %dma_wait3A_335 = arith.constant 0 : i32
    %dma_wait3A_336 = tpu.memref_slice %arg2[%dma_wait3A_332, %dma_wait3A_335] : memref<26x4096xi32, #tpu.memory_space<hbm>> -> memref<1x256xi32, #tpu.memory_space<hbm>>
    %dma_wait3A_337 = tpu.memref_squeeze %dma_wait3A_336 : memref<1x256xi32, #tpu.memory_space<hbm>> -> memref<256xi32, #tpu.memory_space<hbm>>
    %dma_wait3A_338 = arith.constant 0 : i32
    %dma_wait3A_339 = tpu.memref_slice %arg5[%dma_wait3A_338] : memref<3328xi32, #tpu.memory_space<vmem>> -> memref<256xi32, #tpu.memory_space<vmem>>
    %dma_wait3A_340 = arith.constant 0 : i32
    %dma_wait3A_341 = tpu.memref_slice %arg2[%dma_wait3A_332, %dma_wait3A_340] : memref<26x4096xi32, #tpu.memory_space<hbm>> -> memref<1x256xi32, #tpu.memory_space<hbm>>
    %dma_wait3A_342 = tpu.memref_squeeze %dma_wait3A_341 : memref<1x256xi32, #tpu.memory_space<hbm>> -> memref<256xi32, #tpu.memory_space<hbm>>
    tpu.wait_dma2 semaphore(%arg27 : memref<!tpu.dma_semaphore, #tpu.memory_space<semaphore_mem>>) src(%dma_wait3A_342 : memref<256xi32, #tpu.memory_space<hbm>>) dst(%dma_wait3A_339 : memref<256xi32, #tpu.memory_space<vmem>>)
    %dma_wait3A_343 = arith.constant 0 : i32
    %dma_wait3A_344 = arith.constant 0 : i32
    %dma_wait3A_345 = tpu.memref_slice %arg5[%dma_wait3A_344] : memref<3328xi32, #tpu.memory_space<vmem>> -> memref<256xi32, #tpu.memory_space<vmem>>
    %dma_wait3A_346 = arith.constant 0 : i32
    %dma_wait3A_347 = tpu.memref_slice %arg2[%dma_wait3A_343, %dma_wait3A_346] : memref<26x4096xi32, #tpu.memory_space<hbm>> -> memref<1x256xi32, #tpu.memory_space<hbm>>
    %dma_wait3A_348 = tpu.memref_squeeze %dma_wait3A_347 : memref<1x256xi32, #tpu.memory_space<hbm>> -> memref<256xi32, #tpu.memory_space<hbm>>
    %dma_wait3A_349 = arith.constant 0 : i32
    %dma_wait3A_350 = tpu.memref_slice %arg5[%dma_wait3A_349] : memref<3328xi32, #tpu.memory_space<vmem>> -> memref<256xi32, #tpu.memory_space<vmem>>
    %dma_wait3A_351 = arith.constant 0 : i32
    %dma_wait3A_352 = tpu.memref_slice %arg2[%dma_wait3A_343, %dma_wait3A_351] : memref<26x4096xi32, #tpu.memory_space<hbm>> -> memref<1x256xi32, #tpu.memory_space<hbm>>
    %dma_wait3A_353 = tpu.memref_squeeze %dma_wait3A_352 : memref<1x256xi32, #tpu.memory_space<hbm>> -> memref<256xi32, #tpu.memory_space<hbm>>
    tpu.wait_dma2 semaphore(%arg27 : memref<!tpu.dma_semaphore, #tpu.memory_space<semaphore_mem>>) src(%dma_wait3A_353 : memref<256xi32, #tpu.memory_space<hbm>>) dst(%dma_wait3A_350 : memref<256xi32, #tpu.memory_space<vmem>>)
    %dma_wait3A_354 = arith.constant 0 : i32
    %dma_wait3A_355 = arith.constant 0 : i32
    %dma_wait3A_356 = tpu.memref_slice %arg5[%dma_wait3A_355] : memref<3328xi32, #tpu.memory_space<vmem>> -> memref<256xi32, #tpu.memory_space<vmem>>
    %dma_wait3A_357 = arith.constant 0 : i32
    %dma_wait3A_358 = tpu.memref_slice %arg2[%dma_wait3A_354, %dma_wait3A_357] : memref<26x4096xi32, #tpu.memory_space<hbm>> -> memref<1x256xi32, #tpu.memory_space<hbm>>
    %dma_wait3A_359 = tpu.memref_squeeze %dma_wait3A_358 : memref<1x256xi32, #tpu.memory_space<hbm>> -> memref<256xi32, #tpu.memory_space<hbm>>
    %dma_wait3A_360 = arith.constant 0 : i32
    %dma_wait3A_361 = tpu.memref_slice %arg5[%dma_wait3A_360] : memref<3328xi32, #tpu.memory_space<vmem>> -> memref<256xi32, #tpu.memory_space<vmem>>
    %dma_wait3A_362 = arith.constant 0 : i32
    %dma_wait3A_363 = tpu.memref_slice %arg2[%dma_wait3A_354, %dma_wait3A_362] : memref<26x4096xi32, #tpu.memory_space<hbm>> -> memref<1x256xi32, #tpu.memory_space<hbm>>
    %dma_wait3A_364 = tpu.memref_squeeze %dma_wait3A_363 : memref<1x256xi32, #tpu.memory_space<hbm>> -> memref<256xi32, #tpu.memory_space<hbm>>
    tpu.wait_dma2 semaphore(%arg27 : memref<!tpu.dma_semaphore, #tpu.memory_space<semaphore_mem>>) src(%dma_wait3A_364 : memref<256xi32, #tpu.memory_space<hbm>>) dst(%dma_wait3A_361 : memref<256xi32, #tpu.memory_space<vmem>>)
    %dma_wait3A_365 = arith.constant 0 : i32
    %dma_wait3A_366 = arith.constant 0 : i32
    %dma_wait3A_367 = tpu.memref_slice %arg5[%dma_wait3A_366] : memref<3328xi32, #tpu.memory_space<vmem>> -> memref<256xi32, #tpu.memory_space<vmem>>
    %dma_wait3A_368 = arith.constant 0 : i32
    %dma_wait3A_369 = tpu.memref_slice %arg2[%dma_wait3A_365, %dma_wait3A_368] : memref<26x4096xi32, #tpu.memory_space<hbm>> -> memref<1x256xi32, #tpu.memory_space<hbm>>
    %dma_wait3A_370 = tpu.memref_squeeze %dma_wait3A_369 : memref<1x256xi32, #tpu.memory_space<hbm>> -> memref<256xi32, #tpu.memory_space<hbm>>
    %dma_wait3A_371 = arith.constant 0 : i32
    %dma_wait3A_372 = tpu.memref_slice %arg5[%dma_wait3A_371] : memref<3328xi32, #tpu.memory_space<vmem>> -> memref<256xi32, #tpu.memory_space<vmem>>
    %dma_wait3A_373 = arith.constant 0 : i32
    %dma_wait3A_374 = tpu.memref_slice %arg2[%dma_wait3A_365, %dma_wait3A_373] : memref<26x4096xi32, #tpu.memory_space<hbm>> -> memref<1x256xi32, #tpu.memory_space<hbm>>
    %dma_wait3A_375 = tpu.memref_squeeze %dma_wait3A_374 : memref<1x256xi32, #tpu.memory_space<hbm>> -> memref<256xi32, #tpu.memory_space<hbm>>
    tpu.wait_dma2 semaphore(%arg27 : memref<!tpu.dma_semaphore, #tpu.memory_space<semaphore_mem>>) src(%dma_wait3A_375 : memref<256xi32, #tpu.memory_space<hbm>>) dst(%dma_wait3A_372 : memref<256xi32, #tpu.memory_space<vmem>>)
    %dma_wait3A_376 = arith.constant 0 : i32
    %dma_wait3A_377 = arith.constant 0 : i32
    %dma_wait3A_378 = tpu.memref_slice %arg5[%dma_wait3A_377] : memref<3328xi32, #tpu.memory_space<vmem>> -> memref<256xi32, #tpu.memory_space<vmem>>
    %dma_wait3A_379 = arith.constant 0 : i32
    %dma_wait3A_380 = tpu.memref_slice %arg2[%dma_wait3A_376, %dma_wait3A_379] : memref<26x4096xi32, #tpu.memory_space<hbm>> -> memref<1x256xi32, #tpu.memory_space<hbm>>
    %dma_wait3A_381 = tpu.memref_squeeze %dma_wait3A_380 : memref<1x256xi32, #tpu.memory_space<hbm>> -> memref<256xi32, #tpu.memory_space<hbm>>
    %dma_wait3A_382 = arith.constant 0 : i32
    %dma_wait3A_383 = tpu.memref_slice %arg5[%dma_wait3A_382] : memref<3328xi32, #tpu.memory_space<vmem>> -> memref<256xi32, #tpu.memory_space<vmem>>
    %dma_wait3A_384 = arith.constant 0 : i32
    %dma_wait3A_385 = tpu.memref_slice %arg2[%dma_wait3A_376, %dma_wait3A_384] : memref<26x4096xi32, #tpu.memory_space<hbm>> -> memref<1x256xi32, #tpu.memory_space<hbm>>
    %dma_wait3A_386 = tpu.memref_squeeze %dma_wait3A_385 : memref<1x256xi32, #tpu.memory_space<hbm>> -> memref<256xi32, #tpu.memory_space<hbm>>
    tpu.wait_dma2 semaphore(%arg27 : memref<!tpu.dma_semaphore, #tpu.memory_space<semaphore_mem>>) src(%dma_wait3A_386 : memref<256xi32, #tpu.memory_space<hbm>>) dst(%dma_wait3A_383 : memref<256xi32, #tpu.memory_space<vmem>>)
    %dma_wait3A_387 = arith.constant 0 : i32
    %dma_wait3A_388 = arith.constant 0 : i32
    %dma_wait3A_389 = tpu.memref_slice %arg5[%dma_wait3A_388] : memref<3328xi32, #tpu.memory_space<vmem>> -> memref<256xi32, #tpu.memory_space<vmem>>
    %dma_wait3A_390 = arith.constant 0 : i32
    %dma_wait3A_391 = tpu.memref_slice %arg2[%dma_wait3A_387, %dma_wait3A_390] : memref<26x4096xi32, #tpu.memory_space<hbm>> -> memref<1x256xi32, #tpu.memory_space<hbm>>
    %dma_wait3A_392 = tpu.memref_squeeze %dma_wait3A_391 : memref<1x256xi32, #tpu.memory_space<hbm>> -> memref<256xi32, #tpu.memory_space<hbm>>
    %dma_wait3A_393 = arith.constant 0 : i32
    %dma_wait3A_394 = tpu.memref_slice %arg5[%dma_wait3A_393] : memref<3328xi32, #tpu.memory_space<vmem>> -> memref<256xi32, #tpu.memory_space<vmem>>
    %dma_wait3A_395 = arith.constant 0 : i32
    %dma_wait3A_396 = tpu.memref_slice %arg2[%dma_wait3A_387, %dma_wait3A_395] : memref<26x4096xi32, #tpu.memory_space<hbm>> -> memref<1x256xi32, #tpu.memory_space<hbm>>
    %dma_wait3A_397 = tpu.memref_squeeze %dma_wait3A_396 : memref<1x256xi32, #tpu.memory_space<hbm>> -> memref<256xi32, #tpu.memory_space<hbm>>
    tpu.wait_dma2 semaphore(%arg27 : memref<!tpu.dma_semaphore, #tpu.memory_space<semaphore_mem>>) src(%dma_wait3A_397 : memref<256xi32, #tpu.memory_space<hbm>>) dst(%dma_wait3A_394 : memref<256xi32, #tpu.memory_space<vmem>>)
    %dma_wait3A_398 = arith.constant 0 : i32
    %dma_wait3A_399 = arith.constant 0 : i32
    %dma_wait3A_400 = tpu.memref_slice %arg5[%dma_wait3A_399] : memref<3328xi32, #tpu.memory_space<vmem>> -> memref<256xi32, #tpu.memory_space<vmem>>
    %dma_wait3A_401 = arith.constant 0 : i32
    %dma_wait3A_402 = tpu.memref_slice %arg2[%dma_wait3A_398, %dma_wait3A_401] : memref<26x4096xi32, #tpu.memory_space<hbm>> -> memref<1x256xi32, #tpu.memory_space<hbm>>
    %dma_wait3A_403 = tpu.memref_squeeze %dma_wait3A_402 : memref<1x256xi32, #tpu.memory_space<hbm>> -> memref<256xi32, #tpu.memory_space<hbm>>
    %dma_wait3A_404 = arith.constant 0 : i32
    %dma_wait3A_405 = tpu.memref_slice %arg5[%dma_wait3A_404] : memref<3328xi32, #tpu.memory_space<vmem>> -> memref<256xi32, #tpu.memory_space<vmem>>
    %dma_wait3A_406 = arith.constant 0 : i32
    %dma_wait3A_407 = tpu.memref_slice %arg2[%dma_wait3A_398, %dma_wait3A_406] : memref<26x4096xi32, #tpu.memory_space<hbm>> -> memref<1x256xi32, #tpu.memory_space<hbm>>
    %dma_wait3A_408 = tpu.memref_squeeze %dma_wait3A_407 : memref<1x256xi32, #tpu.memory_space<hbm>> -> memref<256xi32, #tpu.memory_space<hbm>>
    tpu.wait_dma2 semaphore(%arg27 : memref<!tpu.dma_semaphore, #tpu.memory_space<semaphore_mem>>) src(%dma_wait3A_408 : memref<256xi32, #tpu.memory_space<hbm>>) dst(%dma_wait3A_405 : memref<256xi32, #tpu.memory_space<vmem>>)
    %dma_wait3A_409 = arith.constant 0 : i32
    %dma_wait3A_410 = arith.constant 0 : i32
    %dma_wait3A_411 = tpu.memref_slice %arg5[%dma_wait3A_410] : memref<3328xi32, #tpu.memory_space<vmem>> -> memref<256xi32, #tpu.memory_space<vmem>>
    %dma_wait3A_412 = arith.constant 0 : i32
    %dma_wait3A_413 = tpu.memref_slice %arg2[%dma_wait3A_409, %dma_wait3A_412] : memref<26x4096xi32, #tpu.memory_space<hbm>> -> memref<1x256xi32, #tpu.memory_space<hbm>>
    %dma_wait3A_414 = tpu.memref_squeeze %dma_wait3A_413 : memref<1x256xi32, #tpu.memory_space<hbm>> -> memref<256xi32, #tpu.memory_space<hbm>>
    %dma_wait3A_415 = arith.constant 0 : i32
    %dma_wait3A_416 = tpu.memref_slice %arg5[%dma_wait3A_415] : memref<3328xi32, #tpu.memory_space<vmem>> -> memref<256xi32, #tpu.memory_space<vmem>>
    %dma_wait3A_417 = arith.constant 0 : i32
    %dma_wait3A_418 = tpu.memref_slice %arg2[%dma_wait3A_409, %dma_wait3A_417] : memref<26x4096xi32, #tpu.memory_space<hbm>> -> memref<1x256xi32, #tpu.memory_space<hbm>>
    %dma_wait3A_419 = tpu.memref_squeeze %dma_wait3A_418 : memref<1x256xi32, #tpu.memory_space<hbm>> -> memref<256xi32, #tpu.memory_space<hbm>>
    tpu.wait_dma2 semaphore(%arg27 : memref<!tpu.dma_semaphore, #tpu.memory_space<semaphore_mem>>) src(%dma_wait3A_419 : memref<256xi32, #tpu.memory_space<hbm>>) dst(%dma_wait3A_416 : memref<256xi32, #tpu.memory_space<vmem>>)
    %dma_wait3A_420 = arith.constant 0 : i32
    %dma_wait3A_421 = arith.constant 0 : i32
    %dma_wait3A_422 = tpu.memref_slice %arg5[%dma_wait3A_421] : memref<3328xi32, #tpu.memory_space<vmem>> -> memref<256xi32, #tpu.memory_space<vmem>>
    %dma_wait3A_423 = arith.constant 0 : i32
    %dma_wait3A_424 = tpu.memref_slice %arg2[%dma_wait3A_420, %dma_wait3A_423] : memref<26x4096xi32, #tpu.memory_space<hbm>> -> memref<1x256xi32, #tpu.memory_space<hbm>>
    %dma_wait3A_425 = tpu.memref_squeeze %dma_wait3A_424 : memref<1x256xi32, #tpu.memory_space<hbm>> -> memref<256xi32, #tpu.memory_space<hbm>>
    %dma_wait3A_426 = arith.constant 0 : i32
    %dma_wait3A_427 = tpu.memref_slice %arg5[%dma_wait3A_426] : memref<3328xi32, #tpu.memory_space<vmem>> -> memref<256xi32, #tpu.memory_space<vmem>>
    %dma_wait3A_428 = arith.constant 0 : i32
    %dma_wait3A_429 = tpu.memref_slice %arg2[%dma_wait3A_420, %dma_wait3A_428] : memref<26x4096xi32, #tpu.memory_space<hbm>> -> memref<1x256xi32, #tpu.memory_space<hbm>>
    %dma_wait3A_430 = tpu.memref_squeeze %dma_wait3A_429 : memref<1x256xi32, #tpu.memory_space<hbm>> -> memref<256xi32, #tpu.memory_space<hbm>>
    tpu.wait_dma2 semaphore(%arg27 : memref<!tpu.dma_semaphore, #tpu.memory_space<semaphore_mem>>) src(%dma_wait3A_430 : memref<256xi32, #tpu.memory_space<hbm>>) dst(%dma_wait3A_427 : memref<256xi32, #tpu.memory_space<vmem>>)
    %scan3A_431 = arith.constant 0 : i32
    %scan3A_432 = arith.constant 160 : i32
    %scan3A_433 = arith.addi %scan3A_431, %scan3A_432 : i32
    %scan3A_434 = arith.constant 8 : i32
    scf.for %scan3A_1205 = %scan3A_431 to %scan3A_433 step %scan3A_434  : i32 {
      %mul3A_1206 = arith.constant 1 : i32
      %mul3A_1207 = arith.muli %scan3A_1205, %mul3A_1206 : i32
      %add3A_1208 = arith.constant 41 : i32
      %add3A_1209 = arith.addi %add3A_1208, %mul3A_1207 : i32
      %mul3A_1210 = arith.constant 3328 : i32
      %mul3A_1211 = arith.muli %add3A, %mul3A_1210 : i32
      %mul3A_1212 = arith.constant 16 : i32
      %mul3A_1213 = arith.muli %add3A_1209, %mul3A_1212 : i32
      %add3A_1214 = arith.addi %mul3A_1211, %mul3A_1213 : i32
      %div3A_1215 = arith.constant 4096 : i32
      %div3A_1216 = arith.divsi %add3A_1214, %div3A_1215 : i32
      %mul3A_1217 = arith.constant 100000 : i32
      %mul3A_1218 = arith.muli %div3A_1216, %mul3A_1217 : i32
      %mul3A_1219 = arith.constant 16 : i32
      %mul3A_1220 = arith.muli %add3A_1209, %mul3A_1219 : i32
      %get3A_1221 = arith.index_cast %mul3A_1220 : i32 to index
      %get3A_1222 = tpu.vector_load %arg5[%get3A_1221] {strides = array<i32>} : memref<3328xi32, #tpu.memory_space<vmem>>, vector<16xi32>,
      %get3A_1223 = vector.shape_cast %get3A_1222 : vector<16xi32> to vector<16xi32>
      %add3A_1224 = vector.broadcast %mul3A_1218 : i32 to vector<16xi32>
      %add3A_1225 = arith.addi %get3A_1223, %add3A_1224 : vector<16xi32>
      %mul3A_1226 = arith.constant 16 : i32
      %mul3A_1227 = arith.muli %add3A_1209, %mul3A_1226 : i32
      %swap3A_1228 = arith.index_cast %mul3A_1227 : i32 to index
      %swap3A_1229 = tpu.vector_load %arg5[%swap3A_1228] {strides = array<i32>} : memref<3328xi32, #tpu.memory_space<vmem>>, vector<16xi32>,
      %swap3A_1230 = vector.shape_cast %swap3A_1229 : vector<16xi32> to vector<16xi32>
      %swap3A_1231 = vector.shape_cast %add3A_1225 : vector<16xi32> to vector<16xi32>
      tpu.vector_store %arg5[%swap3A_1228], %swap3A_1231 {strides = array<i32>} : memref<3328xi32, #tpu.memory_space<vmem>>, vector<16xi32>,
      %scan3A_1232 = arith.constant 1 : i32
      %scan3A_1233 = arith.addi %scan3A_1205, %scan3A_1232 : i32
      %mul3A_1234 = arith.constant 1 : i32
      %mul3A_1235 = arith.muli %scan3A_1233, %mul3A_1234 : i32
      %add3A_1236 = arith.constant 41 : i32
      %add3A_1237 = arith.addi %add3A_1236, %mul3A_1235 : i32
      %mul3A_1238 = arith.constant 3328 : i32
      %mul3A_1239 = arith.muli %add3A, %mul3A_1238 : i32
      %mul3A_1240 = arith.constant 16 : i32
      %mul3A_1241 = arith.muli %add3A_1237, %mul3A_1240 : i32
      %add3A_1242 = arith.addi %mul3A_1239, %mul3A_1241 : i32
      %div3A_1243 = arith.constant 4096 : i32
      %div3A_1244 = arith.divsi %add3A_1242, %div3A_1243 : i32
      %mul3A_1245 = arith.constant 100000 : i32
      %mul3A_1246 = arith.muli %div3A_1244, %mul3A_1245 : i32
      %mul3A_1247 = arith.constant 16 : i32
      %mul3A_1248 = arith.muli %add3A_1237, %mul3A_1247 : i32
      %get3A_1249 = arith.index_cast %mul3A_1248 : i32 to index
      %get3A_1250 = tpu.vector_load %arg5[%get3A_1249] {strides = array<i32>} : memref<3328xi32, #tpu.memory_space<vmem>>, vector<16xi32>,
      %get3A_1251 = vector.shape_cast %get3A_1250 : vector<16xi32> to vector<16xi32>
      %add3A_1252 = vector.broadcast %mul3A_1246 : i32 to vector<16xi32>
      %add3A_1253 = arith.addi %get3A_1251, %add3A_1252 : vector<16xi32>
      %mul3A_1254 = arith.constant 16 : i32
      %mul3A_1255 = arith.muli %add3A_1237, %mul3A_1254 : i32
      %swap3A_1256 = arith.index_cast %mul3A_1255 : i32 to index
      %swap3A_1257 = tpu.vector_load %arg5[%swap3A_1256] {strides = array<i32>} : memref<3328xi32, #tpu.memory_space<vmem>>, vector<16xi32>,
      %swap3A_1258 = vector.shape_cast %swap3A_1257 : vector<16xi32> to vector<16xi32>
      %swap3A_1259 = vector.shape_cast %add3A_1253 : vector<16xi32> to vector<16xi32>
      tpu.vector_store %arg5[%swap3A_1256], %swap3A_1259 {strides = array<i32>} : memref<3328xi32, #tpu.memory_space<vmem>>, vector<16xi32>,
      %scan3A_1260 = arith.constant 2 : i32
      %scan3A_1261 = arith.addi %scan3A_1205, %scan3A_1260 : i32
      %mul3A_1262 = arith.constant 1 : i32
      %mul3A_1263 = arith.muli %scan3A_1261, %mul3A_1262 : i32
      %add3A_1264 = arith.constant 41 : i32
      %add3A_1265 = arith.addi %add3A_1264, %mul3A_1263 : i32
      %mul3A_1266 = arith.constant 3328 : i32
      %mul3A_1267 = arith.muli %add3A, %mul3A_1266 : i32
      %mul3A_1268 = arith.constant 16 : i32
      %mul3A_1269 = arith.muli %add3A_1265, %mul3A_1268 : i32
      %add3A_1270 = arith.addi %mul3A_1267, %mul3A_1269 : i32
      %div3A_1271 = arith.constant 4096 : i32
      %div3A_1272 = arith.divsi %add3A_1270, %div3A_1271 : i32
      %mul3A_1273 = arith.constant 100000 : i32
      %mul3A_1274 = arith.muli %div3A_1272, %mul3A_1273 : i32
      %mul3A_1275 = arith.constant 16 : i32
      %mul3A_1276 = arith.muli %add3A_1265, %mul3A_1275 : i32
      %get3A_1277 = arith.index_cast %mul3A_1276 : i32 to index
      %get3A_1278 = tpu.vector_load %arg5[%get3A_1277] {strides = array<i32>} : memref<3328xi32, #tpu.memory_space<vmem>>, vector<16xi32>,
      %get3A_1279 = vector.shape_cast %get3A_1278 : vector<16xi32> to vector<16xi32>
      %add3A_1280 = vector.broadcast %mul3A_1274 : i32 to vector<16xi32>
      %add3A_1281 = arith.addi %get3A_1279, %add3A_1280 : vector<16xi32>
      %mul3A_1282 = arith.constant 16 : i32
      %mul3A_1283 = arith.muli %add3A_1265, %mul3A_1282 : i32
      %swap3A_1284 = arith.index_cast %mul3A_1283 : i32 to index
      %swap3A_1285 = tpu.vector_load %arg5[%swap3A_1284] {strides = array<i32>} : memref<3328xi32, #tpu.memory_space<vmem>>, vector<16xi32>,
      %swap3A_1286 = vector.shape_cast %swap3A_1285 : vector<16xi32> to vector<16xi32>
      %swap3A_1287 = vector.shape_cast %add3A_1281 : vector<16xi32> to vector<16xi32>
      tpu.vector_store %arg5[%swap3A_1284], %swap3A_1287 {strides = array<i32>} : memref<3328xi32, #tpu.memory_space<vmem>>, vector<16xi32>,
      %scan3A_1288 = arith.constant 3 : i32
      %scan3A_1289 = arith.addi %scan3A_1205, %scan3A_1288 : i32
      %mul3A_1290 = arith.constant 1 : i32
      %mul3A_1291 = arith.muli %scan3A_1289, %mul3A_1290 : i32
      %add3A_1292 = arith.constant 41 : i32
      %add3A_1293 = arith.addi %add3A_1292, %mul3A_1291 : i32
      %mul3A_1294 = arith.constant 3328 : i32
      %mul3A_1295 = arith.muli %add3A, %mul3A_1294 : i32
      %mul3A_1296 = arith.constant 16 : i32
      %mul3A_1297 = arith.muli %add3A_1293, %mul3A_1296 : i32
      %add3A_1298 = arith.addi %mul3A_1295, %mul3A_1297 : i32
      %div3A_1299 = arith.constant 4096 : i32
      %div3A_1300 = arith.divsi %add3A_1298, %div3A_1299 : i32
      %mul3A_1301 = arith.constant 100000 : i32
      %mul3A_1302 = arith.muli %div3A_1300, %mul3A_1301 : i32
      %mul3A_1303 = arith.constant 16 : i32
      %mul3A_1304 = arith.muli %add3A_1293, %mul3A_1303 : i32
      %get3A_1305 = arith.index_cast %mul3A_1304 : i32 to index
      %get3A_1306 = tpu.vector_load %arg5[%get3A_1305] {strides = array<i32>} : memref<3328xi32, #tpu.memory_space<vmem>>, vector<16xi32>,
      %get3A_1307 = vector.shape_cast %get3A_1306 : vector<16xi32> to vector<16xi32>
      %add3A_1308 = vector.broadcast %mul3A_1302 : i32 to vector<16xi32>
      %add3A_1309 = arith.addi %get3A_1307, %add3A_1308 : vector<16xi32>
      %mul3A_1310 = arith.constant 16 : i32
      %mul3A_1311 = arith.muli %add3A_1293, %mul3A_1310 : i32
      %swap3A_1312 = arith.index_cast %mul3A_1311 : i32 to index
      %swap3A_1313 = tpu.vector_load %arg5[%swap3A_1312] {strides = array<i32>} : memref<3328xi32, #tpu.memory_space<vmem>>, vector<16xi32>,
      %swap3A_1314 = vector.shape_cast %swap3A_1313 : vector<16xi32> to vector<16xi32>
      %swap3A_1315 = vector.shape_cast %add3A_1309 : vector<16xi32> to vector<16xi32>
      tpu.vector_store %arg5[%swap3A_1312], %swap3A_1315 {strides = array<i32>} : memref<3328xi32, #tpu.memory_space<vmem>>, vector<16xi32>,
      %scan3A_1316 = arith.constant 4 : i32
      %scan3A_1317 = arith.addi %scan3A_1205, %scan3A_1316 : i32
      %mul3A_1318 = arith.constant 1 : i32
      %mul3A_1319 = arith.muli %scan3A_1317, %mul3A_1318 : i32
      %add3A_1320 = arith.constant 41 : i32
      %add3A_1321 = arith.addi %add3A_1320, %mul3A_1319 : i32
      %mul3A_1322 = arith.constant 3328 : i32
      %mul3A_1323 = arith.muli %add3A, %mul3A_1322 : i32
      %mul3A_1324 = arith.constant 16 : i32
      %mul3A_1325 = arith.muli %add3A_1321, %mul3A_1324 : i32
      %add3A_1326 = arith.addi %mul3A_1323, %mul3A_1325 : i32
      %div3A_1327 = arith.constant 4096 : i32
      %div3A_1328 = arith.divsi %add3A_1326, %div3A_1327 : i32
      %mul3A_1329 = arith.constant 100000 : i32
      %mul3A_1330 = arith.muli %div3A_1328, %mul3A_1329 : i32
      %mul3A_1331 = arith.constant 16 : i32
      %mul3A_1332 = arith.muli %add3A_1321, %mul3A_1331 : i32
      %get3A_1333 = arith.index_cast %mul3A_1332 : i32 to index
      %get3A_1334 = tpu.vector_load %arg5[%get3A_1333] {strides = array<i32>} : memref<3328xi32, #tpu.memory_space<vmem>>, vector<16xi32>,
      %get3A_1335 = vector.shape_cast %get3A_1334 : vector<16xi32> to vector<16xi32>
      %add3A_1336 = vector.broadcast %mul3A_1330 : i32 to vector<16xi32>
      %add3A_1337 = arith.addi %get3A_1335, %add3A_1336 : vector<16xi32>
      %mul3A_1338 = arith.constant 16 : i32
      %mul3A_1339 = arith.muli %add3A_1321, %mul3A_1338 : i32
      %swap3A_1340 = arith.index_cast %mul3A_1339 : i32 to index
      %swap3A_1341 = tpu.vector_load %arg5[%swap3A_1340] {strides = array<i32>} : memref<3328xi32, #tpu.memory_space<vmem>>, vector<16xi32>,
      %swap3A_1342 = vector.shape_cast %swap3A_1341 : vector<16xi32> to vector<16xi32>
      %swap3A_1343 = vector.shape_cast %add3A_1337 : vector<16xi32> to vector<16xi32>
      tpu.vector_store %arg5[%swap3A_1340], %swap3A_1343 {strides = array<i32>} : memref<3328xi32, #tpu.memory_space<vmem>>, vector<16xi32>,
      %scan3A_1344 = arith.constant 5 : i32
      %scan3A_1345 = arith.addi %scan3A_1205, %scan3A_1344 : i32
      %mul3A_1346 = arith.constant 1 : i32
      %mul3A_1347 = arith.muli %scan3A_1345, %mul3A_1346 : i32
      %add3A_1348 = arith.constant 41 : i32
      %add3A_1349 = arith.addi %add3A_1348, %mul3A_1347 : i32
      %mul3A_1350 = arith.constant 3328 : i32
      %mul3A_1351 = arith.muli %add3A, %mul3A_1350 : i32
      %mul3A_1352 = arith.constant 16 : i32
      %mul3A_1353 = arith.muli %add3A_1349, %mul3A_1352 : i32
      %add3A_1354 = arith.addi %mul3A_1351, %mul3A_1353 : i32
      %div3A_1355 = arith.constant 4096 : i32
      %div3A_1356 = arith.divsi %add3A_1354, %div3A_1355 : i32
      %mul3A_1357 = arith.constant 100000 : i32
      %mul3A_1358 = arith.muli %div3A_1356, %mul3A_1357 : i32
      %mul3A_1359 = arith.constant 16 : i32
      %mul3A_1360 = arith.muli %add3A_1349, %mul3A_1359 : i32
      %get3A_1361 = arith.index_cast %mul3A_1360 : i32 to index
      %get3A_1362 = tpu.vector_load %arg5[%get3A_1361] {strides = array<i32>} : memref<3328xi32, #tpu.memory_space<vmem>>, vector<16xi32>,
      %get3A_1363 = vector.shape_cast %get3A_1362 : vector<16xi32> to vector<16xi32>
      %add3A_1364 = vector.broadcast %mul3A_1358 : i32 to vector<16xi32>
      %add3A_1365 = arith.addi %get3A_1363, %add3A_1364 : vector<16xi32>
      %mul3A_1366 = arith.constant 16 : i32
      %mul3A_1367 = arith.muli %add3A_1349, %mul3A_1366 : i32
      %swap3A_1368 = arith.index_cast %mul3A_1367 : i32 to index
      %swap3A_1369 = tpu.vector_load %arg5[%swap3A_1368] {strides = array<i32>} : memref<3328xi32, #tpu.memory_space<vmem>>, vector<16xi32>,
      %swap3A_1370 = vector.shape_cast %swap3A_1369 : vector<16xi32> to vector<16xi32>
      %swap3A_1371 = vector.shape_cast %add3A_1365 : vector<16xi32> to vector<16xi32>
      tpu.vector_store %arg5[%swap3A_1368], %swap3A_1371 {strides = array<i32>} : memref<3328xi32, #tpu.memory_space<vmem>>, vector<16xi32>,
      %scan3A_1372 = arith.constant 6 : i32
      %scan3A_1373 = arith.addi %scan3A_1205, %scan3A_1372 : i32
      %mul3A_1374 = arith.constant 1 : i32
      %mul3A_1375 = arith.muli %scan3A_1373, %mul3A_1374 : i32
      %add3A_1376 = arith.constant 41 : i32
      %add3A_1377 = arith.addi %add3A_1376, %mul3A_1375 : i32
      %mul3A_1378 = arith.constant 3328 : i32
      %mul3A_1379 = arith.muli %add3A, %mul3A_1378 : i32
      %mul3A_1380 = arith.constant 16 : i32
      %mul3A_1381 = arith.muli %add3A_1377, %mul3A_1380 : i32
      %add3A_1382 = arith.addi %mul3A_1379, %mul3A_1381 : i32
      %div3A_1383 = arith.constant 4096 : i32
      %div3A_1384 = arith.divsi %add3A_1382, %div3A_1383 : i32
      %mul3A_1385 = arith.constant 100000 : i32
      %mul3A_1386 = arith.muli %div3A_1384, %mul3A_1385 : i32
      %mul3A_1387 = arith.constant 16 : i32
      %mul3A_1388 = arith.muli %add3A_1377, %mul3A_1387 : i32
      %get3A_1389 = arith.index_cast %mul3A_1388 : i32 to index
      %get3A_1390 = tpu.vector_load %arg5[%get3A_1389] {strides = array<i32>} : memref<3328xi32, #tpu.memory_space<vmem>>, vector<16xi32>,
      %get3A_1391 = vector.shape_cast %get3A_1390 : vector<16xi32> to vector<16xi32>
      %add3A_1392 = vector.broadcast %mul3A_1386 : i32 to vector<16xi32>
      %add3A_1393 = arith.addi %get3A_1391, %add3A_1392 : vector<16xi32>
      %mul3A_1394 = arith.constant 16 : i32
      %mul3A_1395 = arith.muli %add3A_1377, %mul3A_1394 : i32
      %swap3A_1396 = arith.index_cast %mul3A_1395 : i32 to index
      %swap3A_1397 = tpu.vector_load %arg5[%swap3A_1396] {strides = array<i32>} : memref<3328xi32, #tpu.memory_space<vmem>>, vector<16xi32>,
      %swap3A_1398 = vector.shape_cast %swap3A_1397 : vector<16xi32> to vector<16xi32>
      %swap3A_1399 = vector.shape_cast %add3A_1393 : vector<16xi32> to vector<16xi32>
      tpu.vector_store %arg5[%swap3A_1396], %swap3A_1399 {strides = array<i32>} : memref<3328xi32, #tpu.memory_space<vmem>>, vector<16xi32>,
      %scan3A_1400 = arith.constant 7 : i32
      %scan3A_1401 = arith.addi %scan3A_1205, %scan3A_1400 : i32
      %mul3A_1402 = arith.constant 1 : i32
      %mul3A_1403 = arith.muli %scan3A_1401, %mul3A_1402 : i32
      %add3A_1404 = arith.constant 41 : i32
      %add3A_1405 = arith.addi %add3A_1404, %mul3A_1403 : i32
      %mul3A_1406 = arith.constant 3328 : i32
      %mul3A_1407 = arith.muli %add3A, %mul3A_1406 : i32
      %mul3A_1408 = arith.constant 16 : i32
      %mul3A_1409 = arith.muli %add3A_1405, %mul3A_1408 : i32
      %add3A_1410 = arith.addi %mul3A_1407, %mul3A_1409 : i32
      %div3A_1411 = arith.constant 4096 : i32
      %div3A_1412 = arith.divsi %add3A_1410, %div3A_1411 : i32
      %mul3A_1413 = arith.constant 100000 : i32
      %mul3A_1414 = arith.muli %div3A_1412, %mul3A_1413 : i32
      %mul3A_1415 = arith.constant 16 : i32
      %mul3A_1416 = arith.muli %add3A_1405, %mul3A_1415 : i32
      %get3A_1417 = arith.index_cast %mul3A_1416 : i32 to index
      %get3A_1418 = tpu.vector_load %arg5[%get3A_1417] {strides = array<i32>} : memref<3328xi32, #tpu.memory_space<vmem>>, vector<16xi32>,
      %get3A_1419 = vector.shape_cast %get3A_1418 : vector<16xi32> to vector<16xi32>
      %add3A_1420 = vector.broadcast %mul3A_1414 : i32 to vector<16xi32>
      %add3A_1421 = arith.addi %get3A_1419, %add3A_1420 : vector<16xi32>
      %mul3A_1422 = arith.constant 16 : i32
      %mul3A_1423 = arith.muli %add3A_1405, %mul3A_1422 : i32
      %swap3A_1424 = arith.index_cast %mul3A_1423 : i32 to index
      %swap3A_1425 = tpu.vector_load %arg5[%swap3A_1424] {strides = array<i32>} : memref<3328xi32, #tpu.memory_space<vmem>>, vector<16xi32>,
      %swap3A_1426 = vector.shape_cast %swap3A_1425 : vector<16xi32> to vector<16xi32>
      %swap3A_1427 = vector.shape_cast %add3A_1421 : vector<16xi32> to vector<16xi32>
      tpu.vector_store %arg5[%swap3A_1424], %swap3A_1427 {strides = array<i32>} : memref<3328xi32, #tpu.memory_space<vmem>>, vector<16xi32>,
    }
    %scan3A_435 = arith.constant 160 : i32
    %scan3A_436 = arith.addi %scan3A_431, %scan3A_435 : i32
    %mul3A_437 = arith.constant 1 : i32
    %mul3A_438 = arith.muli %scan3A_436, %mul3A_437 : i32
    %add3A_439 = arith.constant 41 : i32
    %add3A_440 = arith.addi %add3A_439, %mul3A_438 : i32
    %mul3A_441 = arith.constant 3328 : i32
    %mul3A_442 = arith.muli %add3A, %mul3A_441 : i32
    %mul3A_443 = arith.constant 16 : i32
    %mul3A_444 = arith.muli %add3A_440, %mul3A_443 : i32
    %add3A_445 = arith.addi %mul3A_442, %mul3A_444 : i32
    %div3A_446 = arith.constant 4096 : i32
    %div3A_447 = arith.divsi %add3A_445, %div3A_446 : i32
    %mul3A_448 = arith.constant 100000 : i32
    %mul3A_449 = arith.muli %div3A_447, %mul3A_448 : i32
    %mul3A_450 = arith.constant 16 : i32
    %mul3A_451 = arith.muli %add3A_440, %mul3A_450 : i32
    %get3A_452 = arith.index_cast %mul3A_451 : i32 to index
    %get3A_453 = tpu.vector_load %arg5[%get3A_452] {strides = array<i32>} : memref<3328xi32, #tpu.memory_space<vmem>>, vector<16xi32>,
    %get3A_454 = vector.shape_cast %get3A_453 : vector<16xi32> to vector<16xi32>
    %add3A_455 = vector.broadcast %mul3A_449 : i32 to vector<16xi32>
    %add3A_456 = arith.addi %get3A_454, %add3A_455 : vector<16xi32>
    %mul3A_457 = arith.constant 16 : i32
    %mul3A_458 = arith.muli %add3A_440, %mul3A_457 : i32
    %swap3A_459 = arith.index_cast %mul3A_458 : i32 to index
    %swap3A_460 = tpu.vector_load %arg5[%swap3A_459] {strides = array<i32>} : memref<3328xi32, #tpu.memory_space<vmem>>, vector<16xi32>,
    %swap3A_461 = vector.shape_cast %swap3A_460 : vector<16xi32> to vector<16xi32>
    %swap3A_462 = vector.shape_cast %add3A_456 : vector<16xi32> to vector<16xi32>
    tpu.vector_store %arg5[%swap3A_459], %swap3A_462 {strides = array<i32>} : memref<3328xi32, #tpu.memory_space<vmem>>, vector<16xi32>,
    %scan3A_463 = arith.constant 161 : i32
    %scan3A_464 = arith.addi %scan3A_431, %scan3A_463 : i32
    %mul3A_465 = arith.constant 1 : i32
    %mul3A_466 = arith.muli %scan3A_464, %mul3A_465 : i32
    %add3A_467 = arith.constant 41 : i32
    %add3A_468 = arith.addi %add3A_467, %mul3A_466 : i32
    %mul3A_469 = arith.constant 3328 : i32
    %mul3A_470 = arith.muli %add3A, %mul3A_469 : i32
    %mul3A_471 = arith.constant 16 : i32
    %mul3A_472 = arith.muli %add3A_468, %mul3A_471 : i32
    %add3A_473 = arith.addi %mul3A_470, %mul3A_472 : i32
    %div3A_474 = arith.constant 4096 : i32
    %div3A_475 = arith.divsi %add3A_473, %div3A_474 : i32
    %mul3A_476 = arith.constant 100000 : i32
    %mul3A_477 = arith.muli %div3A_475, %mul3A_476 : i32
    %mul3A_478 = arith.constant 16 : i32
    %mul3A_479 = arith.muli %add3A_468, %mul3A_478 : i32
    %get3A_480 = arith.index_cast %mul3A_479 : i32 to index
    %get3A_481 = tpu.vector_load %arg5[%get3A_480] {strides = array<i32>} : memref<3328xi32, #tpu.memory_space<vmem>>, vector<16xi32>,
    %get3A_482 = vector.shape_cast %get3A_481 : vector<16xi32> to vector<16xi32>
    %add3A_483 = vector.broadcast %mul3A_477 : i32 to vector<16xi32>
    %add3A_484 = arith.addi %get3A_482, %add3A_483 : vector<16xi32>
    %mul3A_485 = arith.constant 16 : i32
    %mul3A_486 = arith.muli %add3A_468, %mul3A_485 : i32
    %swap3A_487 = arith.index_cast %mul3A_486 : i32 to index
    %swap3A_488 = tpu.vector_load %arg5[%swap3A_487] {strides = array<i32>} : memref<3328xi32, #tpu.memory_space<vmem>>, vector<16xi32>,
    %swap3A_489 = vector.shape_cast %swap3A_488 : vector<16xi32> to vector<16xi32>
    %swap3A_490 = vector.shape_cast %add3A_484 : vector<16xi32> to vector<16xi32>
    tpu.vector_store %arg5[%swap3A_487], %swap3A_490 {strides = array<i32>} : memref<3328xi32, #tpu.memory_space<vmem>>, vector<16xi32>,
    %scan3A_491 = arith.constant 162 : i32
    %scan3A_492 = arith.addi %scan3A_431, %scan3A_491 : i32
    %mul3A_493 = arith.constant 1 : i32
    %mul3A_494 = arith.muli %scan3A_492, %mul3A_493 : i32
    %add3A_495 = arith.constant 41 : i32
    %add3A_496 = arith.addi %add3A_495, %mul3A_494 : i32
    %mul3A_497 = arith.constant 3328 : i32
    %mul3A_498 = arith.muli %add3A, %mul3A_497 : i32
    %mul3A_499 = arith.constant 16 : i32
    %mul3A_500 = arith.muli %add3A_496, %mul3A_499 : i32
    %add3A_501 = arith.addi %mul3A_498, %mul3A_500 : i32
    %div3A_502 = arith.constant 4096 : i32
    %div3A_503 = arith.divsi %add3A_501, %div3A_502 : i32
    %mul3A_504 = arith.constant 100000 : i32
    %mul3A_505 = arith.muli %div3A_503, %mul3A_504 : i32
    %mul3A_506 = arith.constant 16 : i32
    %mul3A_507 = arith.muli %add3A_496, %mul3A_506 : i32
    %get3A_508 = arith.index_cast %mul3A_507 : i32 to index
    %get3A_509 = tpu.vector_load %arg5[%get3A_508] {strides = array<i32>} : memref<3328xi32, #tpu.memory_space<vmem>>, vector<16xi32>,
    %get3A_510 = vector.shape_cast %get3A_509 : vector<16xi32> to vector<16xi32>
    %add3A_511 = vector.broadcast %mul3A_505 : i32 to vector<16xi32>
    %add3A_512 = arith.addi %get3A_510, %add3A_511 : vector<16xi32>
    %mul3A_513 = arith.constant 16 : i32
    %mul3A_514 = arith.muli %add3A_496, %mul3A_513 : i32
    %swap3A_515 = arith.index_cast %mul3A_514 : i32 to index
    %swap3A_516 = tpu.vector_load %arg5[%swap3A_515] {strides = array<i32>} : memref<3328xi32, #tpu.memory_space<vmem>>, vector<16xi32>,
    %swap3A_517 = vector.shape_cast %swap3A_516 : vector<16xi32> to vector<16xi32>
    %swap3A_518 = vector.shape_cast %add3A_512 : vector<16xi32> to vector<16xi32>
    tpu.vector_store %arg5[%swap3A_515], %swap3A_518 {strides = array<i32>} : memref<3328xi32, #tpu.memory_space<vmem>>, vector<16xi32>,
    %scan3A_519 = arith.constant 163 : i32
    %scan3A_520 = arith.addi %scan3A_431, %scan3A_519 : i32
    %mul3A_521 = arith.constant 1 : i32
    %mul3A_522 = arith.muli %scan3A_520, %mul3A_521 : i32
    %add3A_523 = arith.constant 41 : i32
    %add3A_524 = arith.addi %add3A_523, %mul3A_522 : i32
    %mul3A_525 = arith.constant 3328 : i32
    %mul3A_526 = arith.muli %add3A, %mul3A_525 : i32
    %mul3A_527 = arith.constant 16 : i32
    %mul3A_528 = arith.muli %add3A_524, %mul3A_527 : i32
    %add3A_529 = arith.addi %mul3A_526, %mul3A_528 : i32
    %div3A_530 = arith.constant 4096 : i32
    %div3A_531 = arith.divsi %add3A_529, %div3A_530 : i32
    %mul3A_532 = arith.constant 100000 : i32
    %mul3A_533 = arith.muli %div3A_531, %mul3A_532 : i32
    %mul3A_534 = arith.constant 16 : i32
    %mul3A_535 = arith.muli %add3A_524, %mul3A_534 : i32
    %get3A_536 = arith.index_cast %mul3A_535 : i32 to index
    %get3A_537 = tpu.vector_load %arg5[%get3A_536] {strides = array<i32>} : memref<3328xi32, #tpu.memory_space<vmem>>, vector<16xi32>,
    %get3A_538 = vector.shape_cast %get3A_537 : vector<16xi32> to vector<16xi32>
    %add3A_539 = vector.broadcast %mul3A_533 : i32 to vector<16xi32>
    %add3A_540 = arith.addi %get3A_538, %add3A_539 : vector<16xi32>
    %mul3A_541 = arith.constant 16 : i32
    %mul3A_542 = arith.muli %add3A_524, %mul3A_541 : i32
    %swap3A_543 = arith.index_cast %mul3A_542 : i32 to index
    %swap3A_544 = tpu.vector_load %arg5[%swap3A_543] {strides = array<i32>} : memref<3328xi32, #tpu.memory_space<vmem>>, vector<16xi32>,
    %swap3A_545 = vector.shape_cast %swap3A_544 : vector<16xi32> to vector<16xi32>
    %swap3A_546 = vector.shape_cast %add3A_540 : vector<16xi32> to vector<16xi32>
    tpu.vector_store %arg5[%swap3A_543], %swap3A_546 {strides = array<i32>} : memref<3328xi32, #tpu.memory_space<vmem>>, vector<16xi32>,
    %scan3A_547 = arith.constant 164 : i32
    %scan3A_548 = arith.addi %scan3A_431, %scan3A_547 : i32
    %mul3A_549 = arith.constant 1 : i32
    %mul3A_550 = arith.muli %scan3A_548, %mul3A_549 : i32
    %add3A_551 = arith.constant 41 : i32
    %add3A_552 = arith.addi %add3A_551, %mul3A_550 : i32
    %mul3A_553 = arith.constant 3328 : i32
    %mul3A_554 = arith.muli %add3A, %mul3A_553 : i32
    %mul3A_555 = arith.constant 16 : i32
    %mul3A_556 = arith.muli %add3A_552, %mul3A_555 : i32
    %add3A_557 = arith.addi %mul3A_554, %mul3A_556 : i32
    %div3A_558 = arith.constant 4096 : i32
    %div3A_559 = arith.divsi %add3A_557, %div3A_558 : i32
    %mul3A_560 = arith.constant 100000 : i32
    %mul3A_561 = arith.muli %div3A_559, %mul3A_560 : i32
    %mul3A_562 = arith.constant 16 : i32
    %mul3A_563 = arith.muli %add3A_552, %mul3A_562 : i32
    %get3A_564 = arith.index_cast %mul3A_563 : i32 to index
    %get3A_565 = tpu.vector_load %arg5[%get3A_564] {strides = array<i32>} : memref<3328xi32, #tpu.memory_space<vmem>>, vector<16xi32>,
    %get3A_566 = vector.shape_cast %get3A_565 : vector<16xi32> to vector<16xi32>
    %add3A_567 = vector.broadcast %mul3A_561 : i32 to vector<16xi32>
    %add3A_568 = arith.addi %get3A_566, %add3A_567 : vector<16xi32>
    %mul3A_569 = arith.constant 16 : i32
    %mul3A_570 = arith.muli %add3A_552, %mul3A_569 : i32
    %swap3A_571 = arith.index_cast %mul3A_570 : i32 to index
    %swap3A_572 = tpu.vector_load %arg5[%swap3A_571] {strides = array<i32>} : memref<3328xi32, #tpu.memory_space<vmem>>, vector<16xi32>,
    %swap3A_573 = vector.shape_cast %swap3A_572 : vector<16xi32> to vector<16xi32>
    %swap3A_574 = vector.shape_cast %add3A_568 : vector<16xi32> to vector<16xi32>
    tpu.vector_store %arg5[%swap3A_571], %swap3A_574 {strides = array<i32>} : memref<3328xi32, #tpu.memory_space<vmem>>, vector<16xi32>,
    %scan3A_575 = arith.constant 165 : i32
    %scan3A_576 = arith.addi %scan3A_431, %scan3A_575 : i32
    %mul3A_577 = arith.constant 1 : i32
    %mul3A_578 = arith.muli %scan3A_576, %mul3A_577 : i32
    %add3A_579 = arith.constant 41 : i32
    %add3A_580 = arith.addi %add3A_579, %mul3A_578 : i32
    %mul3A_581 = arith.constant 3328 : i32
    %mul3A_582 = arith.muli %add3A, %mul3A_581 : i32
    %mul3A_583 = arith.constant 16 : i32
    %mul3A_584 = arith.muli %add3A_580, %mul3A_583 : i32
    %add3A_585 = arith.addi %mul3A_582, %mul3A_584 : i32
    %div3A_586 = arith.constant 4096 : i32
    %div3A_587 = arith.divsi %add3A_585, %div3A_586 : i32
    %mul3A_588 = arith.constant 100000 : i32
    %mul3A_589 = arith.muli %div3A_587, %mul3A_588 : i32
    %mul3A_590 = arith.constant 16 : i32
    %mul3A_591 = arith.muli %add3A_580, %mul3A_590 : i32
    %get3A_592 = arith.index_cast %mul3A_591 : i32 to index
    %get3A_593 = tpu.vector_load %arg5[%get3A_592] {strides = array<i32>} : memref<3328xi32, #tpu.memory_space<vmem>>, vector<16xi32>,
    %get3A_594 = vector.shape_cast %get3A_593 : vector<16xi32> to vector<16xi32>
    %add3A_595 = vector.broadcast %mul3A_589 : i32 to vector<16xi32>
    %add3A_596 = arith.addi %get3A_594, %add3A_595 : vector<16xi32>
    %mul3A_597 = arith.constant 16 : i32
    %mul3A_598 = arith.muli %add3A_580, %mul3A_597 : i32
    %swap3A_599 = arith.index_cast %mul3A_598 : i32 to index
    %swap3A_600 = tpu.vector_load %arg5[%swap3A_599] {strides = array<i32>} : memref<3328xi32, #tpu.memory_space<vmem>>, vector<16xi32>,
    %swap3A_601 = vector.shape_cast %swap3A_600 : vector<16xi32> to vector<16xi32>
    %swap3A_602 = vector.shape_cast %add3A_596 : vector<16xi32> to vector<16xi32>
    tpu.vector_store %arg5[%swap3A_599], %swap3A_602 {strides = array<i32>} : memref<3328xi32, #tpu.memory_space<vmem>>, vector<16xi32>,
    %scan3A_603 = arith.constant 166 : i32
    %scan3A_604 = arith.addi %scan3A_431, %scan3A_603 : i32
    %mul3A_605 = arith.constant 1 : i32
    %mul3A_606 = arith.muli %scan3A_604, %mul3A_605 : i32
    %add3A_607 = arith.constant 41 : i32
    %add3A_608 = arith.addi %add3A_607, %mul3A_606 : i32
    %mul3A_609 = arith.constant 3328 : i32
    %mul3A_610 = arith.muli %add3A, %mul3A_609 : i32
    %mul3A_611 = arith.constant 16 : i32
    %mul3A_612 = arith.muli %add3A_608, %mul3A_611 : i32
    %add3A_613 = arith.addi %mul3A_610, %mul3A_612 : i32
    %div3A_614 = arith.constant 4096 : i32
    %div3A_615 = arith.divsi %add3A_613, %div3A_614 : i32
    %mul3A_616 = arith.constant 100000 : i32
    %mul3A_617 = arith.muli %div3A_615, %mul3A_616 : i32
    %mul3A_618 = arith.constant 16 : i32
    %mul3A_619 = arith.muli %add3A_608, %mul3A_618 : i32
    %get3A_620 = arith.index_cast %mul3A_619 : i32 to index
    %get3A_621 = tpu.vector_load %arg5[%get3A_620] {strides = array<i32>} : memref<3328xi32, #tpu.memory_space<vmem>>, vector<16xi32>,
    %get3A_622 = vector.shape_cast %get3A_621 : vector<16xi32> to vector<16xi32>
    %add3A_623 = vector.broadcast %mul3A_617 : i32 to vector<16xi32>
    %add3A_624 = arith.addi %get3A_622, %add3A_623 : vector<16xi32>
    %mul3A_625 = arith.constant 16 : i32
    %mul3A_626 = arith.muli %add3A_608, %mul3A_625 : i32
    %swap3A_627 = arith.index_cast %mul3A_626 : i32 to index
    %swap3A_628 = tpu.vector_load %arg5[%swap3A_627] {strides = array<i32>} : memref<3328xi32, #tpu.memory_space<vmem>>, vector<16xi32>,
    %swap3A_629 = vector.shape_cast %swap3A_628 : vector<16xi32> to vector<16xi32>
    %swap3A_630 = vector.shape_cast %add3A_624 : vector<16xi32> to vector<16xi32>
    tpu.vector_store %arg5[%swap3A_627], %swap3A_630 {strides = array<i32>} : memref<3328xi32, #tpu.memory_space<vmem>>, vector<16xi32>,
    %scan3A_631 = arith.constant 167 : i32
    %dma_wait3A_632 = arith.constant 0 : i32
    %dma_wait3A_633 = arith.constant 0 : i32
    %dma_wait3A_634 = tpu.memref_slice %arg3[%dma_wait3A_632, %dma_wait3A_633] : memref<2600000x128xf32, #tpu.memory_space<hbm>> -> memref<128x128xf32, #tpu.memory_space<hbm>>
    %dma_wait3A_635 = arith.constant 0 : i32
    %dma_wait3A_636 = arith.constant 0 : i32
    %dma_wait3A_637 = tpu.memref_slice %arg3[%dma_wait3A_635, %dma_wait3A_636] : memref<2600000x128xf32, #tpu.memory_space<hbm>> -> memref<128x128xf32, #tpu.memory_space<hbm>>
    tpu.wait_dma2 semaphore(%arg13 : memref<!tpu.dma_semaphore, #tpu.memory_space<semaphore_mem>>) src(%dma_wait3A_637 : memref<128x128xf32, #tpu.memory_space<hbm>>) dst(%arg6 : memref<128x128xf32, #tpu.memory_space<vmem>>)
    %add3A_638 = arith.constant 0 : i32
    %add3A_639 = arith.addi %mul3A_2, %add3A_638 : i32
    %dma_start3A_640 = arith.constant 0 : i32
    %dma_start3A_641 = tpu.memref_slice %arg4[%add3A_639, %dma_start3A_640] : memref<106496x128xf32, #tpu.memory_space<hbm>> -> memref<128x128xf32, #tpu.memory_space<hbm>>
    %dma_start3A_642 = arith.constant 0 : i32
    %dma_start3A_643 = tpu.memref_slice %arg4[%add3A_639, %dma_start3A_642] : memref<106496x128xf32, #tpu.memory_space<hbm>> -> memref<128x128xf32, #tpu.memory_space<hbm>>
    tpu.enqueue_dma source(%arg6 : memref<128x128xf32, #tpu.memory_space<vmem>>) target(%dma_start3A_643 : memref<128x128xf32, #tpu.memory_space<hbm>>) target_semaphore(%arg20 : memref<!tpu.dma_semaphore, #tpu.memory_space<semaphore_mem>>)
    %dma_start3A_644 = arith.constant 640 : i32
    %dma_start3A_645 = tpu.memref_slice %arg5[%dma_start3A_644] : memref<3328xi32, #tpu.memory_space<vmem>> -> memref<128xi32, #tpu.memory_space<vmem>>
    %dma_start3A_646 = arith.constant 0 : i32
    %dma_start3A_647 = arith.constant 0 : i32
    %dma_start3A_648 = tpu.memref_slice %arg3[%dma_start3A_646, %dma_start3A_647] : memref<2600000x128xf32, #tpu.memory_space<hbm>> -> memref<2600000x128xf32, #tpu.memory_space<hbm>>
    tpu.enqueue_indirect_dma source(%dma_start3A_648 : memref<2600000x128xf32, #tpu.memory_space<hbm>>) target(%arg11 : memref<128x128xf32, #tpu.memory_space<vmem>>) offsets(%dma_start3A_645 : memref<128xi32, #tpu.memory_space<vmem>>) semaphore(%arg18 : memref<!tpu.dma_semaphore, #tpu.memory_space<semaphore_mem>>)
    %dma_wait3A_649 = arith.constant 0 : i32
    %dma_wait3A_650 = arith.constant 0 : i32
    %dma_wait3A_651 = tpu.memref_slice %arg3[%dma_wait3A_649, %dma_wait3A_650] : memref<2600000x128xf32, #tpu.memory_space<hbm>> -> memref<128x128xf32, #tpu.memory_space<hbm>>
    %dma_wait3A_652 = arith.constant 0 : i32
    %dma_wait3A_653 = arith.constant 0 : i32
    %dma_wait3A_654 = tpu.memref_slice %arg3[%dma_wait3A_652, %dma_wait3A_653] : memref<2600000x128xf32, #tpu.memory_space<hbm>> -> memref<128x128xf32, #tpu.memory_space<hbm>>
    tpu.wait_dma2 semaphore(%arg14 : memref<!tpu.dma_semaphore, #tpu.memory_space<semaphore_mem>>) src(%dma_wait3A_654 : memref<128x128xf32, #tpu.memory_space<hbm>>) dst(%arg7 : memref<128x128xf32, #tpu.memory_space<vmem>>)
    %add3A_655 = arith.constant 128 : i32
    %add3A_656 = arith.addi %mul3A_2, %add3A_655 : i32
    %dma_start3A_657 = arith.constant 0 : i32
    %dma_start3A_658 = tpu.memref_slice %arg4[%add3A_656, %dma_start3A_657] : memref<106496x128xf32, #tpu.memory_space<hbm>> -> memref<128x128xf32, #tpu.memory_space<hbm>>
    %dma_start3A_659 = arith.constant 0 : i32
    %dma_start3A_660 = tpu.memref_slice %arg4[%add3A_656, %dma_start3A_659] : memref<106496x128xf32, #tpu.memory_space<hbm>> -> memref<128x128xf32, #tpu.memory_space<hbm>>
    tpu.enqueue_dma source(%arg7 : memref<128x128xf32, #tpu.memory_space<vmem>>) target(%dma_start3A_660 : memref<128x128xf32, #tpu.memory_space<hbm>>) target_semaphore(%arg21 : memref<!tpu.dma_semaphore, #tpu.memory_space<semaphore_mem>>)
    %dma_start3A_661 = arith.constant 768 : i32
    %dma_start3A_662 = tpu.memref_slice %arg5[%dma_start3A_661] : memref<3328xi32, #tpu.memory_space<vmem>> -> memref<128xi32, #tpu.memory_space<vmem>>
    %dma_start3A_663 = arith.constant 0 : i32
    %dma_start3A_664 = arith.constant 0 : i32
    %dma_start3A_665 = tpu.memref_slice %arg3[%dma_start3A_663, %dma_start3A_664] : memref<2600000x128xf32, #tpu.memory_space<hbm>> -> memref<2600000x128xf32, #tpu.memory_space<hbm>>
    tpu.enqueue_indirect_dma source(%dma_start3A_665 : memref<2600000x128xf32, #tpu.memory_space<hbm>>) target(%arg12 : memref<128x128xf32, #tpu.memory_space<vmem>>) offsets(%dma_start3A_662 : memref<128xi32, #tpu.memory_space<vmem>>) semaphore(%arg19 : memref<!tpu.dma_semaphore, #tpu.memory_space<semaphore_mem>>)
    %dma_wait3A_666 = arith.constant 0 : i32
    %dma_wait3A_667 = arith.constant 0 : i32
    %dma_wait3A_668 = tpu.memref_slice %arg3[%dma_wait3A_666, %dma_wait3A_667] : memref<2600000x128xf32, #tpu.memory_space<hbm>> -> memref<128x128xf32, #tpu.memory_space<hbm>>
    %dma_wait3A_669 = arith.constant 0 : i32
    %dma_wait3A_670 = arith.constant 0 : i32
    %dma_wait3A_671 = tpu.memref_slice %arg3[%dma_wait3A_669, %dma_wait3A_670] : memref<2600000x128xf32, #tpu.memory_space<hbm>> -> memref<128x128xf32, #tpu.memory_space<hbm>>
    tpu.wait_dma2 semaphore(%arg15 : memref<!tpu.dma_semaphore, #tpu.memory_space<semaphore_mem>>) src(%dma_wait3A_671 : memref<128x128xf32, #tpu.memory_space<hbm>>) dst(%arg8 : memref<128x128xf32, #tpu.memory_space<vmem>>)
    %add3A_672 = arith.constant 256 : i32
    %add3A_673 = arith.addi %mul3A_2, %add3A_672 : i32
    %dma_start3A_674 = arith.constant 0 : i32
    %dma_start3A_675 = tpu.memref_slice %arg4[%add3A_673, %dma_start3A_674] : memref<106496x128xf32, #tpu.memory_space<hbm>> -> memref<128x128xf32, #tpu.memory_space<hbm>>
    %dma_start3A_676 = arith.constant 0 : i32
    %dma_start3A_677 = tpu.memref_slice %arg4[%add3A_673, %dma_start3A_676] : memref<106496x128xf32, #tpu.memory_space<hbm>> -> memref<128x128xf32, #tpu.memory_space<hbm>>
    tpu.enqueue_dma source(%arg8 : memref<128x128xf32, #tpu.memory_space<vmem>>) target(%dma_start3A_677 : memref<128x128xf32, #tpu.memory_space<hbm>>) target_semaphore(%arg22 : memref<!tpu.dma_semaphore, #tpu.memory_space<semaphore_mem>>)
    %dma_wait3A_678 = arith.constant 0 : i32
    %dma_wait3A_679 = arith.constant 0 : i32
    %dma_wait3A_680 = tpu.memref_slice %arg4[%dma_wait3A_678, %dma_wait3A_679] : memref<106496x128xf32, #tpu.memory_space<hbm>> -> memref<128x128xf32, #tpu.memory_space<hbm>>
    %dma_wait3A_681 = arith.constant 0 : i32
    %dma_wait3A_682 = arith.constant 0 : i32
    %dma_wait3A_683 = tpu.memref_slice %arg4[%dma_wait3A_681, %dma_wait3A_682] : memref<106496x128xf32, #tpu.memory_space<hbm>> -> memref<128x128xf32, #tpu.memory_space<hbm>>
    tpu.wait_dma2 semaphore(%arg20 : memref<!tpu.dma_semaphore, #tpu.memory_space<semaphore_mem>>) src(%arg6 : memref<128x128xf32, #tpu.memory_space<vmem>>) dst(%dma_wait3A_683 : memref<128x128xf32, #tpu.memory_space<hbm>>)
    %dma_start3A_684 = arith.constant 896 : i32
    %dma_start3A_685 = tpu.memref_slice %arg5[%dma_start3A_684] : memref<3328xi32, #tpu.memory_space<vmem>> -> memref<128xi32, #tpu.memory_space<vmem>>
    %dma_start3A_686 = arith.constant 0 : i32
    %dma_start3A_687 = arith.constant 0 : i32
    %dma_start3A_688 = tpu.memref_slice %arg3[%dma_start3A_686, %dma_start3A_687] : memref<2600000x128xf32, #tpu.memory_space<hbm>> -> memref<2600000x128xf32, #tpu.memory_space<hbm>>
    tpu.enqueue_indirect_dma source(%dma_start3A_688 : memref<2600000x128xf32, #tpu.memory_space<hbm>>) target(%arg6 : memref<128x128xf32, #tpu.memory_space<vmem>>) offsets(%dma_start3A_685 : memref<128xi32, #tpu.memory_space<vmem>>) semaphore(%arg13 : memref<!tpu.dma_semaphore, #tpu.memory_space<semaphore_mem>>)
    %dma_wait3A_689 = arith.constant 0 : i32
    %dma_wait3A_690 = arith.constant 0 : i32
    %dma_wait3A_691 = tpu.memref_slice %arg3[%dma_wait3A_689, %dma_wait3A_690] : memref<2600000x128xf32, #tpu.memory_space<hbm>> -> memref<128x128xf32, #tpu.memory_space<hbm>>
    %dma_wait3A_692 = arith.constant 0 : i32
    %dma_wait3A_693 = arith.constant 0 : i32
    %dma_wait3A_694 = tpu.memref_slice %arg3[%dma_wait3A_692, %dma_wait3A_693] : memref<2600000x128xf32, #tpu.memory_space<hbm>> -> memref<128x128xf32, #tpu.memory_space<hbm>>
    tpu.wait_dma2 semaphore(%arg16 : memref<!tpu.dma_semaphore, #tpu.memory_space<semaphore_mem>>) src(%dma_wait3A_694 : memref<128x128xf32, #tpu.memory_space<hbm>>) dst(%arg9 : memref<128x128xf32, #tpu.memory_space<vmem>>)
    %add3A_695 = arith.constant 384 : i32
    %add3A_696 = arith.addi %mul3A_2, %add3A_695 : i32
    %dma_start3A_697 = arith.constant 0 : i32
    %dma_start3A_698 = tpu.memref_slice %arg4[%add3A_696, %dma_start3A_697] : memref<106496x128xf32, #tpu.memory_space<hbm>> -> memref<128x128xf32, #tpu.memory_space<hbm>>
    %dma_start3A_699 = arith.constant 0 : i32
    %dma_start3A_700 = tpu.memref_slice %arg4[%add3A_696, %dma_start3A_699] : memref<106496x128xf32, #tpu.memory_space<hbm>> -> memref<128x128xf32, #tpu.memory_space<hbm>>
    tpu.enqueue_dma source(%arg9 : memref<128x128xf32, #tpu.memory_space<vmem>>) target(%dma_start3A_700 : memref<128x128xf32, #tpu.memory_space<hbm>>) target_semaphore(%arg23 : memref<!tpu.dma_semaphore, #tpu.memory_space<semaphore_mem>>)
    %dma_wait3A_701 = arith.constant 0 : i32
    %dma_wait3A_702 = arith.constant 0 : i32
    %dma_wait3A_703 = tpu.memref_slice %arg4[%dma_wait3A_701, %dma_wait3A_702] : memref<106496x128xf32, #tpu.memory_space<hbm>> -> memref<128x128xf32, #tpu.memory_space<hbm>>
    %dma_wait3A_704 = arith.constant 0 : i32
    %dma_wait3A_705 = arith.constant 0 : i32
    %dma_wait3A_706 = tpu.memref_slice %arg4[%dma_wait3A_704, %dma_wait3A_705] : memref<106496x128xf32, #tpu.memory_space<hbm>> -> memref<128x128xf32, #tpu.memory_space<hbm>>
    tpu.wait_dma2 semaphore(%arg21 : memref<!tpu.dma_semaphore, #tpu.memory_space<semaphore_mem>>) src(%arg7 : memref<128x128xf32, #tpu.memory_space<vmem>>) dst(%dma_wait3A_706 : memref<128x128xf32, #tpu.memory_space<hbm>>)
    %dma_start3A_707 = arith.constant 1024 : i32
    %dma_start3A_708 = tpu.memref_slice %arg5[%dma_start3A_707] : memref<3328xi32, #tpu.memory_space<vmem>> -> memref<128xi32, #tpu.memory_space<vmem>>
    %dma_start3A_709 = arith.constant 0 : i32
    %dma_start3A_710 = arith.constant 0 : i32
    %dma_start3A_711 = tpu.memref_slice %arg3[%dma_start3A_709, %dma_start3A_710] : memref<2600000x128xf32, #tpu.memory_space<hbm>> -> memref<2600000x128xf32, #tpu.memory_space<hbm>>
    tpu.enqueue_indirect_dma source(%dma_start3A_711 : memref<2600000x128xf32, #tpu.memory_space<hbm>>) target(%arg7 : memref<128x128xf32, #tpu.memory_space<vmem>>) offsets(%dma_start3A_708 : memref<128xi32, #tpu.memory_space<vmem>>) semaphore(%arg14 : memref<!tpu.dma_semaphore, #tpu.memory_space<semaphore_mem>>)
    %dma_wait3A_712 = arith.constant 0 : i32
    %dma_wait3A_713 = arith.constant 0 : i32
    %dma_wait3A_714 = tpu.memref_slice %arg3[%dma_wait3A_712, %dma_wait3A_713] : memref<2600000x128xf32, #tpu.memory_space<hbm>> -> memref<128x128xf32, #tpu.memory_space<hbm>>
    %dma_wait3A_715 = arith.constant 0 : i32
    %dma_wait3A_716 = arith.constant 0 : i32
    %dma_wait3A_717 = tpu.memref_slice %arg3[%dma_wait3A_715, %dma_wait3A_716] : memref<2600000x128xf32, #tpu.memory_space<hbm>> -> memref<128x128xf32, #tpu.memory_space<hbm>>
    tpu.wait_dma2 semaphore(%arg17 : memref<!tpu.dma_semaphore, #tpu.memory_space<semaphore_mem>>) src(%dma_wait3A_717 : memref<128x128xf32, #tpu.memory_space<hbm>>) dst(%arg10 : memref<128x128xf32, #tpu.memory_space<vmem>>)
    %add3A_718 = arith.constant 512 : i32
    %add3A_719 = arith.addi %mul3A_2, %add3A_718 : i32
    %dma_start3A_720 = arith.constant 0 : i32
    %dma_start3A_721 = tpu.memref_slice %arg4[%add3A_719, %dma_start3A_720] : memref<106496x128xf32, #tpu.memory_space<hbm>> -> memref<128x128xf32, #tpu.memory_space<hbm>>
    %dma_start3A_722 = arith.constant 0 : i32
    %dma_start3A_723 = tpu.memref_slice %arg4[%add3A_719, %dma_start3A_722] : memref<106496x128xf32, #tpu.memory_space<hbm>> -> memref<128x128xf32, #tpu.memory_space<hbm>>
    tpu.enqueue_dma source(%arg10 : memref<128x128xf32, #tpu.memory_space<vmem>>) target(%dma_start3A_723 : memref<128x128xf32, #tpu.memory_space<hbm>>) target_semaphore(%arg24 : memref<!tpu.dma_semaphore, #tpu.memory_space<semaphore_mem>>)
    %dma_wait3A_724 = arith.constant 0 : i32
    %dma_wait3A_725 = arith.constant 0 : i32
    %dma_wait3A_726 = tpu.memref_slice %arg4[%dma_wait3A_724, %dma_wait3A_725] : memref<106496x128xf32, #tpu.memory_space<hbm>> -> memref<128x128xf32, #tpu.memory_space<hbm>>
    %dma_wait3A_727 = arith.constant 0 : i32
    %dma_wait3A_728 = arith.constant 0 : i32
    %dma_wait3A_729 = tpu.memref_slice %arg4[%dma_wait3A_727, %dma_wait3A_728] : memref<106496x128xf32, #tpu.memory_space<hbm>> -> memref<128x128xf32, #tpu.memory_space<hbm>>
    tpu.wait_dma2 semaphore(%arg22 : memref<!tpu.dma_semaphore, #tpu.memory_space<semaphore_mem>>) src(%arg8 : memref<128x128xf32, #tpu.memory_space<vmem>>) dst(%dma_wait3A_729 : memref<128x128xf32, #tpu.memory_space<hbm>>)
    %dma_start3A_730 = arith.constant 1152 : i32
    %dma_start3A_731 = tpu.memref_slice %arg5[%dma_start3A_730] : memref<3328xi32, #tpu.memory_space<vmem>> -> memref<128xi32, #tpu.memory_space<vmem>>
    %dma_start3A_732 = arith.constant 0 : i32
    %dma_start3A_733 = arith.constant 0 : i32
    %dma_start3A_734 = tpu.memref_slice %arg3[%dma_start3A_732, %dma_start3A_733] : memref<2600000x128xf32, #tpu.memory_space<hbm>> -> memref<2600000x128xf32, #tpu.memory_space<hbm>>
    tpu.enqueue_indirect_dma source(%dma_start3A_734 : memref<2600000x128xf32, #tpu.memory_space<hbm>>) target(%arg8 : memref<128x128xf32, #tpu.memory_space<vmem>>) offsets(%dma_start3A_731 : memref<128xi32, #tpu.memory_space<vmem>>) semaphore(%arg15 : memref<!tpu.dma_semaphore, #tpu.memory_space<semaphore_mem>>)
    %dma_wait3A_735 = arith.constant 0 : i32
    %dma_wait3A_736 = arith.constant 0 : i32
    %dma_wait3A_737 = tpu.memref_slice %arg3[%dma_wait3A_735, %dma_wait3A_736] : memref<2600000x128xf32, #tpu.memory_space<hbm>> -> memref<128x128xf32, #tpu.memory_space<hbm>>
    %dma_wait3A_738 = arith.constant 0 : i32
    %dma_wait3A_739 = arith.constant 0 : i32
    %dma_wait3A_740 = tpu.memref_slice %arg3[%dma_wait3A_738, %dma_wait3A_739] : memref<2600000x128xf32, #tpu.memory_space<hbm>> -> memref<128x128xf32, #tpu.memory_space<hbm>>
    tpu.wait_dma2 semaphore(%arg18 : memref<!tpu.dma_semaphore, #tpu.memory_space<semaphore_mem>>) src(%dma_wait3A_740 : memref<128x128xf32, #tpu.memory_space<hbm>>) dst(%arg11 : memref<128x128xf32, #tpu.memory_space<vmem>>)
    %add3A_741 = arith.constant 640 : i32
    %add3A_742 = arith.addi %mul3A_2, %add3A_741 : i32
    %dma_start3A_743 = arith.constant 0 : i32
    %dma_start3A_744 = tpu.memref_slice %arg4[%add3A_742, %dma_start3A_743] : memref<106496x128xf32, #tpu.memory_space<hbm>> -> memref<128x128xf32, #tpu.memory_space<hbm>>
    %dma_start3A_745 = arith.constant 0 : i32
    %dma_start3A_746 = tpu.memref_slice %arg4[%add3A_742, %dma_start3A_745] : memref<106496x128xf32, #tpu.memory_space<hbm>> -> memref<128x128xf32, #tpu.memory_space<hbm>>
    tpu.enqueue_dma source(%arg11 : memref<128x128xf32, #tpu.memory_space<vmem>>) target(%dma_start3A_746 : memref<128x128xf32, #tpu.memory_space<hbm>>) target_semaphore(%arg25 : memref<!tpu.dma_semaphore, #tpu.memory_space<semaphore_mem>>)
    %dma_wait3A_747 = arith.constant 0 : i32
    %dma_wait3A_748 = arith.constant 0 : i32
    %dma_wait3A_749 = tpu.memref_slice %arg4[%dma_wait3A_747, %dma_wait3A_748] : memref<106496x128xf32, #tpu.memory_space<hbm>> -> memref<128x128xf32, #tpu.memory_space<hbm>>
    %dma_wait3A_750 = arith.constant 0 : i32
    %dma_wait3A_751 = arith.constant 0 : i32
    %dma_wait3A_752 = tpu.memref_slice %arg4[%dma_wait3A_750, %dma_wait3A_751] : memref<106496x128xf32, #tpu.memory_space<hbm>> -> memref<128x128xf32, #tpu.memory_space<hbm>>
    tpu.wait_dma2 semaphore(%arg23 : memref<!tpu.dma_semaphore, #tpu.memory_space<semaphore_mem>>) src(%arg9 : memref<128x128xf32, #tpu.memory_space<vmem>>) dst(%dma_wait3A_752 : memref<128x128xf32, #tpu.memory_space<hbm>>)
    %dma_start3A_753 = arith.constant 1280 : i32
    %dma_start3A_754 = tpu.memref_slice %arg5[%dma_start3A_753] : memref<3328xi32, #tpu.memory_space<vmem>> -> memref<128xi32, #tpu.memory_space<vmem>>
    %dma_start3A_755 = arith.constant 0 : i32
    %dma_start3A_756 = arith.constant 0 : i32
    %dma_start3A_757 = tpu.memref_slice %arg3[%dma_start3A_755, %dma_start3A_756] : memref<2600000x128xf32, #tpu.memory_space<hbm>> -> memref<2600000x128xf32, #tpu.memory_space<hbm>>
    tpu.enqueue_indirect_dma source(%dma_start3A_757 : memref<2600000x128xf32, #tpu.memory_space<hbm>>) target(%arg9 : memref<128x128xf32, #tpu.memory_space<vmem>>) offsets(%dma_start3A_754 : memref<128xi32, #tpu.memory_space<vmem>>) semaphore(%arg16 : memref<!tpu.dma_semaphore, #tpu.memory_space<semaphore_mem>>)
    %dma_wait3A_758 = arith.constant 0 : i32
    %dma_wait3A_759 = arith.constant 0 : i32
    %dma_wait3A_760 = tpu.memref_slice %arg3[%dma_wait3A_758, %dma_wait3A_759] : memref<2600000x128xf32, #tpu.memory_space<hbm>> -> memref<128x128xf32, #tpu.memory_space<hbm>>
    %dma_wait3A_761 = arith.constant 0 : i32
    %dma_wait3A_762 = arith.constant 0 : i32
    %dma_wait3A_763 = tpu.memref_slice %arg3[%dma_wait3A_761, %dma_wait3A_762] : memref<2600000x128xf32, #tpu.memory_space<hbm>> -> memref<128x128xf32, #tpu.memory_space<hbm>>
    tpu.wait_dma2 semaphore(%arg19 : memref<!tpu.dma_semaphore, #tpu.memory_space<semaphore_mem>>) src(%dma_wait3A_763 : memref<128x128xf32, #tpu.memory_space<hbm>>) dst(%arg12 : memref<128x128xf32, #tpu.memory_space<vmem>>)
    %add3A_764 = arith.constant 768 : i32
    %add3A_765 = arith.addi %mul3A_2, %add3A_764 : i32
    %dma_start3A_766 = arith.constant 0 : i32
    %dma_start3A_767 = tpu.memref_slice %arg4[%add3A_765, %dma_start3A_766] : memref<106496x128xf32, #tpu.memory_space<hbm>> -> memref<128x128xf32, #tpu.memory_space<hbm>>
    %dma_start3A_768 = arith.constant 0 : i32
    %dma_start3A_769 = tpu.memref_slice %arg4[%add3A_765, %dma_start3A_768] : memref<106496x128xf32, #tpu.memory_space<hbm>> -> memref<128x128xf32, #tpu.memory_space<hbm>>
    tpu.enqueue_dma source(%arg12 : memref<128x128xf32, #tpu.memory_space<vmem>>) target(%dma_start3A_769 : memref<128x128xf32, #tpu.memory_space<hbm>>) target_semaphore(%arg26 : memref<!tpu.dma_semaphore, #tpu.memory_space<semaphore_mem>>)
    %dma_wait3A_770 = arith.constant 0 : i32
    %dma_wait3A_771 = arith.constant 0 : i32
    %dma_wait3A_772 = tpu.memref_slice %arg4[%dma_wait3A_770, %dma_wait3A_771] : memref<106496x128xf32, #tpu.memory_space<hbm>> -> memref<128x128xf32, #tpu.memory_space<hbm>>
    %dma_wait3A_773 = arith.constant 0 : i32
    %dma_wait3A_774 = arith.constant 0 : i32
    %dma_wait3A_775 = tpu.memref_slice %arg4[%dma_wait3A_773, %dma_wait3A_774] : memref<106496x128xf32, #tpu.memory_space<hbm>> -> memref<128x128xf32, #tpu.memory_space<hbm>>
    tpu.wait_dma2 semaphore(%arg24 : memref<!tpu.dma_semaphore, #tpu.memory_space<semaphore_mem>>) src(%arg10 : memref<128x128xf32, #tpu.memory_space<vmem>>) dst(%dma_wait3A_775 : memref<128x128xf32, #tpu.memory_space<hbm>>)
    %dma_start3A_776 = arith.constant 1408 : i32
    %dma_start3A_777 = tpu.memref_slice %arg5[%dma_start3A_776] : memref<3328xi32, #tpu.memory_space<vmem>> -> memref<128xi32, #tpu.memory_space<vmem>>
    %dma_start3A_778 = arith.constant 0 : i32
    %dma_start3A_779 = arith.constant 0 : i32
    %dma_start3A_780 = tpu.memref_slice %arg3[%dma_start3A_778, %dma_start3A_779] : memref<2600000x128xf32, #tpu.memory_space<hbm>> -> memref<2600000x128xf32, #tpu.memory_space<hbm>>
    tpu.enqueue_indirect_dma source(%dma_start3A_780 : memref<2600000x128xf32, #tpu.memory_space<hbm>>) target(%arg10 : memref<128x128xf32, #tpu.memory_space<vmem>>) offsets(%dma_start3A_777 : memref<128xi32, #tpu.memory_space<vmem>>) semaphore(%arg17 : memref<!tpu.dma_semaphore, #tpu.memory_space<semaphore_mem>>)
    %dma_wait3A_781 = arith.constant 0 : i32
    %dma_wait3A_782 = arith.constant 0 : i32
    %dma_wait3A_783 = tpu.memref_slice %arg3[%dma_wait3A_781, %dma_wait3A_782] : memref<2600000x128xf32, #tpu.memory_space<hbm>> -> memref<128x128xf32, #tpu.memory_space<hbm>>
    %dma_wait3A_784 = arith.constant 0 : i32
    %dma_wait3A_785 = arith.constant 0 : i32
    %dma_wait3A_786 = tpu.memref_slice %arg3[%dma_wait3A_784, %dma_wait3A_785] : memref<2600000x128xf32, #tpu.memory_space<hbm>> -> memref<128x128xf32, #tpu.memory_space<hbm>>
    tpu.wait_dma2 semaphore(%arg13 : memref<!tpu.dma_semaphore, #tpu.memory_space<semaphore_mem>>) src(%dma_wait3A_786 : memref<128x128xf32, #tpu.memory_space<hbm>>) dst(%arg6 : memref<128x128xf32, #tpu.memory_space<vmem>>)
    %add3A_787 = arith.constant 896 : i32
    %add3A_788 = arith.addi %mul3A_2, %add3A_787 : i32
    %dma_start3A_789 = arith.constant 0 : i32
    %dma_start3A_790 = tpu.memref_slice %arg4[%add3A_788, %dma_start3A_789] : memref<106496x128xf32, #tpu.memory_space<hbm>> -> memref<128x128xf32, #tpu.memory_space<hbm>>
    %dma_start3A_791 = arith.constant 0 : i32
    %dma_start3A_792 = tpu.memref_slice %arg4[%add3A_788, %dma_start3A_791] : memref<106496x128xf32, #tpu.memory_space<hbm>> -> memref<128x128xf32, #tpu.memory_space<hbm>>
    tpu.enqueue_dma source(%arg6 : memref<128x128xf32, #tpu.memory_space<vmem>>) target(%dma_start3A_792 : memref<128x128xf32, #tpu.memory_space<hbm>>) target_semaphore(%arg20 : memref<!tpu.dma_semaphore, #tpu.memory_space<semaphore_mem>>)
    %dma_wait3A_793 = arith.constant 0 : i32
    %dma_wait3A_794 = arith.constant 0 : i32
    %dma_wait3A_795 = tpu.memref_slice %arg4[%dma_wait3A_793, %dma_wait3A_794] : memref<106496x128xf32, #tpu.memory_space<hbm>> -> memref<128x128xf32, #tpu.memory_space<hbm>>
    %dma_wait3A_796 = arith.constant 0 : i32
    %dma_wait3A_797 = arith.constant 0 : i32
    %dma_wait3A_798 = tpu.memref_slice %arg4[%dma_wait3A_796, %dma_wait3A_797] : memref<106496x128xf32, #tpu.memory_space<hbm>> -> memref<128x128xf32, #tpu.memory_space<hbm>>
    tpu.wait_dma2 semaphore(%arg25 : memref<!tpu.dma_semaphore, #tpu.memory_space<semaphore_mem>>) src(%arg11 : memref<128x128xf32, #tpu.memory_space<vmem>>) dst(%dma_wait3A_798 : memref<128x128xf32, #tpu.memory_space<hbm>>)
    %dma_start3A_799 = arith.constant 1536 : i32
    %dma_start3A_800 = tpu.memref_slice %arg5[%dma_start3A_799] : memref<3328xi32, #tpu.memory_space<vmem>> -> memref<128xi32, #tpu.memory_space<vmem>>
    %dma_start3A_801 = arith.constant 0 : i32
    %dma_start3A_802 = arith.constant 0 : i32
    %dma_start3A_803 = tpu.memref_slice %arg3[%dma_start3A_801, %dma_start3A_802] : memref<2600000x128xf32, #tpu.memory_space<hbm>> -> memref<2600000x128xf32, #tpu.memory_space<hbm>>
    tpu.enqueue_indirect_dma source(%dma_start3A_803 : memref<2600000x128xf32, #tpu.memory_space<hbm>>) target(%arg11 : memref<128x128xf32, #tpu.memory_space<vmem>>) offsets(%dma_start3A_800 : memref<128xi32, #tpu.memory_space<vmem>>) semaphore(%arg18 : memref<!tpu.dma_semaphore, #tpu.memory_space<semaphore_mem>>)
    %dma_wait3A_804 = arith.constant 0 : i32
    %dma_wait3A_805 = arith.constant 0 : i32
    %dma_wait3A_806 = tpu.memref_slice %arg3[%dma_wait3A_804, %dma_wait3A_805] : memref<2600000x128xf32, #tpu.memory_space<hbm>> -> memref<128x128xf32, #tpu.memory_space<hbm>>
    %dma_wait3A_807 = arith.constant 0 : i32
    %dma_wait3A_808 = arith.constant 0 : i32
    %dma_wait3A_809 = tpu.memref_slice %arg3[%dma_wait3A_807, %dma_wait3A_808] : memref<2600000x128xf32, #tpu.memory_space<hbm>> -> memref<128x128xf32, #tpu.memory_space<hbm>>
    tpu.wait_dma2 semaphore(%arg14 : memref<!tpu.dma_semaphore, #tpu.memory_space<semaphore_mem>>) src(%dma_wait3A_809 : memref<128x128xf32, #tpu.memory_space<hbm>>) dst(%arg7 : memref<128x128xf32, #tpu.memory_space<vmem>>)
    %add3A_810 = arith.constant 1024 : i32
    %add3A_811 = arith.addi %mul3A_2, %add3A_810 : i32
    %dma_start3A_812 = arith.constant 0 : i32
    %dma_start3A_813 = tpu.memref_slice %arg4[%add3A_811, %dma_start3A_812] : memref<106496x128xf32, #tpu.memory_space<hbm>> -> memref<128x128xf32, #tpu.memory_space<hbm>>
    %dma_start3A_814 = arith.constant 0 : i32
    %dma_start3A_815 = tpu.memref_slice %arg4[%add3A_811, %dma_start3A_814] : memref<106496x128xf32, #tpu.memory_space<hbm>> -> memref<128x128xf32, #tpu.memory_space<hbm>>
    tpu.enqueue_dma source(%arg7 : memref<128x128xf32, #tpu.memory_space<vmem>>) target(%dma_start3A_815 : memref<128x128xf32, #tpu.memory_space<hbm>>) target_semaphore(%arg21 : memref<!tpu.dma_semaphore, #tpu.memory_space<semaphore_mem>>)
    %dma_wait3A_816 = arith.constant 0 : i32
    %dma_wait3A_817 = arith.constant 0 : i32
    %dma_wait3A_818 = tpu.memref_slice %arg4[%dma_wait3A_816, %dma_wait3A_817] : memref<106496x128xf32, #tpu.memory_space<hbm>> -> memref<128x128xf32, #tpu.memory_space<hbm>>
    %dma_wait3A_819 = arith.constant 0 : i32
    %dma_wait3A_820 = arith.constant 0 : i32
    %dma_wait3A_821 = tpu.memref_slice %arg4[%dma_wait3A_819, %dma_wait3A_820] : memref<106496x128xf32, #tpu.memory_space<hbm>> -> memref<128x128xf32, #tpu.memory_space<hbm>>
    tpu.wait_dma2 semaphore(%arg26 : memref<!tpu.dma_semaphore, #tpu.memory_space<semaphore_mem>>) src(%arg12 : memref<128x128xf32, #tpu.memory_space<vmem>>) dst(%dma_wait3A_821 : memref<128x128xf32, #tpu.memory_space<hbm>>)
    %dma_start3A_822 = arith.constant 1664 : i32
    %dma_start3A_823 = tpu.memref_slice %arg5[%dma_start3A_822] : memref<3328xi32, #tpu.memory_space<vmem>> -> memref<128xi32, #tpu.memory_space<vmem>>
    %dma_start3A_824 = arith.constant 0 : i32
    %dma_start3A_825 = arith.constant 0 : i32
    %dma_start3A_826 = tpu.memref_slice %arg3[%dma_start3A_824, %dma_start3A_825] : memref<2600000x128xf32, #tpu.memory_space<hbm>> -> memref<2600000x128xf32, #tpu.memory_space<hbm>>
    tpu.enqueue_indirect_dma source(%dma_start3A_826 : memref<2600000x128xf32, #tpu.memory_space<hbm>>) target(%arg12 : memref<128x128xf32, #tpu.memory_space<vmem>>) offsets(%dma_start3A_823 : memref<128xi32, #tpu.memory_space<vmem>>) semaphore(%arg19 : memref<!tpu.dma_semaphore, #tpu.memory_space<semaphore_mem>>)
    %dma_wait3A_827 = arith.constant 0 : i32
    %dma_wait3A_828 = arith.constant 0 : i32
    %dma_wait3A_829 = tpu.memref_slice %arg3[%dma_wait3A_827, %dma_wait3A_828] : memref<2600000x128xf32, #tpu.memory_space<hbm>> -> memref<128x128xf32, #tpu.memory_space<hbm>>
    %dma_wait3A_830 = arith.constant 0 : i32
    %dma_wait3A_831 = arith.constant 0 : i32
    %dma_wait3A_832 = tpu.memref_slice %arg3[%dma_wait3A_830, %dma_wait3A_831] : memref<2600000x128xf32, #tpu.memory_space<hbm>> -> memref<128x128xf32, #tpu.memory_space<hbm>>
    tpu.wait_dma2 semaphore(%arg15 : memref<!tpu.dma_semaphore, #tpu.memory_space<semaphore_mem>>) src(%dma_wait3A_832 : memref<128x128xf32, #tpu.memory_space<hbm>>) dst(%arg8 : memref<128x128xf32, #tpu.memory_space<vmem>>)
    %add3A_833 = arith.constant 1152 : i32
    %add3A_834 = arith.addi %mul3A_2, %add3A_833 : i32
    %dma_start3A_835 = arith.constant 0 : i32
    %dma_start3A_836 = tpu.memref_slice %arg4[%add3A_834, %dma_start3A_835] : memref<106496x128xf32, #tpu.memory_space<hbm>> -> memref<128x128xf32, #tpu.memory_space<hbm>>
    %dma_start3A_837 = arith.constant 0 : i32
    %dma_start3A_838 = tpu.memref_slice %arg4[%add3A_834, %dma_start3A_837] : memref<106496x128xf32, #tpu.memory_space<hbm>> -> memref<128x128xf32, #tpu.memory_space<hbm>>
    tpu.enqueue_dma source(%arg8 : memref<128x128xf32, #tpu.memory_space<vmem>>) target(%dma_start3A_838 : memref<128x128xf32, #tpu.memory_space<hbm>>) target_semaphore(%arg22 : memref<!tpu.dma_semaphore, #tpu.memory_space<semaphore_mem>>)
    %dma_wait3A_839 = arith.constant 0 : i32
    %dma_wait3A_840 = arith.constant 0 : i32
    %dma_wait3A_841 = tpu.memref_slice %arg4[%dma_wait3A_839, %dma_wait3A_840] : memref<106496x128xf32, #tpu.memory_space<hbm>> -> memref<128x128xf32, #tpu.memory_space<hbm>>
    %dma_wait3A_842 = arith.constant 0 : i32
    %dma_wait3A_843 = arith.constant 0 : i32
    %dma_wait3A_844 = tpu.memref_slice %arg4[%dma_wait3A_842, %dma_wait3A_843] : memref<106496x128xf32, #tpu.memory_space<hbm>> -> memref<128x128xf32, #tpu.memory_space<hbm>>
    tpu.wait_dma2 semaphore(%arg20 : memref<!tpu.dma_semaphore, #tpu.memory_space<semaphore_mem>>) src(%arg6 : memref<128x128xf32, #tpu.memory_space<vmem>>) dst(%dma_wait3A_844 : memref<128x128xf32, #tpu.memory_space<hbm>>)
    %dma_start3A_845 = arith.constant 1792 : i32
    %dma_start3A_846 = tpu.memref_slice %arg5[%dma_start3A_845] : memref<3328xi32, #tpu.memory_space<vmem>> -> memref<128xi32, #tpu.memory_space<vmem>>
    %dma_start3A_847 = arith.constant 0 : i32
    %dma_start3A_848 = arith.constant 0 : i32
    %dma_start3A_849 = tpu.memref_slice %arg3[%dma_start3A_847, %dma_start3A_848] : memref<2600000x128xf32, #tpu.memory_space<hbm>> -> memref<2600000x128xf32, #tpu.memory_space<hbm>>
    tpu.enqueue_indirect_dma source(%dma_start3A_849 : memref<2600000x128xf32, #tpu.memory_space<hbm>>) target(%arg6 : memref<128x128xf32, #tpu.memory_space<vmem>>) offsets(%dma_start3A_846 : memref<128xi32, #tpu.memory_space<vmem>>) semaphore(%arg13 : memref<!tpu.dma_semaphore, #tpu.memory_space<semaphore_mem>>)
    %dma_wait3A_850 = arith.constant 0 : i32
    %dma_wait3A_851 = arith.constant 0 : i32
    %dma_wait3A_852 = tpu.memref_slice %arg3[%dma_wait3A_850, %dma_wait3A_851] : memref<2600000x128xf32, #tpu.memory_space<hbm>> -> memref<128x128xf32, #tpu.memory_space<hbm>>
    %dma_wait3A_853 = arith.constant 0 : i32
    %dma_wait3A_854 = arith.constant 0 : i32
    %dma_wait3A_855 = tpu.memref_slice %arg3[%dma_wait3A_853, %dma_wait3A_854] : memref<2600000x128xf32, #tpu.memory_space<hbm>> -> memref<128x128xf32, #tpu.memory_space<hbm>>
    tpu.wait_dma2 semaphore(%arg16 : memref<!tpu.dma_semaphore, #tpu.memory_space<semaphore_mem>>) src(%dma_wait3A_855 : memref<128x128xf32, #tpu.memory_space<hbm>>) dst(%arg9 : memref<128x128xf32, #tpu.memory_space<vmem>>)
    %add3A_856 = arith.constant 1280 : i32
    %add3A_857 = arith.addi %mul3A_2, %add3A_856 : i32
    %dma_start3A_858 = arith.constant 0 : i32
    %dma_start3A_859 = tpu.memref_slice %arg4[%add3A_857, %dma_start3A_858] : memref<106496x128xf32, #tpu.memory_space<hbm>> -> memref<128x128xf32, #tpu.memory_space<hbm>>
    %dma_start3A_860 = arith.constant 0 : i32
    %dma_start3A_861 = tpu.memref_slice %arg4[%add3A_857, %dma_start3A_860] : memref<106496x128xf32, #tpu.memory_space<hbm>> -> memref<128x128xf32, #tpu.memory_space<hbm>>
    tpu.enqueue_dma source(%arg9 : memref<128x128xf32, #tpu.memory_space<vmem>>) target(%dma_start3A_861 : memref<128x128xf32, #tpu.memory_space<hbm>>) target_semaphore(%arg23 : memref<!tpu.dma_semaphore, #tpu.memory_space<semaphore_mem>>)
    %dma_wait3A_862 = arith.constant 0 : i32
    %dma_wait3A_863 = arith.constant 0 : i32
    %dma_wait3A_864 = tpu.memref_slice %arg4[%dma_wait3A_862, %dma_wait3A_863] : memref<106496x128xf32, #tpu.memory_space<hbm>> -> memref<128x128xf32, #tpu.memory_space<hbm>>
    %dma_wait3A_865 = arith.constant 0 : i32
    %dma_wait3A_866 = arith.constant 0 : i32
    %dma_wait3A_867 = tpu.memref_slice %arg4[%dma_wait3A_865, %dma_wait3A_866] : memref<106496x128xf32, #tpu.memory_space<hbm>> -> memref<128x128xf32, #tpu.memory_space<hbm>>
    tpu.wait_dma2 semaphore(%arg21 : memref<!tpu.dma_semaphore, #tpu.memory_space<semaphore_mem>>) src(%arg7 : memref<128x128xf32, #tpu.memory_space<vmem>>) dst(%dma_wait3A_867 : memref<128x128xf32, #tpu.memory_space<hbm>>)
    %dma_start3A_868 = arith.constant 1920 : i32
    %dma_start3A_869 = tpu.memref_slice %arg5[%dma_start3A_868] : memref<3328xi32, #tpu.memory_space<vmem>> -> memref<128xi32, #tpu.memory_space<vmem>>
    %dma_start3A_870 = arith.constant 0 : i32
    %dma_start3A_871 = arith.constant 0 : i32
    %dma_start3A_872 = tpu.memref_slice %arg3[%dma_start3A_870, %dma_start3A_871] : memref<2600000x128xf32, #tpu.memory_space<hbm>> -> memref<2600000x128xf32, #tpu.memory_space<hbm>>
    tpu.enqueue_indirect_dma source(%dma_start3A_872 : memref<2600000x128xf32, #tpu.memory_space<hbm>>) target(%arg7 : memref<128x128xf32, #tpu.memory_space<vmem>>) offsets(%dma_start3A_869 : memref<128xi32, #tpu.memory_space<vmem>>) semaphore(%arg14 : memref<!tpu.dma_semaphore, #tpu.memory_space<semaphore_mem>>)
    %dma_wait3A_873 = arith.constant 0 : i32
    %dma_wait3A_874 = arith.constant 0 : i32
    %dma_wait3A_875 = tpu.memref_slice %arg3[%dma_wait3A_873, %dma_wait3A_874] : memref<2600000x128xf32, #tpu.memory_space<hbm>> -> memref<128x128xf32, #tpu.memory_space<hbm>>
    %dma_wait3A_876 = arith.constant 0 : i32
    %dma_wait3A_877 = arith.constant 0 : i32
    %dma_wait3A_878 = tpu.memref_slice %arg3[%dma_wait3A_876, %dma_wait3A_877] : memref<2600000x128xf32, #tpu.memory_space<hbm>> -> memref<128x128xf32, #tpu.memory_space<hbm>>
    tpu.wait_dma2 semaphore(%arg17 : memref<!tpu.dma_semaphore, #tpu.memory_space<semaphore_mem>>) src(%dma_wait3A_878 : memref<128x128xf32, #tpu.memory_space<hbm>>) dst(%arg10 : memref<128x128xf32, #tpu.memory_space<vmem>>)
    %add3A_879 = arith.constant 1408 : i32
    %add3A_880 = arith.addi %mul3A_2, %add3A_879 : i32
    %dma_start3A_881 = arith.constant 0 : i32
    %dma_start3A_882 = tpu.memref_slice %arg4[%add3A_880, %dma_start3A_881] : memref<106496x128xf32, #tpu.memory_space<hbm>> -> memref<128x128xf32, #tpu.memory_space<hbm>>
    %dma_start3A_883 = arith.constant 0 : i32
    %dma_start3A_884 = tpu.memref_slice %arg4[%add3A_880, %dma_start3A_883] : memref<106496x128xf32, #tpu.memory_space<hbm>> -> memref<128x128xf32, #tpu.memory_space<hbm>>
    tpu.enqueue_dma source(%arg10 : memref<128x128xf32, #tpu.memory_space<vmem>>) target(%dma_start3A_884 : memref<128x128xf32, #tpu.memory_space<hbm>>) target_semaphore(%arg24 : memref<!tpu.dma_semaphore, #tpu.memory_space<semaphore_mem>>)
    %dma_wait3A_885 = arith.constant 0 : i32
    %dma_wait3A_886 = arith.constant 0 : i32
    %dma_wait3A_887 = tpu.memref_slice %arg4[%dma_wait3A_885, %dma_wait3A_886] : memref<106496x128xf32, #tpu.memory_space<hbm>> -> memref<128x128xf32, #tpu.memory_space<hbm>>
    %dma_wait3A_888 = arith.constant 0 : i32
    %dma_wait3A_889 = arith.constant 0 : i32
    %dma_wait3A_890 = tpu.memref_slice %arg4[%dma_wait3A_888, %dma_wait3A_889] : memref<106496x128xf32, #tpu.memory_space<hbm>> -> memref<128x128xf32, #tpu.memory_space<hbm>>
    tpu.wait_dma2 semaphore(%arg22 : memref<!tpu.dma_semaphore, #tpu.memory_space<semaphore_mem>>) src(%arg8 : memref<128x128xf32, #tpu.memory_space<vmem>>) dst(%dma_wait3A_890 : memref<128x128xf32, #tpu.memory_space<hbm>>)
    %dma_start3A_891 = arith.constant 2048 : i32
    %dma_start3A_892 = tpu.memref_slice %arg5[%dma_start3A_891] : memref<3328xi32, #tpu.memory_space<vmem>> -> memref<128xi32, #tpu.memory_space<vmem>>
    %dma_start3A_893 = arith.constant 0 : i32
    %dma_start3A_894 = arith.constant 0 : i32
    %dma_start3A_895 = tpu.memref_slice %arg3[%dma_start3A_893, %dma_start3A_894] : memref<2600000x128xf32, #tpu.memory_space<hbm>> -> memref<2600000x128xf32, #tpu.memory_space<hbm>>
    tpu.enqueue_indirect_dma source(%dma_start3A_895 : memref<2600000x128xf32, #tpu.memory_space<hbm>>) target(%arg8 : memref<128x128xf32, #tpu.memory_space<vmem>>) offsets(%dma_start3A_892 : memref<128xi32, #tpu.memory_space<vmem>>) semaphore(%arg15 : memref<!tpu.dma_semaphore, #tpu.memory_space<semaphore_mem>>)
    %dma_wait3A_896 = arith.constant 0 : i32
    %dma_wait3A_897 = arith.constant 0 : i32
    %dma_wait3A_898 = tpu.memref_slice %arg3[%dma_wait3A_896, %dma_wait3A_897] : memref<2600000x128xf32, #tpu.memory_space<hbm>> -> memref<128x128xf32, #tpu.memory_space<hbm>>
    %dma_wait3A_899 = arith.constant 0 : i32
    %dma_wait3A_900 = arith.constant 0 : i32
    %dma_wait3A_901 = tpu.memref_slice %arg3[%dma_wait3A_899, %dma_wait3A_900] : memref<2600000x128xf32, #tpu.memory_space<hbm>> -> memref<128x128xf32, #tpu.memory_space<hbm>>
    tpu.wait_dma2 semaphore(%arg18 : memref<!tpu.dma_semaphore, #tpu.memory_space<semaphore_mem>>) src(%dma_wait3A_901 : memref<128x128xf32, #tpu.memory_space<hbm>>) dst(%arg11 : memref<128x128xf32, #tpu.memory_space<vmem>>)
    %add3A_902 = arith.constant 1536 : i32
    %add3A_903 = arith.addi %mul3A_2, %add3A_902 : i32
    %dma_start3A_904 = arith.constant 0 : i32
    %dma_start3A_905 = tpu.memref_slice %arg4[%add3A_903, %dma_start3A_904] : memref<106496x128xf32, #tpu.memory_space<hbm>> -> memref<128x128xf32, #tpu.memory_space<hbm>>
    %dma_start3A_906 = arith.constant 0 : i32
    %dma_start3A_907 = tpu.memref_slice %arg4[%add3A_903, %dma_start3A_906] : memref<106496x128xf32, #tpu.memory_space<hbm>> -> memref<128x128xf32, #tpu.memory_space<hbm>>
    tpu.enqueue_dma source(%arg11 : memref<128x128xf32, #tpu.memory_space<vmem>>) target(%dma_start3A_907 : memref<128x128xf32, #tpu.memory_space<hbm>>) target_semaphore(%arg25 : memref<!tpu.dma_semaphore, #tpu.memory_space<semaphore_mem>>)
    %dma_wait3A_908 = arith.constant 0 : i32
    %dma_wait3A_909 = arith.constant 0 : i32
    %dma_wait3A_910 = tpu.memref_slice %arg4[%dma_wait3A_908, %dma_wait3A_909] : memref<106496x128xf32, #tpu.memory_space<hbm>> -> memref<128x128xf32, #tpu.memory_space<hbm>>
    %dma_wait3A_911 = arith.constant 0 : i32
    %dma_wait3A_912 = arith.constant 0 : i32
    %dma_wait3A_913 = tpu.memref_slice %arg4[%dma_wait3A_911, %dma_wait3A_912] : memref<106496x128xf32, #tpu.memory_space<hbm>> -> memref<128x128xf32, #tpu.memory_space<hbm>>
    tpu.wait_dma2 semaphore(%arg23 : memref<!tpu.dma_semaphore, #tpu.memory_space<semaphore_mem>>) src(%arg9 : memref<128x128xf32, #tpu.memory_space<vmem>>) dst(%dma_wait3A_913 : memref<128x128xf32, #tpu.memory_space<hbm>>)
    %dma_start3A_914 = arith.constant 2176 : i32
    %dma_start3A_915 = tpu.memref_slice %arg5[%dma_start3A_914] : memref<3328xi32, #tpu.memory_space<vmem>> -> memref<128xi32, #tpu.memory_space<vmem>>
    %dma_start3A_916 = arith.constant 0 : i32
    %dma_start3A_917 = arith.constant 0 : i32
    %dma_start3A_918 = tpu.memref_slice %arg3[%dma_start3A_916, %dma_start3A_917] : memref<2600000x128xf32, #tpu.memory_space<hbm>> -> memref<2600000x128xf32, #tpu.memory_space<hbm>>
    tpu.enqueue_indirect_dma source(%dma_start3A_918 : memref<2600000x128xf32, #tpu.memory_space<hbm>>) target(%arg9 : memref<128x128xf32, #tpu.memory_space<vmem>>) offsets(%dma_start3A_915 : memref<128xi32, #tpu.memory_space<vmem>>) semaphore(%arg16 : memref<!tpu.dma_semaphore, #tpu.memory_space<semaphore_mem>>)
    %dma_wait3A_919 = arith.constant 0 : i32
    %dma_wait3A_920 = arith.constant 0 : i32
    %dma_wait3A_921 = tpu.memref_slice %arg3[%dma_wait3A_919, %dma_wait3A_920] : memref<2600000x128xf32, #tpu.memory_space<hbm>> -> memref<128x128xf32, #tpu.memory_space<hbm>>
    %dma_wait3A_922 = arith.constant 0 : i32
    %dma_wait3A_923 = arith.constant 0 : i32
    %dma_wait3A_924 = tpu.memref_slice %arg3[%dma_wait3A_922, %dma_wait3A_923] : memref<2600000x128xf32, #tpu.memory_space<hbm>> -> memref<128x128xf32, #tpu.memory_space<hbm>>
    tpu.wait_dma2 semaphore(%arg19 : memref<!tpu.dma_semaphore, #tpu.memory_space<semaphore_mem>>) src(%dma_wait3A_924 : memref<128x128xf32, #tpu.memory_space<hbm>>) dst(%arg12 : memref<128x128xf32, #tpu.memory_space<vmem>>)
    %add3A_925 = arith.constant 1664 : i32
    %add3A_926 = arith.addi %mul3A_2, %add3A_925 : i32
    %dma_start3A_927 = arith.constant 0 : i32
    %dma_start3A_928 = tpu.memref_slice %arg4[%add3A_926, %dma_start3A_927] : memref<106496x128xf32, #tpu.memory_space<hbm>> -> memref<128x128xf32, #tpu.memory_space<hbm>>
    %dma_start3A_929 = arith.constant 0 : i32
    %dma_start3A_930 = tpu.memref_slice %arg4[%add3A_926, %dma_start3A_929] : memref<106496x128xf32, #tpu.memory_space<hbm>> -> memref<128x128xf32, #tpu.memory_space<hbm>>
    tpu.enqueue_dma source(%arg12 : memref<128x128xf32, #tpu.memory_space<vmem>>) target(%dma_start3A_930 : memref<128x128xf32, #tpu.memory_space<hbm>>) target_semaphore(%arg26 : memref<!tpu.dma_semaphore, #tpu.memory_space<semaphore_mem>>)
    %dma_wait3A_931 = arith.constant 0 : i32
    %dma_wait3A_932 = arith.constant 0 : i32
    %dma_wait3A_933 = tpu.memref_slice %arg4[%dma_wait3A_931, %dma_wait3A_932] : memref<106496x128xf32, #tpu.memory_space<hbm>> -> memref<128x128xf32, #tpu.memory_space<hbm>>
    %dma_wait3A_934 = arith.constant 0 : i32
    %dma_wait3A_935 = arith.constant 0 : i32
    %dma_wait3A_936 = tpu.memref_slice %arg4[%dma_wait3A_934, %dma_wait3A_935] : memref<106496x128xf32, #tpu.memory_space<hbm>> -> memref<128x128xf32, #tpu.memory_space<hbm>>
    tpu.wait_dma2 semaphore(%arg24 : memref<!tpu.dma_semaphore, #tpu.memory_space<semaphore_mem>>) src(%arg10 : memref<128x128xf32, #tpu.memory_space<vmem>>) dst(%dma_wait3A_936 : memref<128x128xf32, #tpu.memory_space<hbm>>)
    %dma_start3A_937 = arith.constant 2304 : i32
    %dma_start3A_938 = tpu.memref_slice %arg5[%dma_start3A_937] : memref<3328xi32, #tpu.memory_space<vmem>> -> memref<128xi32, #tpu.memory_space<vmem>>
    %dma_start3A_939 = arith.constant 0 : i32
    %dma_start3A_940 = arith.constant 0 : i32
    %dma_start3A_941 = tpu.memref_slice %arg3[%dma_start3A_939, %dma_start3A_940] : memref<2600000x128xf32, #tpu.memory_space<hbm>> -> memref<2600000x128xf32, #tpu.memory_space<hbm>>
    tpu.enqueue_indirect_dma source(%dma_start3A_941 : memref<2600000x128xf32, #tpu.memory_space<hbm>>) target(%arg10 : memref<128x128xf32, #tpu.memory_space<vmem>>) offsets(%dma_start3A_938 : memref<128xi32, #tpu.memory_space<vmem>>) semaphore(%arg17 : memref<!tpu.dma_semaphore, #tpu.memory_space<semaphore_mem>>)
    %dma_wait3A_942 = arith.constant 0 : i32
    %dma_wait3A_943 = arith.constant 0 : i32
    %dma_wait3A_944 = tpu.memref_slice %arg3[%dma_wait3A_942, %dma_wait3A_943] : memref<2600000x128xf32, #tpu.memory_space<hbm>> -> memref<128x128xf32, #tpu.memory_space<hbm>>
    %dma_wait3A_945 = arith.constant 0 : i32
    %dma_wait3A_946 = arith.constant 0 : i32
    %dma_wait3A_947 = tpu.memref_slice %arg3[%dma_wait3A_945, %dma_wait3A_946] : memref<2600000x128xf32, #tpu.memory_space<hbm>> -> memref<128x128xf32, #tpu.memory_space<hbm>>
    tpu.wait_dma2 semaphore(%arg13 : memref<!tpu.dma_semaphore, #tpu.memory_space<semaphore_mem>>) src(%dma_wait3A_947 : memref<128x128xf32, #tpu.memory_space<hbm>>) dst(%arg6 : memref<128x128xf32, #tpu.memory_space<vmem>>)
    %add3A_948 = arith.constant 1792 : i32
    %add3A_949 = arith.addi %mul3A_2, %add3A_948 : i32
    %dma_start3A_950 = arith.constant 0 : i32
    %dma_start3A_951 = tpu.memref_slice %arg4[%add3A_949, %dma_start3A_950] : memref<106496x128xf32, #tpu.memory_space<hbm>> -> memref<128x128xf32, #tpu.memory_space<hbm>>
    %dma_start3A_952 = arith.constant 0 : i32
    %dma_start3A_953 = tpu.memref_slice %arg4[%add3A_949, %dma_start3A_952] : memref<106496x128xf32, #tpu.memory_space<hbm>> -> memref<128x128xf32, #tpu.memory_space<hbm>>
    tpu.enqueue_dma source(%arg6 : memref<128x128xf32, #tpu.memory_space<vmem>>) target(%dma_start3A_953 : memref<128x128xf32, #tpu.memory_space<hbm>>) target_semaphore(%arg20 : memref<!tpu.dma_semaphore, #tpu.memory_space<semaphore_mem>>)
    %dma_wait3A_954 = arith.constant 0 : i32
    %dma_wait3A_955 = arith.constant 0 : i32
    %dma_wait3A_956 = tpu.memref_slice %arg4[%dma_wait3A_954, %dma_wait3A_955] : memref<106496x128xf32, #tpu.memory_space<hbm>> -> memref<128x128xf32, #tpu.memory_space<hbm>>
    %dma_wait3A_957 = arith.constant 0 : i32
    %dma_wait3A_958 = arith.constant 0 : i32
    %dma_wait3A_959 = tpu.memref_slice %arg4[%dma_wait3A_957, %dma_wait3A_958] : memref<106496x128xf32, #tpu.memory_space<hbm>> -> memref<128x128xf32, #tpu.memory_space<hbm>>
    tpu.wait_dma2 semaphore(%arg25 : memref<!tpu.dma_semaphore, #tpu.memory_space<semaphore_mem>>) src(%arg11 : memref<128x128xf32, #tpu.memory_space<vmem>>) dst(%dma_wait3A_959 : memref<128x128xf32, #tpu.memory_space<hbm>>)
    %dma_start3A_960 = arith.constant 2432 : i32
    %dma_start3A_961 = tpu.memref_slice %arg5[%dma_start3A_960] : memref<3328xi32, #tpu.memory_space<vmem>> -> memref<128xi32, #tpu.memory_space<vmem>>
    %dma_start3A_962 = arith.constant 0 : i32
    %dma_start3A_963 = arith.constant 0 : i32
    %dma_start3A_964 = tpu.memref_slice %arg3[%dma_start3A_962, %dma_start3A_963] : memref<2600000x128xf32, #tpu.memory_space<hbm>> -> memref<2600000x128xf32, #tpu.memory_space<hbm>>
    tpu.enqueue_indirect_dma source(%dma_start3A_964 : memref<2600000x128xf32, #tpu.memory_space<hbm>>) target(%arg11 : memref<128x128xf32, #tpu.memory_space<vmem>>) offsets(%dma_start3A_961 : memref<128xi32, #tpu.memory_space<vmem>>) semaphore(%arg18 : memref<!tpu.dma_semaphore, #tpu.memory_space<semaphore_mem>>)
    %dma_wait3A_965 = arith.constant 0 : i32
    %dma_wait3A_966 = arith.constant 0 : i32
    %dma_wait3A_967 = tpu.memref_slice %arg3[%dma_wait3A_965, %dma_wait3A_966] : memref<2600000x128xf32, #tpu.memory_space<hbm>> -> memref<128x128xf32, #tpu.memory_space<hbm>>
    %dma_wait3A_968 = arith.constant 0 : i32
    %dma_wait3A_969 = arith.constant 0 : i32
    %dma_wait3A_970 = tpu.memref_slice %arg3[%dma_wait3A_968, %dma_wait3A_969] : memref<2600000x128xf32, #tpu.memory_space<hbm>> -> memref<128x128xf32, #tpu.memory_space<hbm>>
    tpu.wait_dma2 semaphore(%arg14 : memref<!tpu.dma_semaphore, #tpu.memory_space<semaphore_mem>>) src(%dma_wait3A_970 : memref<128x128xf32, #tpu.memory_space<hbm>>) dst(%arg7 : memref<128x128xf32, #tpu.memory_space<vmem>>)
    %add3A_971 = arith.constant 1920 : i32
    %add3A_972 = arith.addi %mul3A_2, %add3A_971 : i32
    %dma_start3A_973 = arith.constant 0 : i32
    %dma_start3A_974 = tpu.memref_slice %arg4[%add3A_972, %dma_start3A_973] : memref<106496x128xf32, #tpu.memory_space<hbm>> -> memref<128x128xf32, #tpu.memory_space<hbm>>
    %dma_start3A_975 = arith.constant 0 : i32
    %dma_start3A_976 = tpu.memref_slice %arg4[%add3A_972, %dma_start3A_975] : memref<106496x128xf32, #tpu.memory_space<hbm>> -> memref<128x128xf32, #tpu.memory_space<hbm>>
    tpu.enqueue_dma source(%arg7 : memref<128x128xf32, #tpu.memory_space<vmem>>) target(%dma_start3A_976 : memref<128x128xf32, #tpu.memory_space<hbm>>) target_semaphore(%arg21 : memref<!tpu.dma_semaphore, #tpu.memory_space<semaphore_mem>>)
    %dma_wait3A_977 = arith.constant 0 : i32
    %dma_wait3A_978 = arith.constant 0 : i32
    %dma_wait3A_979 = tpu.memref_slice %arg4[%dma_wait3A_977, %dma_wait3A_978] : memref<106496x128xf32, #tpu.memory_space<hbm>> -> memref<128x128xf32, #tpu.memory_space<hbm>>
    %dma_wait3A_980 = arith.constant 0 : i32
    %dma_wait3A_981 = arith.constant 0 : i32
    %dma_wait3A_982 = tpu.memref_slice %arg4[%dma_wait3A_980, %dma_wait3A_981] : memref<106496x128xf32, #tpu.memory_space<hbm>> -> memref<128x128xf32, #tpu.memory_space<hbm>>
    tpu.wait_dma2 semaphore(%arg26 : memref<!tpu.dma_semaphore, #tpu.memory_space<semaphore_mem>>) src(%arg12 : memref<128x128xf32, #tpu.memory_space<vmem>>) dst(%dma_wait3A_982 : memref<128x128xf32, #tpu.memory_space<hbm>>)
    %dma_start3A_983 = arith.constant 2560 : i32
    %dma_start3A_984 = tpu.memref_slice %arg5[%dma_start3A_983] : memref<3328xi32, #tpu.memory_space<vmem>> -> memref<128xi32, #tpu.memory_space<vmem>>
    %dma_start3A_985 = arith.constant 0 : i32
    %dma_start3A_986 = arith.constant 0 : i32
    %dma_start3A_987 = tpu.memref_slice %arg3[%dma_start3A_985, %dma_start3A_986] : memref<2600000x128xf32, #tpu.memory_space<hbm>> -> memref<2600000x128xf32, #tpu.memory_space<hbm>>
    tpu.enqueue_indirect_dma source(%dma_start3A_987 : memref<2600000x128xf32, #tpu.memory_space<hbm>>) target(%arg12 : memref<128x128xf32, #tpu.memory_space<vmem>>) offsets(%dma_start3A_984 : memref<128xi32, #tpu.memory_space<vmem>>) semaphore(%arg19 : memref<!tpu.dma_semaphore, #tpu.memory_space<semaphore_mem>>)
    %dma_wait3A_988 = arith.constant 0 : i32
    %dma_wait3A_989 = arith.constant 0 : i32
    %dma_wait3A_990 = tpu.memref_slice %arg3[%dma_wait3A_988, %dma_wait3A_989] : memref<2600000x128xf32, #tpu.memory_space<hbm>> -> memref<128x128xf32, #tpu.memory_space<hbm>>
    %dma_wait3A_991 = arith.constant 0 : i32
    %dma_wait3A_992 = arith.constant 0 : i32
    %dma_wait3A_993 = tpu.memref_slice %arg3[%dma_wait3A_991, %dma_wait3A_992] : memref<2600000x128xf32, #tpu.memory_space<hbm>> -> memref<128x128xf32, #tpu.memory_space<hbm>>
    tpu.wait_dma2 semaphore(%arg15 : memref<!tpu.dma_semaphore, #tpu.memory_space<semaphore_mem>>) src(%dma_wait3A_993 : memref<128x128xf32, #tpu.memory_space<hbm>>) dst(%arg8 : memref<128x128xf32, #tpu.memory_space<vmem>>)
    %add3A_994 = arith.constant 2048 : i32
    %add3A_995 = arith.addi %mul3A_2, %add3A_994 : i32
    %dma_start3A_996 = arith.constant 0 : i32
    %dma_start3A_997 = tpu.memref_slice %arg4[%add3A_995, %dma_start3A_996] : memref<106496x128xf32, #tpu.memory_space<hbm>> -> memref<128x128xf32, #tpu.memory_space<hbm>>
    %dma_start3A_998 = arith.constant 0 : i32
    %dma_start3A_999 = tpu.memref_slice %arg4[%add3A_995, %dma_start3A_998] : memref<106496x128xf32, #tpu.memory_space<hbm>> -> memref<128x128xf32, #tpu.memory_space<hbm>>
    tpu.enqueue_dma source(%arg8 : memref<128x128xf32, #tpu.memory_space<vmem>>) target(%dma_start3A_999 : memref<128x128xf32, #tpu.memory_space<hbm>>) target_semaphore(%arg22 : memref<!tpu.dma_semaphore, #tpu.memory_space<semaphore_mem>>)
    %dma_wait3A_1000 = arith.constant 0 : i32
    %dma_wait3A_1001 = arith.constant 0 : i32
    %dma_wait3A_1002 = tpu.memref_slice %arg4[%dma_wait3A_1000, %dma_wait3A_1001] : memref<106496x128xf32, #tpu.memory_space<hbm>> -> memref<128x128xf32, #tpu.memory_space<hbm>>
    %dma_wait3A_1003 = arith.constant 0 : i32
    %dma_wait3A_1004 = arith.constant 0 : i32
    %dma_wait3A_1005 = tpu.memref_slice %arg4[%dma_wait3A_1003, %dma_wait3A_1004] : memref<106496x128xf32, #tpu.memory_space<hbm>> -> memref<128x128xf32, #tpu.memory_space<hbm>>
    tpu.wait_dma2 semaphore(%arg20 : memref<!tpu.dma_semaphore, #tpu.memory_space<semaphore_mem>>) src(%arg6 : memref<128x128xf32, #tpu.memory_space<vmem>>) dst(%dma_wait3A_1005 : memref<128x128xf32, #tpu.memory_space<hbm>>)
    %dma_start3A_1006 = arith.constant 2688 : i32
    %dma_start3A_1007 = tpu.memref_slice %arg5[%dma_start3A_1006] : memref<3328xi32, #tpu.memory_space<vmem>> -> memref<128xi32, #tpu.memory_space<vmem>>
    %dma_start3A_1008 = arith.constant 0 : i32
    %dma_start3A_1009 = arith.constant 0 : i32
    %dma_start3A_1010 = tpu.memref_slice %arg3[%dma_start3A_1008, %dma_start3A_1009] : memref<2600000x128xf32, #tpu.memory_space<hbm>> -> memref<2600000x128xf32, #tpu.memory_space<hbm>>
    tpu.enqueue_indirect_dma source(%dma_start3A_1010 : memref<2600000x128xf32, #tpu.memory_space<hbm>>) target(%arg6 : memref<128x128xf32, #tpu.memory_space<vmem>>) offsets(%dma_start3A_1007 : memref<128xi32, #tpu.memory_space<vmem>>) semaphore(%arg13 : memref<!tpu.dma_semaphore, #tpu.memory_space<semaphore_mem>>)
    %dma_wait3A_1011 = arith.constant 0 : i32
    %dma_wait3A_1012 = arith.constant 0 : i32
    %dma_wait3A_1013 = tpu.memref_slice %arg3[%dma_wait3A_1011, %dma_wait3A_1012] : memref<2600000x128xf32, #tpu.memory_space<hbm>> -> memref<128x128xf32, #tpu.memory_space<hbm>>
    %dma_wait3A_1014 = arith.constant 0 : i32
    %dma_wait3A_1015 = arith.constant 0 : i32
    %dma_wait3A_1016 = tpu.memref_slice %arg3[%dma_wait3A_1014, %dma_wait3A_1015] : memref<2600000x128xf32, #tpu.memory_space<hbm>> -> memref<128x128xf32, #tpu.memory_space<hbm>>
    tpu.wait_dma2 semaphore(%arg16 : memref<!tpu.dma_semaphore, #tpu.memory_space<semaphore_mem>>) src(%dma_wait3A_1016 : memref<128x128xf32, #tpu.memory_space<hbm>>) dst(%arg9 : memref<128x128xf32, #tpu.memory_space<vmem>>)
    %add3A_1017 = arith.constant 2176 : i32
    %add3A_1018 = arith.addi %mul3A_2, %add3A_1017 : i32
    %dma_start3A_1019 = arith.constant 0 : i32
    %dma_start3A_1020 = tpu.memref_slice %arg4[%add3A_1018, %dma_start3A_1019] : memref<106496x128xf32, #tpu.memory_space<hbm>> -> memref<128x128xf32, #tpu.memory_space<hbm>>
    %dma_start3A_1021 = arith.constant 0 : i32
    %dma_start3A_1022 = tpu.memref_slice %arg4[%add3A_1018, %dma_start3A_1021] : memref<106496x128xf32, #tpu.memory_space<hbm>> -> memref<128x128xf32, #tpu.memory_space<hbm>>
    tpu.enqueue_dma source(%arg9 : memref<128x128xf32, #tpu.memory_space<vmem>>) target(%dma_start3A_1022 : memref<128x128xf32, #tpu.memory_space<hbm>>) target_semaphore(%arg23 : memref<!tpu.dma_semaphore, #tpu.memory_space<semaphore_mem>>)
    %dma_wait3A_1023 = arith.constant 0 : i32
    %dma_wait3A_1024 = arith.constant 0 : i32
    %dma_wait3A_1025 = tpu.memref_slice %arg4[%dma_wait3A_1023, %dma_wait3A_1024] : memref<106496x128xf32, #tpu.memory_space<hbm>> -> memref<128x128xf32, #tpu.memory_space<hbm>>
    %dma_wait3A_1026 = arith.constant 0 : i32
    %dma_wait3A_1027 = arith.constant 0 : i32
    %dma_wait3A_1028 = tpu.memref_slice %arg4[%dma_wait3A_1026, %dma_wait3A_1027] : memref<106496x128xf32, #tpu.memory_space<hbm>> -> memref<128x128xf32, #tpu.memory_space<hbm>>
    tpu.wait_dma2 semaphore(%arg21 : memref<!tpu.dma_semaphore, #tpu.memory_space<semaphore_mem>>) src(%arg7 : memref<128x128xf32, #tpu.memory_space<vmem>>) dst(%dma_wait3A_1028 : memref<128x128xf32, #tpu.memory_space<hbm>>)
    %dma_start3A_1029 = arith.constant 2816 : i32
    %dma_start3A_1030 = tpu.memref_slice %arg5[%dma_start3A_1029] : memref<3328xi32, #tpu.memory_space<vmem>> -> memref<128xi32, #tpu.memory_space<vmem>>
    %dma_start3A_1031 = arith.constant 0 : i32
    %dma_start3A_1032 = arith.constant 0 : i32
    %dma_start3A_1033 = tpu.memref_slice %arg3[%dma_start3A_1031, %dma_start3A_1032] : memref<2600000x128xf32, #tpu.memory_space<hbm>> -> memref<2600000x128xf32, #tpu.memory_space<hbm>>
    tpu.enqueue_indirect_dma source(%dma_start3A_1033 : memref<2600000x128xf32, #tpu.memory_space<hbm>>) target(%arg7 : memref<128x128xf32, #tpu.memory_space<vmem>>) offsets(%dma_start3A_1030 : memref<128xi32, #tpu.memory_space<vmem>>) semaphore(%arg14 : memref<!tpu.dma_semaphore, #tpu.memory_space<semaphore_mem>>)
    %dma_wait3A_1034 = arith.constant 0 : i32
    %dma_wait3A_1035 = arith.constant 0 : i32
    %dma_wait3A_1036 = tpu.memref_slice %arg3[%dma_wait3A_1034, %dma_wait3A_1035] : memref<2600000x128xf32, #tpu.memory_space<hbm>> -> memref<128x128xf32, #tpu.memory_space<hbm>>
    %dma_wait3A_1037 = arith.constant 0 : i32
    %dma_wait3A_1038 = arith.constant 0 : i32
    %dma_wait3A_1039 = tpu.memref_slice %arg3[%dma_wait3A_1037, %dma_wait3A_1038] : memref<2600000x128xf32, #tpu.memory_space<hbm>> -> memref<128x128xf32, #tpu.memory_space<hbm>>
    tpu.wait_dma2 semaphore(%arg17 : memref<!tpu.dma_semaphore, #tpu.memory_space<semaphore_mem>>) src(%dma_wait3A_1039 : memref<128x128xf32, #tpu.memory_space<hbm>>) dst(%arg10 : memref<128x128xf32, #tpu.memory_space<vmem>>)
    %add3A_1040 = arith.constant 2304 : i32
    %add3A_1041 = arith.addi %mul3A_2, %add3A_1040 : i32
    %dma_start3A_1042 = arith.constant 0 : i32
    %dma_start3A_1043 = tpu.memref_slice %arg4[%add3A_1041, %dma_start3A_1042] : memref<106496x128xf32, #tpu.memory_space<hbm>> -> memref<128x128xf32, #tpu.memory_space<hbm>>
    %dma_start3A_1044 = arith.constant 0 : i32
    %dma_start3A_1045 = tpu.memref_slice %arg4[%add3A_1041, %dma_start3A_1044] : memref<106496x128xf32, #tpu.memory_space<hbm>> -> memref<128x128xf32, #tpu.memory_space<hbm>>
    tpu.enqueue_dma source(%arg10 : memref<128x128xf32, #tpu.memory_space<vmem>>) target(%dma_start3A_1045 : memref<128x128xf32, #tpu.memory_space<hbm>>) target_semaphore(%arg24 : memref<!tpu.dma_semaphore, #tpu.memory_space<semaphore_mem>>)
    %dma_wait3A_1046 = arith.constant 0 : i32
    %dma_wait3A_1047 = arith.constant 0 : i32
    %dma_wait3A_1048 = tpu.memref_slice %arg4[%dma_wait3A_1046, %dma_wait3A_1047] : memref<106496x128xf32, #tpu.memory_space<hbm>> -> memref<128x128xf32, #tpu.memory_space<hbm>>
    %dma_wait3A_1049 = arith.constant 0 : i32
    %dma_wait3A_1050 = arith.constant 0 : i32
    %dma_wait3A_1051 = tpu.memref_slice %arg4[%dma_wait3A_1049, %dma_wait3A_1050] : memref<106496x128xf32, #tpu.memory_space<hbm>> -> memref<128x128xf32, #tpu.memory_space<hbm>>
    tpu.wait_dma2 semaphore(%arg22 : memref<!tpu.dma_semaphore, #tpu.memory_space<semaphore_mem>>) src(%arg8 : memref<128x128xf32, #tpu.memory_space<vmem>>) dst(%dma_wait3A_1051 : memref<128x128xf32, #tpu.memory_space<hbm>>)
    %dma_start3A_1052 = arith.constant 2944 : i32
    %dma_start3A_1053 = tpu.memref_slice %arg5[%dma_start3A_1052] : memref<3328xi32, #tpu.memory_space<vmem>> -> memref<128xi32, #tpu.memory_space<vmem>>
    %dma_start3A_1054 = arith.constant 0 : i32
    %dma_start3A_1055 = arith.constant 0 : i32
    %dma_start3A_1056 = tpu.memref_slice %arg3[%dma_start3A_1054, %dma_start3A_1055] : memref<2600000x128xf32, #tpu.memory_space<hbm>> -> memref<2600000x128xf32, #tpu.memory_space<hbm>>
    tpu.enqueue_indirect_dma source(%dma_start3A_1056 : memref<2600000x128xf32, #tpu.memory_space<hbm>>) target(%arg8 : memref<128x128xf32, #tpu.memory_space<vmem>>) offsets(%dma_start3A_1053 : memref<128xi32, #tpu.memory_space<vmem>>) semaphore(%arg15 : memref<!tpu.dma_semaphore, #tpu.memory_space<semaphore_mem>>)
    %dma_wait3A_1057 = arith.constant 0 : i32
    %dma_wait3A_1058 = arith.constant 0 : i32
    %dma_wait3A_1059 = tpu.memref_slice %arg3[%dma_wait3A_1057, %dma_wait3A_1058] : memref<2600000x128xf32, #tpu.memory_space<hbm>> -> memref<128x128xf32, #tpu.memory_space<hbm>>
    %dma_wait3A_1060 = arith.constant 0 : i32
    %dma_wait3A_1061 = arith.constant 0 : i32
    %dma_wait3A_1062 = tpu.memref_slice %arg3[%dma_wait3A_1060, %dma_wait3A_1061] : memref<2600000x128xf32, #tpu.memory_space<hbm>> -> memref<128x128xf32, #tpu.memory_space<hbm>>
    tpu.wait_dma2 semaphore(%arg18 : memref<!tpu.dma_semaphore, #tpu.memory_space<semaphore_mem>>) src(%dma_wait3A_1062 : memref<128x128xf32, #tpu.memory_space<hbm>>) dst(%arg11 : memref<128x128xf32, #tpu.memory_space<vmem>>)
    %add3A_1063 = arith.constant 2432 : i32
    %add3A_1064 = arith.addi %mul3A_2, %add3A_1063 : i32
    %dma_start3A_1065 = arith.constant 0 : i32
    %dma_start3A_1066 = tpu.memref_slice %arg4[%add3A_1064, %dma_start3A_1065] : memref<106496x128xf32, #tpu.memory_space<hbm>> -> memref<128x128xf32, #tpu.memory_space<hbm>>
    %dma_start3A_1067 = arith.constant 0 : i32
    %dma_start3A_1068 = tpu.memref_slice %arg4[%add3A_1064, %dma_start3A_1067] : memref<106496x128xf32, #tpu.memory_space<hbm>> -> memref<128x128xf32, #tpu.memory_space<hbm>>
    tpu.enqueue_dma source(%arg11 : memref<128x128xf32, #tpu.memory_space<vmem>>) target(%dma_start3A_1068 : memref<128x128xf32, #tpu.memory_space<hbm>>) target_semaphore(%arg25 : memref<!tpu.dma_semaphore, #tpu.memory_space<semaphore_mem>>)
    %dma_wait3A_1069 = arith.constant 0 : i32
    %dma_wait3A_1070 = arith.constant 0 : i32
    %dma_wait3A_1071 = tpu.memref_slice %arg4[%dma_wait3A_1069, %dma_wait3A_1070] : memref<106496x128xf32, #tpu.memory_space<hbm>> -> memref<128x128xf32, #tpu.memory_space<hbm>>
    %dma_wait3A_1072 = arith.constant 0 : i32
    %dma_wait3A_1073 = arith.constant 0 : i32
    %dma_wait3A_1074 = tpu.memref_slice %arg4[%dma_wait3A_1072, %dma_wait3A_1073] : memref<106496x128xf32, #tpu.memory_space<hbm>> -> memref<128x128xf32, #tpu.memory_space<hbm>>
    tpu.wait_dma2 semaphore(%arg23 : memref<!tpu.dma_semaphore, #tpu.memory_space<semaphore_mem>>) src(%arg9 : memref<128x128xf32, #tpu.memory_space<vmem>>) dst(%dma_wait3A_1074 : memref<128x128xf32, #tpu.memory_space<hbm>>)
    %dma_start3A_1075 = arith.constant 3072 : i32
    %dma_start3A_1076 = tpu.memref_slice %arg5[%dma_start3A_1075] : memref<3328xi32, #tpu.memory_space<vmem>> -> memref<128xi32, #tpu.memory_space<vmem>>
    %dma_start3A_1077 = arith.constant 0 : i32
    %dma_start3A_1078 = arith.constant 0 : i32
    %dma_start3A_1079 = tpu.memref_slice %arg3[%dma_start3A_1077, %dma_start3A_1078] : memref<2600000x128xf32, #tpu.memory_space<hbm>> -> memref<2600000x128xf32, #tpu.memory_space<hbm>>
    tpu.enqueue_indirect_dma source(%dma_start3A_1079 : memref<2600000x128xf32, #tpu.memory_space<hbm>>) target(%arg9 : memref<128x128xf32, #tpu.memory_space<vmem>>) offsets(%dma_start3A_1076 : memref<128xi32, #tpu.memory_space<vmem>>) semaphore(%arg16 : memref<!tpu.dma_semaphore, #tpu.memory_space<semaphore_mem>>)
    %dma_wait3A_1080 = arith.constant 0 : i32
    %dma_wait3A_1081 = arith.constant 0 : i32
    %dma_wait3A_1082 = tpu.memref_slice %arg3[%dma_wait3A_1080, %dma_wait3A_1081] : memref<2600000x128xf32, #tpu.memory_space<hbm>> -> memref<128x128xf32, #tpu.memory_space<hbm>>
    %dma_wait3A_1083 = arith.constant 0 : i32
    %dma_wait3A_1084 = arith.constant 0 : i32
    %dma_wait3A_1085 = tpu.memref_slice %arg3[%dma_wait3A_1083, %dma_wait3A_1084] : memref<2600000x128xf32, #tpu.memory_space<hbm>> -> memref<128x128xf32, #tpu.memory_space<hbm>>
    tpu.wait_dma2 semaphore(%arg19 : memref<!tpu.dma_semaphore, #tpu.memory_space<semaphore_mem>>) src(%dma_wait3A_1085 : memref<128x128xf32, #tpu.memory_space<hbm>>) dst(%arg12 : memref<128x128xf32, #tpu.memory_space<vmem>>)
    %add3A_1086 = arith.constant 2560 : i32
    %add3A_1087 = arith.addi %mul3A_2, %add3A_1086 : i32
    %dma_start3A_1088 = arith.constant 0 : i32
    %dma_start3A_1089 = tpu.memref_slice %arg4[%add3A_1087, %dma_start3A_1088] : memref<106496x128xf32, #tpu.memory_space<hbm>> -> memref<128x128xf32, #tpu.memory_space<hbm>>
    %dma_start3A_1090 = arith.constant 0 : i32
    %dma_start3A_1091 = tpu.memref_slice %arg4[%add3A_1087, %dma_start3A_1090] : memref<106496x128xf32, #tpu.memory_space<hbm>> -> memref<128x128xf32, #tpu.memory_space<hbm>>
    tpu.enqueue_dma source(%arg12 : memref<128x128xf32, #tpu.memory_space<vmem>>) target(%dma_start3A_1091 : memref<128x128xf32, #tpu.memory_space<hbm>>) target_semaphore(%arg26 : memref<!tpu.dma_semaphore, #tpu.memory_space<semaphore_mem>>)
    %dma_wait3A_1092 = arith.constant 0 : i32
    %dma_wait3A_1093 = arith.constant 0 : i32
    %dma_wait3A_1094 = tpu.memref_slice %arg4[%dma_wait3A_1092, %dma_wait3A_1093] : memref<106496x128xf32, #tpu.memory_space<hbm>> -> memref<128x128xf32, #tpu.memory_space<hbm>>
    %dma_wait3A_1095 = arith.constant 0 : i32
    %dma_wait3A_1096 = arith.constant 0 : i32
    %dma_wait3A_1097 = tpu.memref_slice %arg4[%dma_wait3A_1095, %dma_wait3A_1096] : memref<106496x128xf32, #tpu.memory_space<hbm>> -> memref<128x128xf32, #tpu.memory_space<hbm>>
    tpu.wait_dma2 semaphore(%arg24 : memref<!tpu.dma_semaphore, #tpu.memory_space<semaphore_mem>>) src(%arg10 : memref<128x128xf32, #tpu.memory_space<vmem>>) dst(%dma_wait3A_1097 : memref<128x128xf32, #tpu.memory_space<hbm>>)
    %dma_start3A_1098 = arith.constant 3200 : i32
    %dma_start3A_1099 = tpu.memref_slice %arg5[%dma_start3A_1098] : memref<3328xi32, #tpu.memory_space<vmem>> -> memref<128xi32, #tpu.memory_space<vmem>>
    %dma_start3A_1100 = arith.constant 0 : i32
    %dma_start3A_1101 = arith.constant 0 : i32
    %dma_start3A_1102 = tpu.memref_slice %arg3[%dma_start3A_1100, %dma_start3A_1101] : memref<2600000x128xf32, #tpu.memory_space<hbm>> -> memref<2600000x128xf32, #tpu.memory_space<hbm>>
    tpu.enqueue_indirect_dma source(%dma_start3A_1102 : memref<2600000x128xf32, #tpu.memory_space<hbm>>) target(%arg10 : memref<128x128xf32, #tpu.memory_space<vmem>>) offsets(%dma_start3A_1099 : memref<128xi32, #tpu.memory_space<vmem>>) semaphore(%arg17 : memref<!tpu.dma_semaphore, #tpu.memory_space<semaphore_mem>>)
    %dma_wait3A_1103 = arith.constant 0 : i32
    %dma_wait3A_1104 = arith.constant 0 : i32
    %dma_wait3A_1105 = tpu.memref_slice %arg3[%dma_wait3A_1103, %dma_wait3A_1104] : memref<2600000x128xf32, #tpu.memory_space<hbm>> -> memref<128x128xf32, #tpu.memory_space<hbm>>
    %dma_wait3A_1106 = arith.constant 0 : i32
    %dma_wait3A_1107 = arith.constant 0 : i32
    %dma_wait3A_1108 = tpu.memref_slice %arg3[%dma_wait3A_1106, %dma_wait3A_1107] : memref<2600000x128xf32, #tpu.memory_space<hbm>> -> memref<128x128xf32, #tpu.memory_space<hbm>>
    tpu.wait_dma2 semaphore(%arg13 : memref<!tpu.dma_semaphore, #tpu.memory_space<semaphore_mem>>) src(%dma_wait3A_1108 : memref<128x128xf32, #tpu.memory_space<hbm>>) dst(%arg6 : memref<128x128xf32, #tpu.memory_space<vmem>>)
    %add3A_1109 = arith.constant 2688 : i32
    %add3A_1110 = arith.addi %mul3A_2, %add3A_1109 : i32
    %dma_start3A_1111 = arith.constant 0 : i32
    %dma_start3A_1112 = tpu.memref_slice %arg4[%add3A_1110, %dma_start3A_1111] : memref<106496x128xf32, #tpu.memory_space<hbm>> -> memref<128x128xf32, #tpu.memory_space<hbm>>
    %dma_start3A_1113 = arith.constant 0 : i32
    %dma_start3A_1114 = tpu.memref_slice %arg4[%add3A_1110, %dma_start3A_1113] : memref<106496x128xf32, #tpu.memory_space<hbm>> -> memref<128x128xf32, #tpu.memory_space<hbm>>
    tpu.enqueue_dma source(%arg6 : memref<128x128xf32, #tpu.memory_space<vmem>>) target(%dma_start3A_1114 : memref<128x128xf32, #tpu.memory_space<hbm>>) target_semaphore(%arg20 : memref<!tpu.dma_semaphore, #tpu.memory_space<semaphore_mem>>)
    %dma_wait3A_1115 = arith.constant 0 : i32
    %dma_wait3A_1116 = arith.constant 0 : i32
    %dma_wait3A_1117 = tpu.memref_slice %arg3[%dma_wait3A_1115, %dma_wait3A_1116] : memref<2600000x128xf32, #tpu.memory_space<hbm>> -> memref<128x128xf32, #tpu.memory_space<hbm>>
    %dma_wait3A_1118 = arith.constant 0 : i32
    %dma_wait3A_1119 = arith.constant 0 : i32
    %dma_wait3A_1120 = tpu.memref_slice %arg3[%dma_wait3A_1118, %dma_wait3A_1119] : memref<2600000x128xf32, #tpu.memory_space<hbm>> -> memref<128x128xf32, #tpu.memory_space<hbm>>
    tpu.wait_dma2 semaphore(%arg14 : memref<!tpu.dma_semaphore, #tpu.memory_space<semaphore_mem>>) src(%dma_wait3A_1120 : memref<128x128xf32, #tpu.memory_space<hbm>>) dst(%arg7 : memref<128x128xf32, #tpu.memory_space<vmem>>)
    %add3A_1121 = arith.constant 2816 : i32
    %add3A_1122 = arith.addi %mul3A_2, %add3A_1121 : i32
    %dma_start3A_1123 = arith.constant 0 : i32
    %dma_start3A_1124 = tpu.memref_slice %arg4[%add3A_1122, %dma_start3A_1123] : memref<106496x128xf32, #tpu.memory_space<hbm>> -> memref<128x128xf32, #tpu.memory_space<hbm>>
    %dma_start3A_1125 = arith.constant 0 : i32
    %dma_start3A_1126 = tpu.memref_slice %arg4[%add3A_1122, %dma_start3A_1125] : memref<106496x128xf32, #tpu.memory_space<hbm>> -> memref<128x128xf32, #tpu.memory_space<hbm>>
    tpu.enqueue_dma source(%arg7 : memref<128x128xf32, #tpu.memory_space<vmem>>) target(%dma_start3A_1126 : memref<128x128xf32, #tpu.memory_space<hbm>>) target_semaphore(%arg21 : memref<!tpu.dma_semaphore, #tpu.memory_space<semaphore_mem>>)
    %dma_wait3A_1127 = arith.constant 0 : i32
    %dma_wait3A_1128 = arith.constant 0 : i32
    %dma_wait3A_1129 = tpu.memref_slice %arg3[%dma_wait3A_1127, %dma_wait3A_1128] : memref<2600000x128xf32, #tpu.memory_space<hbm>> -> memref<128x128xf32, #tpu.memory_space<hbm>>
    %dma_wait3A_1130 = arith.constant 0 : i32
    %dma_wait3A_1131 = arith.constant 0 : i32
    %dma_wait3A_1132 = tpu.memref_slice %arg3[%dma_wait3A_1130, %dma_wait3A_1131] : memref<2600000x128xf32, #tpu.memory_space<hbm>> -> memref<128x128xf32, #tpu.memory_space<hbm>>
    tpu.wait_dma2 semaphore(%arg15 : memref<!tpu.dma_semaphore, #tpu.memory_space<semaphore_mem>>) src(%dma_wait3A_1132 : memref<128x128xf32, #tpu.memory_space<hbm>>) dst(%arg8 : memref<128x128xf32, #tpu.memory_space<vmem>>)
    %add3A_1133 = arith.constant 2944 : i32
    %add3A_1134 = arith.addi %mul3A_2, %add3A_1133 : i32
    %dma_start3A_1135 = arith.constant 0 : i32
    %dma_start3A_1136 = tpu.memref_slice %arg4[%add3A_1134, %dma_start3A_1135] : memref<106496x128xf32, #tpu.memory_space<hbm>> -> memref<128x128xf32, #tpu.memory_space<hbm>>
    %dma_start3A_1137 = arith.constant 0 : i32
    %dma_start3A_1138 = tpu.memref_slice %arg4[%add3A_1134, %dma_start3A_1137] : memref<106496x128xf32, #tpu.memory_space<hbm>> -> memref<128x128xf32, #tpu.memory_space<hbm>>
    tpu.enqueue_dma source(%arg8 : memref<128x128xf32, #tpu.memory_space<vmem>>) target(%dma_start3A_1138 : memref<128x128xf32, #tpu.memory_space<hbm>>) target_semaphore(%arg22 : memref<!tpu.dma_semaphore, #tpu.memory_space<semaphore_mem>>)
    %dma_wait3A_1139 = arith.constant 0 : i32
    %dma_wait3A_1140 = arith.constant 0 : i32
    %dma_wait3A_1141 = tpu.memref_slice %arg3[%dma_wait3A_1139, %dma_wait3A_1140] : memref<2600000x128xf32, #tpu.memory_space<hbm>> -> memref<128x128xf32, #tpu.memory_space<hbm>>
    %dma_wait3A_1142 = arith.constant 0 : i32
    %dma_wait3A_1143 = arith.constant 0 : i32
    %dma_wait3A_1144 = tpu.memref_slice %arg3[%dma_wait3A_1142, %dma_wait3A_1143] : memref<2600000x128xf32, #tpu.memory_space<hbm>> -> memref<128x128xf32, #tpu.memory_space<hbm>>
    tpu.wait_dma2 semaphore(%arg16 : memref<!tpu.dma_semaphore, #tpu.memory_space<semaphore_mem>>) src(%dma_wait3A_1144 : memref<128x128xf32, #tpu.memory_space<hbm>>) dst(%arg9 : memref<128x128xf32, #tpu.memory_space<vmem>>)
    %add3A_1145 = arith.constant 3072 : i32
    %add3A_1146 = arith.addi %mul3A_2, %add3A_1145 : i32
    %dma_start3A_1147 = arith.constant 0 : i32
    %dma_start3A_1148 = tpu.memref_slice %arg4[%add3A_1146, %dma_start3A_1147] : memref<106496x128xf32, #tpu.memory_space<hbm>> -> memref<128x128xf32, #tpu.memory_space<hbm>>
    %dma_start3A_1149 = arith.constant 0 : i32
    %dma_start3A_1150 = tpu.memref_slice %arg4[%add3A_1146, %dma_start3A_1149] : memref<106496x128xf32, #tpu.memory_space<hbm>> -> memref<128x128xf32, #tpu.memory_space<hbm>>
    tpu.enqueue_dma source(%arg9 : memref<128x128xf32, #tpu.memory_space<vmem>>) target(%dma_start3A_1150 : memref<128x128xf32, #tpu.memory_space<hbm>>) target_semaphore(%arg23 : memref<!tpu.dma_semaphore, #tpu.memory_space<semaphore_mem>>)
    %dma_wait3A_1151 = arith.constant 0 : i32
    %dma_wait3A_1152 = arith.constant 0 : i32
    %dma_wait3A_1153 = tpu.memref_slice %arg3[%dma_wait3A_1151, %dma_wait3A_1152] : memref<2600000x128xf32, #tpu.memory_space<hbm>> -> memref<128x128xf32, #tpu.memory_space<hbm>>
    %dma_wait3A_1154 = arith.constant 0 : i32
    %dma_wait3A_1155 = arith.constant 0 : i32
    %dma_wait3A_1156 = tpu.memref_slice %arg3[%dma_wait3A_1154, %dma_wait3A_1155] : memref<2600000x128xf32, #tpu.memory_space<hbm>> -> memref<128x128xf32, #tpu.memory_space<hbm>>
    tpu.wait_dma2 semaphore(%arg17 : memref<!tpu.dma_semaphore, #tpu.memory_space<semaphore_mem>>) src(%dma_wait3A_1156 : memref<128x128xf32, #tpu.memory_space<hbm>>) dst(%arg10 : memref<128x128xf32, #tpu.memory_space<vmem>>)
    %add3A_1157 = arith.constant 3200 : i32
    %add3A_1158 = arith.addi %mul3A_2, %add3A_1157 : i32
    %dma_start3A_1159 = arith.constant 0 : i32
    %dma_start3A_1160 = tpu.memref_slice %arg4[%add3A_1158, %dma_start3A_1159] : memref<106496x128xf32, #tpu.memory_space<hbm>> -> memref<128x128xf32, #tpu.memory_space<hbm>>
    %dma_start3A_1161 = arith.constant 0 : i32
    %dma_start3A_1162 = tpu.memref_slice %arg4[%add3A_1158, %dma_start3A_1161] : memref<106496x128xf32, #tpu.memory_space<hbm>> -> memref<128x128xf32, #tpu.memory_space<hbm>>
    tpu.enqueue_dma source(%arg10 : memref<128x128xf32, #tpu.memory_space<vmem>>) target(%dma_start3A_1162 : memref<128x128xf32, #tpu.memory_space<hbm>>) target_semaphore(%arg24 : memref<!tpu.dma_semaphore, #tpu.memory_space<semaphore_mem>>)
    %dma_wait3A_1163 = arith.constant 0 : i32
    %dma_wait3A_1164 = arith.constant 0 : i32
    %dma_wait3A_1165 = tpu.memref_slice %arg4[%dma_wait3A_1163, %dma_wait3A_1164] : memref<106496x128xf32, #tpu.memory_space<hbm>> -> memref<128x128xf32, #tpu.memory_space<hbm>>
    %dma_wait3A_1166 = arith.constant 0 : i32
    %dma_wait3A_1167 = arith.constant 0 : i32
    %dma_wait3A_1168 = tpu.memref_slice %arg4[%dma_wait3A_1166, %dma_wait3A_1167] : memref<106496x128xf32, #tpu.memory_space<hbm>> -> memref<128x128xf32, #tpu.memory_space<hbm>>
    tpu.wait_dma2 semaphore(%arg25 : memref<!tpu.dma_semaphore, #tpu.memory_space<semaphore_mem>>) src(%arg11 : memref<128x128xf32, #tpu.memory_space<vmem>>) dst(%dma_wait3A_1168 : memref<128x128xf32, #tpu.memory_space<hbm>>)
    %dma_wait3A_1169 = arith.constant 0 : i32
    %dma_wait3A_1170 = arith.constant 0 : i32
    %dma_wait3A_1171 = tpu.memref_slice %arg4[%dma_wait3A_1169, %dma_wait3A_1170] : memref<106496x128xf32, #tpu.memory_space<hbm>> -> memref<128x128xf32, #tpu.memory_space<hbm>>
    %dma_wait3A_1172 = arith.constant 0 : i32
    %dma_wait3A_1173 = arith.constant 0 : i32
    %dma_wait3A_1174 = tpu.memref_slice %arg4[%dma_wait3A_1172, %dma_wait3A_1173] : memref<106496x128xf32, #tpu.memory_space<hbm>> -> memref<128x128xf32, #tpu.memory_space<hbm>>
    tpu.wait_dma2 semaphore(%arg26 : memref<!tpu.dma_semaphore, #tpu.memory_space<semaphore_mem>>) src(%arg12 : memref<128x128xf32, #tpu.memory_space<vmem>>) dst(%dma_wait3A_1174 : memref<128x128xf32, #tpu.memory_space<hbm>>)
    %dma_wait3A_1175 = arith.constant 0 : i32
    %dma_wait3A_1176 = arith.constant 0 : i32
    %dma_wait3A_1177 = tpu.memref_slice %arg4[%dma_wait3A_1175, %dma_wait3A_1176] : memref<106496x128xf32, #tpu.memory_space<hbm>> -> memref<128x128xf32, #tpu.memory_space<hbm>>
    %dma_wait3A_1178 = arith.constant 0 : i32
    %dma_wait3A_1179 = arith.constant 0 : i32
    %dma_wait3A_1180 = tpu.memref_slice %arg4[%dma_wait3A_1178, %dma_wait3A_1179] : memref<106496x128xf32, #tpu.memory_space<hbm>> -> memref<128x128xf32, #tpu.memory_space<hbm>>
    tpu.wait_dma2 semaphore(%arg20 : memref<!tpu.dma_semaphore, #tpu.memory_space<semaphore_mem>>) src(%arg6 : memref<128x128xf32, #tpu.memory_space<vmem>>) dst(%dma_wait3A_1180 : memref<128x128xf32, #tpu.memory_space<hbm>>)
    %dma_wait3A_1181 = arith.constant 0 : i32
    %dma_wait3A_1182 = arith.constant 0 : i32
    %dma_wait3A_1183 = tpu.memref_slice %arg4[%dma_wait3A_1181, %dma_wait3A_1182] : memref<106496x128xf32, #tpu.memory_space<hbm>> -> memref<128x128xf32, #tpu.memory_space<hbm>>
    %dma_wait3A_1184 = arith.constant 0 : i32
    %dma_wait3A_1185 = arith.constant 0 : i32
    %dma_wait3A_1186 = tpu.memref_slice %arg4[%dma_wait3A_1184, %dma_wait3A_1185] : memref<106496x128xf32, #tpu.memory_space<hbm>> -> memref<128x128xf32, #tpu.memory_space<hbm>>
    tpu.wait_dma2 semaphore(%arg21 : memref<!tpu.dma_semaphore, #tpu.memory_space<semaphore_mem>>) src(%arg7 : memref<128x128xf32, #tpu.memory_space<vmem>>) dst(%dma_wait3A_1186 : memref<128x128xf32, #tpu.memory_space<hbm>>)
    %dma_wait3A_1187 = arith.constant 0 : i32
    %dma_wait3A_1188 = arith.constant 0 : i32
    %dma_wait3A_1189 = tpu.memref_slice %arg4[%dma_wait3A_1187, %dma_wait3A_1188] : memref<106496x128xf32, #tpu.memory_space<hbm>> -> memref<128x128xf32, #tpu.memory_space<hbm>>
    %dma_wait3A_1190 = arith.constant 0 : i32
    %dma_wait3A_1191 = arith.constant 0 : i32
    %dma_wait3A_1192 = tpu.memref_slice %arg4[%dma_wait3A_1190, %dma_wait3A_1191] : memref<106496x128xf32, #tpu.memory_space<hbm>> -> memref<128x128xf32, #tpu.memory_space<hbm>>
    tpu.wait_dma2 semaphore(%arg22 : memref<!tpu.dma_semaphore, #tpu.memory_space<semaphore_mem>>) src(%arg8 : memref<128x128xf32, #tpu.memory_space<vmem>>) dst(%dma_wait3A_1192 : memref<128x128xf32, #tpu.memory_space<hbm>>)
    %dma_wait3A_1193 = arith.constant 0 : i32
    %dma_wait3A_1194 = arith.constant 0 : i32
    %dma_wait3A_1195 = tpu.memref_slice %arg4[%dma_wait3A_1193, %dma_wait3A_1194] : memref<106496x128xf32, #tpu.memory_space<hbm>> -> memref<128x128xf32, #tpu.memory_space<hbm>>
    %dma_wait3A_1196 = arith.constant 0 : i32
    %dma_wait3A_1197 = arith.constant 0 : i32
    %dma_wait3A_1198 = tpu.memref_slice %arg4[%dma_wait3A_1196, %dma_wait3A_1197] : memref<106496x128xf32, #tpu.memory_space<hbm>> -> memref<128x128xf32, #tpu.memory_space<hbm>>
    tpu.wait_dma2 semaphore(%arg23 : memref<!tpu.dma_semaphore, #tpu.memory_space<semaphore_mem>>) src(%arg9 : memref<128x128xf32, #tpu.memory_space<vmem>>) dst(%dma_wait3A_1198 : memref<128x128xf32, #tpu.memory_space<hbm>>)
    %dma_wait3A_1199 = arith.constant 0 : i32
    %dma_wait3A_1200 = arith.constant 0 : i32
    %dma_wait3A_1201 = tpu.memref_slice %arg4[%dma_wait3A_1199, %dma_wait3A_1200] : memref<106496x128xf32, #tpu.memory_space<hbm>> -> memref<128x128xf32, #tpu.memory_space<hbm>>
    %dma_wait3A_1202 = arith.constant 0 : i32
    %dma_wait3A_1203 = arith.constant 0 : i32
    %dma_wait3A_1204 = tpu.memref_slice %arg4[%dma_wait3A_1202, %dma_wait3A_1203] : memref<106496x128xf32, #tpu.memory_space<hbm>> -> memref<128x128xf32, #tpu.memory_space<hbm>>
    tpu.wait_dma2 semaphore(%arg24 : memref<!tpu.dma_semaphore, #tpu.memory_space<semaphore_mem>>) src(%arg10 : memref<128x128xf32, #tpu.memory_space<vmem>>) dst(%dma_wait3A_1204 : memref<128x128xf32, #tpu.memory_space<hbm>>)
    return
  }
}

</mosaic_0001>

<sc_bundles>
// kernel: kernel.3.cloned.1.call-start
scs
__scs_entry_jumppad:
0x0: {  	(pc) =	sbr.rel $0x88, $3  }
0x1: {  	(tag) =	ssettag $0x0;
	lr =	simm.s32 $0x1  }
0x2: {  	[smem:$0x3F9F] =	sst lr;
	_ =	strace $0xD0000000  }
0x3: {  	_ = 	snop  }
0x4: {  	_ = 	snop  }
0x5: {  	_ = 	snop  }
0x6: {  	_ = 	snop  }
0x7: {  	_ = 	snop  }
__scs_overlays_trampoline_lowered:
0x8: {  	[smem:$0x3FAE] =	sst s0  }
0x9: {  	[smem:$0x3FAF] =	sst s1  }
0xa: {  	[smem:$0x3FB0] =	sst s2  }
0xb: {  	[smem:$0x3FB1] =	sst s3  }
0xc: {  	[smem:$0x3FB2] =	sst s4  }
0xd: {  	[smem:$0x3FB3] =	sst s5  }
0xe: {  	[smem:$0x3FB4] =	sst s6  }
0xf: {  	[smem:$0x3FB5] =	sst s7  }
0x10: {  	[smem:$0x3FB6] =	sst s8  }
0x11: {  	[smem:$0x3FB7] =	sst s9;
	s0 =	simm.s32 @!p0 $0x0  }
0x12: {  	s1 =	sld [smem:$0x3F9D];
	s0 =	simm.s32 @p0 $0x1  }
0x13: {  	[smem:$0x3FB8] =	sst s0;
	s0 =	simm.s32 @!p1 $0x0  }
0x14: {  	s2 =	sld [smem:$0x3F9C];
	s0 =	simm.s32 @p1 $0x1  }
0x15: {  	[smem:$0x3FB9] =	sst s0;
	s0 =	simm.s32 @!p2 $0x0  }
0x16: {  	s3 =	sld [smem:$0x3FDB];
	s0 =	simm.s32 @p2 $0x1  }
0x17: {  	s4 =	simm.s32 $0x1BF5;
	[smem:$0x3FBB] =	sst s0  }
0x18: {  	s0 =	sld [smem:$0x3F9E];
	_ =	swait.ge [sflag:s4], $0x0  }
0x19: {  	s7 =	sld [smem:$0x3F9F]  }
0x1a: {  	s8 =	sadd.s32 $0xFFFFE003, lr  }
0x1b: {  	s9 =	sadd.s32 $0xFFFFFEF7, lr;
	s5 =	simm.s32 $0xFFFFFFFF;
	p2 =	slt.u32 s8, $0xFFFFF086  }
0x1c: {  	p1 =	slt.u32 s9, $0xF7A;
	s5 =	simm.s32 @!p2 $0x0  }
0x1d: {  	s5 =	simm.s32 @p1 $0x1;
	p0 =	seq.s32 s7, s2  }
0x1e: {  	s7 =	smul.u32 @!p0 $0xF7A, s2;
	p2 =	seq.s32 @!p0 s5, $0x0  }
0x1f: {  	s9 =	smul.u32 $0xF7A, s1;
	s8 =	simm.s32 @!p0 $0x1BF5;
	p2 =	por !p2, p0  }
0x20: {  	[sflag:s8] =	ssyncset.s32 @!p0 $0xFFFFF086;
	s6 =	sadd.s32 @!p0 s3, s7;
	s7 =	simm.s32 @!p0 $0x108  }
0x21: {  	s3 =	sadd.s32 s3, s9;
	s6 =	sadd.s32 @!p0 $0x88, s6;
	s7 =	simm.s32 @p2 $0x1082  }
0x22: {  	[simem:s7], [sflag:s8] =	dma.local @!p0 [hbm:s6], $0xF7A  }
0x23: {  	s9 =	sor.u32 $0xD0000000, s2;
	s6 =	simm.s32 $0x108;
	_ =	swait.ge @!p0 [sflag:s8], $0x0  }
0x24: {  	s3 =	sadd.s32 $0x88, s3;
	s6 =	simm.s32 @!p1 $0x1082;
	[sflag:s4] =	ssyncset.s32 $0xFFFFF086  }
0x25: {  	[simem:s6], [sflag:s4] =	dma.local [hbm:s3], $0xF7A  }
0x26: {  	[smem:$0x3F9F] =	sst s1;
	(tag) =	ssettag s2;
	_ =	strace s9  }
0x27: {  	s1 =	sld [smem:$0x3FAF]  }
0x28: {  	s2 =	sld [smem:$0x3FB0]  }
0x29: {  	s4 =	sld [smem:$0x3FB2]  }
0x2a: {  	p0 =	seq.s32 s5, $0x0;
	s5 =	sld [smem:$0x3FB3]  }
0x2b: {  	s6 =	sld [smem:$0x3FB4]  }
0x2c: {  	s7 =	sld [smem:$0x3FB5]  }
0x2d: {  	s3 =	simm.s32 $0x108;
	s8 =	sld [smem:$0x3FB6]  }
0x2e: {  	s3 =	simm.s32 @!p0 $0x1082;
	s9 =	sld [smem:$0x3FB7]  }
0x2f: {  	lr =	sadd.s32 s0, s3;
	s0 =	sld [smem:$0x3FAE]  }
0x30: {  	s3 =	sld [smem:$0x3FB1]  }
0x31: {  	[smem:$0x3FBA] =	sst s10  }
0x32: {  	s10 =	sld [smem:$0x3FB8];
	_ =	sdelay $0x3  }
0x33: {  	p0 =	seq.s32 s10, $0x1;
	s10 =	sld [smem:$0x3FBA];
	_ =	sdelay $0x3  }
0x34: {  	[smem:$0x3FBA] =	sst s10  }
0x35: {  	s10 =	sld [smem:$0x3FB9];
	_ =	sdelay $0x3  }
0x36: {  	p1 =	seq.s32 s10, $0x1;
	s10 =	sld [smem:$0x3FBA];
	_ =	sdelay $0x3  }
0x37: {  	[smem:$0x3FBA] =	sst s10  }
0x38: {  	s10 =	sld [smem:$0x3FBB]  }
0x39: {  	_ = 	snop;
	(pc) =	sbr.ind lr, $3  }
0x3a: {  	_ = 	snop  }
0x3b: {  	_ = 	snop  }
0x3c: {  	p2 =	seq.s32 s10, $0x1;
	s10 =	sld [smem:$0x3FBA]  }
0x3d: {  	_ =	shalt  }
0x3e: {  	_ =	shalt  }
0x3f: {  	_ =	shalt  }
0x40: {  	_ =	shalt  }
0x41: {  	_ =	shalt  }
0x42: {  	_ =	shalt  }
0x43: {  	_ =	shalt  }
0x44: {  	_ =	shalt  }
0x45: {  	_ =	shalt  }
0x46: {  	_ =	shalt  }
0x47: {  	_ =	shalt  }
0x48: {  	_ =	shalt  }
0x49: {  	_ =	shalt  }
0x4a: {  	_ =	shalt  }
0x4b: {  	_ =	shalt  }
0x4c: {  	_ =	shalt  }
0x4d: {  	_ =	shalt  }
0x4e: {  	_ =	shalt  }
0x4f: {  	_ =	shalt  }
0x50: {  	_ =	shalt  }
0x51: {  	_ =	shalt  }
0x52: {  	_ =	shalt  }
0x53: {  	_ =	shalt  }
0x54: {  	_ =	shalt  }
0x55: {  	_ =	shalt  }
0x56: {  	_ =	shalt  }
0x57: {  	_ =	shalt  }
0x58: {  	_ =	shalt  }
0x59: {  	_ =	shalt  }
0x5a: {  	_ =	shalt  }
0x5b: {  	_ =	shalt  }
0x5c: {  	_ =	shalt  }
0x5d: {  	_ =	shalt  }
0x5e: {  	_ =	shalt  }
0x5f: {  	_ =	shalt  }
0x60: {  	_ =	shalt  }
0x61: {  	_ =	shalt  }
0x62: {  	_ =	shalt  }
0x63: {  	_ =	shalt  }
0x64: {  	_ =	shalt  }
0x65: {  	_ =	shalt  }
0x66: {  	_ =	shalt  }
0x67: {  	_ =	shalt  }
0x68: {  	_ =	shalt  }
0x69: {  	_ =	shalt  }
0x6a: {  	_ =	shalt  }
0x6b: {  	_ =	shalt  }
0x6c: {  	_ =	shalt  }
0x6d: {  	_ =	shalt  }
0x6e: {  	_ =	shalt  }
0x6f: {  	_ =	shalt  }
0x70: {  	_ =	shalt  }
0x71: {  	_ =	shalt  }
0x72: {  	_ =	shalt  }
0x73: {  	_ =	shalt  }
0x74: {  	_ =	shalt  }
0x75: {  	_ =	shalt  }
0x76: {  	_ =	shalt  }
0x77: {  	_ =	shalt  }
0x78: {  	_ =	shalt  }
0x79: {  	_ =	shalt  }
0x7a: {  	_ =	shalt  }
0x7b: {  	_ =	shalt  }
0x7c: {  	_ =	shalt  }
0x7d: {  	_ =	shalt  }
0x7e: {  	_ =	shalt  }
0x7f: {  	_ =	shalt  }
0x80: {  	_ =	shalt  }
0x81: {  	_ =	shalt  }
0x82: {  	_ =	shalt  }
0x83: {  	_ =	shalt  }
0x84: {  	_ =	shalt  }
0x85: {  	_ =	shalt  }
0x86: {  	_ =	shalt  }
0x87: {  	_ =	shalt  }
.Lfunc_end0:
.L_simem_size_0:
called_computation_lowered:
.L_overlay_start_0:
0x88: {  	s2 =	sld [smem:$0x3FD9]  }
0x89: {  	s3 =	sld [smem:$0x3FFE];
	_ =	sdelay $0x1  }
0x8a: {  	s1 =	srdreg.scid  }
0x8b: {  	s0 =	sand.u32 $0x1, s1  }
0x8c: {  	s18 =	sshll.u32 s0, $0xA;
	s2 =	sadd.s32 s3, s2  }
0x8d: {  	s2 =	sadd.s32 s2, s18  }
0x8e: {  	[smem:$0x3FC6] =	sst s2  }
0x8f: {  	_ = 	snop  }
0x90: {  	s2 =	sld [smem:$0x3FC9]  }
0x91: {  	s19 =	sld [smem:$0x3FC8]  }
0x92: {  	s4 =	sld [smem:$0x3FD0];
	(tm) =	ssettm $0x1  }
0x93: {  	s5 =	sld [smem:$0x3FFB];
	_ =	sdelay $0x3  }
0x94: {  	_ =	strace s5  }
0x95: {  	s5 =	sld [smem:$0x3FFC];
	_ =	sdelay $0x3  }
0x96: {  	_ =	strace s5  }
0x97: {  	s5 =	sld [smem:$0x3FFD];
	_ =	sdelay $0x3  }
0x98: {  	_ =	strace s5  }
0x99: {  	_ =	strace $0x8FFFFFFF  }
0x9a: {  	s20 =	sld [smem:$0x3FDB];
	_ =	sdelay $0x1  }
0x9b: {  	s6 =	simm.s32 $_scs_section_size  }
0x9c: {  	s7 =	simm.s32 $_size__tile_overlayer_lowered;
	s8 =	simm.s32 $_tile_overlayer_lowered  }
0x9d: {  	s23 =	simm.s32 $0x1BFF;
	s22 =	sshll.u32 s8, $0x1;
	s5 =	sadd.s32 s6, s20  }
0x9e: {  	s9 =	simm.s32 $0x0;
	s21 =	sshll.u32 s7, $0x1;
	s7 =	sadd.s32 s22, s5  }
0x9f: {  	[timem:s9], [sflag:s23] =	dma.local [hbm:s7], s21  }
0xa0: {  	_ =	swait.ge [sflag:s23], s21  }
0xa1: {  	s6 =	ssub.s32 $0x0, s21;
	[sflag:s23] =	ssyncset.done $0x0  }
0xa2: {  	[sflag:s23] =	ssyncadd.s32 s6;
	_ =	sdelay $0x1  }
0xa3: {  	s24 =	simm.s32 $0x1B8B  }
0xa4: {  	_ =	swait.ge [sflag:s24], $0x1  }
0xa5: {  	[sflag:s24] =	ssyncset.done $0x0  }
0xa6: {  	s25 =	simm.s32 $0x1B8E;
	[sflag:s24] =	ssyncadd.s32 $0xFFFFFFFF  }
0xa7: {  	s26 =	simm.s32 $execute0_lowered;
	[smem:$0x3FD2] =	sst s25  }
0xa8: {  	s6 =	sshll.u32 s26, $0x1;
	_ =	strace $0x80000046;
	[dreg:$0x1] =	wrdreg $0xFFFFFFFF  }
0xa9: {  	s28 =	simm.s32 $_size_execute0_lowered;
	s5 =	sadd.s32 s5, s6;
	[dreg:$0x0] =	wrdreg $0x0  }
0xaa: {  	s6 =	sshll.u32 s28, $0x1;
	[dreg:$0x2] =	wrdreg s5  }
0xab: {  	[dreg:$0x3] =	wrdreg s6  }
0xac: {  	[dreg:$0x4] =	wrdreg $0xC0  }
0xad: {  	_ =	task [dreg:s9], $0x5FFFF  }
0xae: {  	[dreg:$0x1] =	wrdreg $0xFFFFFFFF  }
0xaf: {  	[dreg:$0x0] =	wrdreg $0x60  }
0xb0: {  	[dreg:$0x2] =	wrdreg s2  }
0xb1: {  	[dreg:$0x3] =	wrdreg s19  }
0xb2: {  	[dreg:$0x4] =	wrdreg s4  }
0xb3: {  	[dreg:$0x5] =	wrdreg $0x9  }
0xb4: {  	_ =	task.clear_ibuf [dreg:s9], $0x6FFFF;
	_ =	strace $0x90000046  }
0xb5: {  	s29 =	simm.s32 $0x9;
	_ =	strace $0x80000048  }
0xb6: {  	_ =	swait.ge [sflag:s29], $0x1  }
0xb7: {  	[sflag:s29] =	ssyncadd.s32 $0xFFFFFFFF  }
0xb8: {  	_ =	strace $0x90000048  }
0xb9: {  	_ =	sfence  }
0xba: {  	s30 =	sld [smem:$0x0];
	_ =	sdelay $0x2  }
0xbb: {  	s31 =	sshll.u32 s1, $0xD;
	s1 =	sshrl.u32 s1, $0x2  }
0xbc: {  	s3 =	sand.u32 $0x4000, s31;
	s1 =	sadd.s32 s1, s30  }
0xbd: {  	s0 =	sor.u32 s3, s0;
	s1 =	sshll.u32 s1, $0x11  }
0xbe: {  	s0 =	sor.u32 s1, s0  }
0xbf: {  	s0 =	sadd.s32 $0x8F2B, s0  }
0xc0: {  	[sflag:s0] =	ssyncadd.remote.s32 $0x1  }
0xc1: {  	_ =	sfence.sel $0xFFFF  }
0xc2: {  	[dreg:$0x0] =	wrdreg $0xFFFFFFFF;
	(pc) =	sbr.abs _section_cstart, $3  }
0xc3: {  	[dreg:$0x1] =	wrdreg $0xFFFFFFFF  }
0xc4: {  	_ =	task.clear_ibuf [dreg:s9], $0x2FFFF;
	_ =	strace $0x9FFFFFFF  }
0xc5: {  	(tm) =	ssettm $0x7FFFFFFF  }
tec
execute0_lowered:
.L_overlay_start_1:
0x0: {  	(tag) =	ssettag $0x1  }
0x1: {  	s0 =	srdreg.scid;
	s12 =	stileid.u32  }
0x2: {  	s1 =	sand.u32 $0x1, s0;
	s22 =	sshll.u32 s12, $0x1  }
0x3: {  	s5 =	sor.u32 s1, s22;
	s23 =	ssub.s32 $0x2, s1;
	s1 =	smul.u32 $0xD00, s1  }
0x4: {  	s4 =	rddreg [dreg:$0x0];
	s8 =	smul.u32 $0xD, s5  }
0x5: {  	s19 =	rddreg [dreg:$0x1];
	s6 =	sshrl.u32 s23, $0x1;
	s7 =	smul.u32 $0x6800, s5  }
0x6: {  	s3 =	rddreg [dreg:$0x2];
	s0 =	ssub.s32 s23, s6;
	s6 =	smul.u32 $0xD00, s5  }
0x7: {  	s9 =	sshll.u32 s8, $0x8;
	s7 =	sand.u32 $0x7800, s7;
	s10 =	sshll.u32 s8, $0x3  }
0x8: {  	s25 =	sadd.s32 $0x1, s8;
	s2 =	sadd.s32 $0x2, s8;
	s16 =	sadd.s32 $0x3, s8  }
0x9: {  	s21 =	sadd.s32 $0x4, s8;
	s0 =	smax.u32 s0, $0x1;
	s9 =	sand.u32 $0x18000, s9  }
0xa: {  	s24 =	sand.u32 $0x380, s10;
	s26 =	sshll.u32 s25, $0x5;
	s11 =	sshll.u32 s25, $0x8  }
0xb: {  	s10 =	sand.u32 $0x70, s25;
	s13 =	sshll.u32 s2, $0x5;
	s14 =	sshll.u32 s2, $0x8  }
0xc: {  	s17 =	sshll.u32 s16, $0x5;
	s18 =	sshll.u32 s16, $0x8;
	s22 =	sshll.u32 s21, $0x5  }
0xd: {  	s23 =	sshll.u32 s21, $0x8;
	s25 =	sadd.s32 $0x5, s8;
	s7 =	sor.u32 s7, s9  }
0xe: {  	s9 =	sand.u32 $0x7000, s26;
	s11 =	sand.u32 $0xF00, s11;
	s10 =	sadd.s32 s4, s10  }
0xf: {  	s26 =	sshll.u32 s25, $0x5;
	s7 =	sor.u32 s24, s7;
	s9 =	sor.u32 s11, s9  }
0x10: {  	s11 =	sand.u32 $0x70, s2;
	s2 =	sshll.u32 s25, $0x8;
	s9 =	sadd.s32 s9, s10  }
0x11: {  	s10 =	sand.u32 $0xF00, s14;
	s15 =	sadd.s32 s4, s11;
	s11 =	sand.u32 $0x70, s16  }
0x12: {  	s14 =	sadd.s32 $0x6, s8;
	s7 =	sshrl.u32 s7, $0x3;
	[dreg:$0x4] =	wrdreg s9  }
0x13: {  	s9 =	sand.u32 $0x7000, s13;
	s20 =	sadd.s32 s4, s11;
	s11 =	sand.u32 $0x70, s21  }
0x14: {  	s16 =	sshll.u32 s14, $0x8;
	s9 =	sor.u32 s10, s9;
	s10 =	sand.u32 $0xF00, s18  }
0x15: {  	s24 =	sadd.s32 s4, s11;
	s11 =	sand.u32 $0x70, s25;
	s9 =	sadd.s32 s9, s15  }
0x16: {  	s18 =	sadd.s32 $0x7, s8;
	[dreg:$0x5] =	wrdreg s9;
	s9 =	sand.u32 $0x7000, s17  }
0x17: {  	s13 =	sadd.s32 s4, s11;
	s15 =	sshll.u32 s14, $0x5;
	s9 =	sor.u32 s10, s9  }
0x18: {  	s11 =	sand.u32 $0x70, s14;
	s21 =	sshll.u32 s18, $0x8;
	s9 =	sadd.s32 s9, s20  }
0x19: {  	s10 =	sand.u32 $0xF00, s23;
	[dreg:$0x6] =	wrdreg s9;
	s9 =	sand.u32 $0x7000, s22  }
0x1a: {  	s17 =	sadd.s32 s4, s11;
	s11 =	sand.u32 $0x70, s18;
	s9 =	sor.u32 s10, s9  }
0x1b: {  	s23 =	sadd.s32 $0x8, s8;
	s20 =	sshll.u32 s18, $0x5;
	s9 =	sadd.s32 s9, s24  }
0x1c: {  	s10 =	sand.u32 $0xF00, s2;
	[dreg:$0x7] =	wrdreg s9;
	s9 =	sand.u32 $0x7000, s26  }
0x1d: {  	s25 =	sshll.u32 s23, $0x8;
	s22 =	sadd.s32 s4, s11;
	s9 =	sor.u32 s10, s9  }
0x1e: {  	s11 =	sand.u32 $0x70, s23;
	s2 =	sadd.s32 $0x9, s8;
	s9 =	sadd.s32 s9, s13  }
0x1f: {  	s10 =	sand.u32 $0xF00, s16;
	[dreg:$0x8] =	wrdreg s9;
	s9 =	sand.u32 $0x7000, s15  }
0x20: {  	s26 =	sadd.s32 s4, s11;
	s11 =	sand.u32 $0x70, s2;
	s9 =	sor.u32 s10, s9  }
0x21: {  	s24 =	sshll.u32 s23, $0x5;
	s14 =	sadd.s32 s4, s11;
	s9 =	sadd.s32 s9, s17  }
0x22: {  	s10 =	sand.u32 $0xF00, s21;
	[dreg:$0x9] =	wrdreg s9;
	s9 =	sand.u32 $0x7000, s20  }
0x23: {  	s13 =	sshll.u32 s2, $0x8;
	s15 =	sadd.s32 $0xA, s8;
	s9 =	sor.u32 s10, s9  }
0x24: {  	s16 =	sshll.u32 s15, $0x5;
	s11 =	sand.u32 $0x70, s15;
	s9 =	sadd.s32 s9, s22  }
0x25: {  	s10 =	sand.u32 $0xF00, s25;
	[dreg:$0xa] =	wrdreg s9;
	s9 =	sand.u32 $0x7000, s24  }
0x26: {  	s17 =	sshll.u32 s15, $0x8;
	s18 =	sadd.s32 s4, s11;
	s9 =	sor.u32 s10, s9  }
0x27: {  	s20 =	sadd.s32 $0xB, s8;
	s10 =	sshll.u32 s2, $0x5;
	s9 =	sadd.s32 s9, s26  }
0x28: {  	[dreg:$0xb] =	wrdreg s9;
	s9 =	sand.u32 $0x7000, s10;
	s10 =	sand.u32 $0xF00, s13  }
0x29: {  	s8 =	sadd.s32 $0xC, s8;
	s21 =	sshll.u32 s20, $0x5;
	s9 =	sor.u32 s10, s9  }
0x2a: {  	s11 =	sand.u32 $0x70, s20;
	s25 =	sshll.u32 s8, $0x8;
	s9 =	sadd.s32 s9, s14  }
0x2b: {  	s10 =	sand.u32 $0xF00, s17;
	[dreg:$0xc] =	wrdreg s9;
	s9 =	sand.u32 $0x7000, s16  }
0x2c: {  	s15 =	sand.u32 $0x70, s8;
	s22 =	sshll.u32 s20, $0x8;
	s9 =	sor.u32 s10, s9  }
0x2d: {  	s23 =	sadd.s32 s4, s11;
	s24 =	sshll.u32 s8, $0x5;
	s9 =	sadd.s32 s9, s18  }
0x2e: {  	s10 =	sand.u32 $0xF00, s22;
	[dreg:$0xd] =	wrdreg s9;
	s9 =	sand.u32 $0x7000, s21  }
0x2f: {  	s26 =	sadd.s32 $0x280, s6;
	s14 =	simm.s32 $0x0;
	s9 =	sor.u32 s10, s9  }
0x30: {  	[smem:$0x7FF] =	sst s14;
	s16 =	smul.u32 $0x68000, s5;
	s9 =	sadd.s32 s9, s23  }
0x31: {  	s10 =	sand.u32 $0xF00, s25;
	[dreg:$0xe] =	wrdreg s9;
	s9 =	sand.u32 $0x7000, s24  }
0x32: {  	s9 =	sor.u32 s10, s9;
	s10 =	sadd.s32 s4, s7;
	s4 =	sadd.s32 s4, s15  }
0x33: {  	s5 =	smul.u32 $0xD000, s5;
	[dreg:$0xf] =	wrdreg s10;
	s4 =	sadd.s32 s9, s4  }
0x34: {  	s18 =	smul.u32 $0x1A00, s12;
	_ =	strace $0x80000047;
	[dreg:$0x10] =	wrdreg s4  }
0x35: {  	s20 =	sshll.u32 s26, $0x4;
	s5 =	sadd.s32 s3, s5;
	[smem:$0x7FB] =	sst s0  }
0x36: {  	s17 =	sshrl.u32 s16, $0x3;
	s1 =	sadd.s32 s1, s18;
	[dreg:$0x11] =	wrdreg s5  }
0x37: {  	s4 =	sadd.s32 s3, s17;
	s3 =	sadd.s32 s3, s20;
	[dreg:$0x14] =	wrdreg s1  }
0x38: {  	[dreg:$0x12] =	wrdreg s3;
	s21 =	sadd.s32 $0x1000, s4  }
0x39: {  	s22 =	sadd.s32 $0x1800, s4;
	[dreg:$0x13] =	wrdreg s21  }
0x3a: {  	s23 =	sadd.s32 $0x2000, s4;
	[dreg:$0x15] =	wrdreg s22  }
0x3b: {  	s6 =	sadd.s32 $0xC00, s6;
	s24 =	sadd.s32 $0x3000, s4;
	[dreg:$0x16] =	wrdreg s23  }
0x3c: {  	s2 =	sshrl.u32 s26, $0xC;
	s25 =	sadd.s32 $0x3800, s4;
	[dreg:$0x17] =	wrdreg s24  }
0x3d: {  	s6 =	sshrl.u32 s6, $0xC;
	s26 =	sadd.s32 $0x4000, s4;
	[dreg:$0x18] =	wrdreg s25  }
0x3e: {  	s13 =	smul.u32 $0x186A0, s2;
	s2 =	sadd.s32 $0x4800, s4;
	[dreg:$0x19] =	wrdreg s26  }
0x3f: {  	s31 =	smul.u32 $0x186A0, s6;
	s6 =	sadd.s32 $0x5000, s4;
	[dreg:$0x1a] =	wrdreg s2  }
0x40: {  	s7 =	sadd.s32 $0x5800, s4;
	[dreg:$0x1b] =	wrdreg s6  }
0x41: {  	s8 =	sadd.s32 $0x6000, s4;
	[dreg:$0x1c] =	wrdreg s7  }
0x42: {  	s9 =	sadd.s32 $0x6800, s4;
	[dreg:$0x1d] =	wrdreg s8  }
0x43: {  	s10 =	sadd.s32 $0x7000, s4;
	[dreg:$0x1e] =	wrdreg s9  }
0x44: {  	s11 =	sadd.s32 $0x7800, s4;
	[dreg:$0x1f] =	wrdreg s10  }
0x45: {  	s12 =	sadd.s32 $0x8000, s4;
	[smem:$0x7F0] =	sst s11  }
0x46: {  	s30 =	simm.s32 $0x4D00;
	s15 =	sadd.s32 $0x8800, s4;
	[smem:$0x7F1] =	sst s12  }
0x47: {  	s28 =	simm.s32 $0xA;
	s16 =	sadd.s32 $0x9000, s4;
	[smem:$0x7F2] =	sst s15  }
0x48: {  	s29 =	simm.s32 $0xE;
	s17 =	sadd.s32 $0x9800, s4;
	[smem:$0x7F3] =	sst s16  }
0x49: {  	v0 =	vmov s13;
	s13 =	simm.s32 $0x9;
	s18 =	sadd.s32 $0xA000, s4;
	[smem:$0x7F4] =	sst s17  }
0x4a: {  	v1 =	vmov s31;
	s31 =	simm.s32 $0xB;
	s20 =	sadd.s32 $0xA800, s4;
	[smem:$0x7F5] =	sst s18  }
0x4b: {  	s0 =	simm.s32 $0xA00;
	s3 =	simm.s32 $0x0;
	[smem:$0x7F6] =	sst s20  }
0x4c: {  	s21 =	sadd.s32 $0xB000, s4;
	s22 =	sadd.s32 $0xB800, s4;
	s23 =	sadd.s32 $0xC000, s4  }
0x4d: {  	s24 =	sadd.s32 $0xC800, s4;
	s25 =	sadd.s32 $0x800, s5;
	s26 =	sadd.s32 $0x300, s1  }
0x4e: {  	s18 =	simm.s32 $0x80;
	s11 =	simm.s32 $0x400;
	s5 =	simm.s32 $0x100  }
0x4f: {  	s6 =	simm.s32 $0x200;
	s2 =	simm.s32 $0x300;
	[smem:$0x7F7] =	sst s21  }
0x50: {  	s4 =	simm.s32 $0x500;
	s9 =	simm.s32 $0x600;
	[smem:$0x7F8] =	sst s22  }
0x51: {  	s16 =	simm.s32 $0x700;
	s17 =	simm.s32 $0x800;
	[smem:$0x7F9] =	sst s23  }
0x52: {  	s20 =	simm.s32 $0x900;
	s10 =	simm.s32 $0xD00;
	[smem:$0x7FA] =	sst s24  }
0x53: {  	s8 =	simm.s32 $0x8D00;
	s7 =	simm.s32 $0xF;
	[smem:$0x7FC] =	sst s25  }
0x54: {  	s12 =	simm.s32 $0x8;
	s15 =	simm.s32 $0x5;
	[smem:$0x7FD] =	sst s26  }
0x55: {  	s25 =	simm.s32 $0xB00;
	s26 =	simm.s32 $0xC00;
	s21 =	simm.s32 $0xCD00  }
0x56: {  	s22 =	simm.s32 $0x10D00;
	s23 =	simm.s32 $0x3;
	s24 =	simm.s32 $0x4  }
.LBB2_1:
0x57: {  	[smem:$0x7EF] =	sst s3  }
0x58: {  	s1 =	rddreg [dreg:$0xf]  }
0x59: {  	[tilespmem:s14], [sflag:$0x10] =	stream.strided.gather [hbm4b:s1+s18], $0x100, s11, s18, $0x38;
	[tilespmem:$0x1CD00] =	vst v63  }
0x5a: {  	s3 =	rddreg [dreg:$0x4]  }
0x5b: {  	[tilespmem:s5], [sflag:$0x10] =	stream.strided.gather [hbm4b:s3+s18], $0x100, s11, s18, $0x38;
	[tilespmem:$0x1CD00] =	vst v63  }
0x5c: {  	s3 =	rddreg [dreg:$0x5]  }
0x5d: {  	[tilespmem:s6], [sflag:$0x10] =	stream.strided.gather [hbm4b:s3+s18], $0x100, s11, s18, $0x38;
	[tilespmem:$0x1CD00] =	vst v63  }
0x5e: {  	s3 =	rddreg [dreg:$0x6]  }
0x5f: {  	[tilespmem:s2], [sflag:$0xF] =	stream.strided.gather [hbm4b:s3+s18], $0x100, s11, s18, $0x38;
	[tilespmem:$0x1CD00] =	vst v63  }
0x60: {  	s2 =	rddreg [dreg:$0x7]  }
0x61: {  	[tilespmem:s11], [sflag:$0xF] =	stream.strided.gather [hbm4b:s2+s18], $0x100, s11, s18, $0x38;
	[tilespmem:$0x1CD00] =	vst v63  }
0x62: {  	s3 =	rddreg [dreg:$0x8]  }
0x63: {  	[tilespmem:s4], [sflag:$0xF] =	stream.strided.gather [hbm4b:s3+s18], $0x100, s11, s18, $0x38;
	[tilespmem:$0x1CD00] =	vst v63  }
0x64: {  	s4 =	rddreg [dreg:$0x9]  }
0x65: {  	[tilespmem:s9], [sflag:$0xF] =	stream.strided.gather [hbm4b:s4+s18], $0x100, s11, s18, $0x38;
	[tilespmem:$0x1CD00] =	vst v63  }
0x66: {  	s2 =	rddreg [dreg:$0xa]  }
0x67: {  	[tilespmem:s16], [sflag:$0xF] =	stream.strided.gather [hbm4b:s2+s18], $0x100, s11, s18, $0x38;
	[tilespmem:$0x1CD00] =	vst v63  }
0x68: {  	s3 =	rddreg [dreg:$0xb]  }
0x69: {  	[tilespmem:s17], [sflag:$0xF] =	stream.strided.gather [hbm4b:s3+s18], $0x100, s11, s18, $0x38;
	[tilespmem:$0x1CD00] =	vst v63  }
0x6a: {  	s4 =	rddreg [dreg:$0xc]  }
0x6b: {  	[tilespmem:s20], [sflag:$0xF] =	stream.strided.gather [hbm4b:s4+s18], $0x100, s11, s18, $0x38;
	[tilespmem:$0x1CD00] =	vst v63  }
0x6c: {  	s9 =	rddreg [dreg:$0xd]  }
0x6d: {  	[tilespmem:s0], [sflag:$0xF] =	stream.strided.gather [hbm4b:s9+s18], $0x100, s11, s18, $0x38;
	[tilespmem:$0x1CD00] =	vst v63  }
0x6e: {  	s16 =	rddreg [dreg:$0xe]  }
0x6f: {  	[tilespmem:s25], [sflag:$0xF] =	stream.strided.gather [hbm4b:s16+s18], $0x100, s11, s18, $0x38;
	[tilespmem:$0x1CD00] =	vst v63  }
0x70: {  	s17 =	rddreg [dreg:$0x10];
	s20 =	simm.s32 $0x10  }
0x71: {  	[tilespmem:s26], [sflag:$0xF] =	stream.strided.gather [hbm4b:s17+s18], $0x100, s11, s18, $0x38;
	[tilespmem:$0x1CD00] =	vst v63  }
0x72: {  	_ =	swait.ge [sflag:s20], $0x100  }
0x73: {  	[sflag:s20] =	ssyncset.done $0x0  }
0x74: {  	[sflag:s20] =	ssyncadd.s32 $0xFFFFFF00  }
0x75: {  	_ =	swait.ge [sflag:s20], $0x100  }
0x76: {  	[sflag:s20] =	ssyncset.done $0x0  }
0x77: {  	[sflag:s20] =	ssyncadd.s32 $0xFFFFFF00  }
0x78: {  	_ =	swait.ge [sflag:s20], $0x100  }
0x79: {  	[sflag:s20] =	ssyncset.done $0x0  }
0x7a: {  	s1 =	simm.s32 $0x40;
	[sflag:s20] =	ssyncadd.s32 $0xFFFFFF00  }
0x7b: {  	v2 =	vld [tilespmem:s1+$0xFFFFFFC0]  }
0x7c: {  	s25 =	rddreg [dreg:$0x14];
	v5 =	vld [tilespmem:s1+$0xFFFFFFD0]  }
0x7d: {  	s26 =	sshrl.u32 s25, $0xC;
	v6 =	vld [tilespmem:s1+$0xFFFFFFE0]  }
0x7e: {  	s9 =	smul.u32 $0x186A0, s26;
	v4 =	vld [tilespmem:s1+$0x0]  }
0x7f: {  	v3 =	vld [tilespmem:s1+$0x10]  }
0x80: {  	v7 =	vadd.s32 s9, v2;
	v2 =	vld [tilespmem:s1+$0x20]  }
0x81: {  	[tilespmem:s1+$0xFFFFFFC0] =	vst v7;
	v7 =	vadd.s32 s9, v5;
	v5 =	vld [tilespmem:s1+$0x30]  }
0x82: {  	s16 =	simm.s32 $0x0;
	s20 =	simm.s32 $0xC0;
	s3 =	smov.u32 s25;
	[tilespmem:s1+$0xFFFFFFD0] =	vst v7;
	v7 =	vadd.s32 s9, v6;
	v6 =	vld [tilespmem:s1+$0xFFFFFFF0]  }
.LBB2_2:
0x83: {  	v8 =	vld [tilespmem:s20+$0xFFFFFFC0];
	[tilespmem:s1+$0xFFFFFFE0] =	vst v7;
	v4 =	vadd.s32 s9, v4;
	s3 =	sadd.s32 $0x80, s3  }
0x84: {  	s16 =	sadd.s32 $0x8, s16;
	v7 =	vld [tilespmem:s20+$0xFFFFFFD0];
	[tilespmem:s1+$0x0] =	vst v4;
	v3 =	vadd.s32 s9, v3;
	s4 =	sshrl.u32 s3, $0xC  }
0x85: {  	p0 =	slt.u32 s16, $0x20;
	v9 =	vld [tilespmem:s20+$0xFFFFFFE0];
	[tilespmem:s1+$0x10] =	vst v3;
	v2 =	vadd.s32 s9, v2;
	s4 =	smul.u32 $0x186A0, s4  }
.Ltmp0:
0x86: {  	v4 =	vld [tilespmem:s20+$0x0];
	[tilespmem:s1+$0x20] =	vst v2;
	v2 =	vadd.s32 s9, v5;
	(pc) =	sbr.rel @p0 .LBB2_2-.Ltmp0, $4  }
0x87: {  	v3 =	vld [tilespmem:s20+$0x10];
	v5 =	vadd.s32 s9, v6;
	[tilespmem:s1+$0x30] =	vst v2  }
0x88: {  	s9 =	smov.u32 s4;
	v6 =	vadd.s32 s4, v8;
	v2 =	vld [tilespmem:s20+$0x20];
	[tilespmem:s1+$0xFFFFFFF0] =	vst v5;
	s1 =	smov.u32 s20  }
0x89: {  	[tilespmem:s20+$0xFFFFFFC0] =	vst v6;
	v6 =	vadd.s32 s9, v7;
	v5 =	vld [tilespmem:s20+$0x30]  }
0x8a: {  	s20 =	sadd.s32 $0x80, s20;
	[tilespmem:s1+$0xFFFFFFD0] =	vst v6;
	v7 =	vadd.s32 s9, v9;
	v6 =	vld [tilespmem:s1+$0xFFFFFFF0]  }
0x8b: {  	[tilespmem:s1+$0xFFFFFFE0] =	vst v7;
	v4 =	vadd.s32 s9, v4  }
0x8c: {  	[tilespmem:s1+$0x0] =	vst v4;
	v3 =	vadd.s32 s9, v3  }
0x8d: {  	[tilespmem:s1+$0x10] =	vst v3;
	v2 =	vadd.s32 s9, v2  }
0x8e: {  	[tilespmem:s1+$0x20] =	vst v2;
	v2 =	vadd.s32 s9, v5  }
0x8f: {  	v3 =	vadd.s32 s9, v6;
	[tilespmem:s1+$0x30] =	vst v2  }
0x90: {  	[tilespmem:s1+$0xFFFFFFF0] =	vst v3  }
0x91: {  	v2 =	vld [tilespmem:$0x280];
	_ =	sdelay $0x4  }
0x92: {  	v2 =	vadd.s32 v0, v2  }
0x93: {  	[tilespmem:$0x280] =	vst v2  }
0x94: {  	[tilespmem:s10], [sflag:$0x1] =	stream.indirect.gather [hbm4b:s19+s18], $0x80, s14, s18, $0xb8;
	[tilespmem:$0x1CD00] =	vst v63  }
0x95: {  	_ = 	snop  }
0x96: {  	[tilespmem:s30], [sflag:$0x2] =	stream.indirect.gather [hbm4b:s19+s18], $0x80, s18, s18, $0xb8;
	[tilespmem:$0x1CD00] =	vst v63  }
0x97: {  	_ = 	snop  }
0x98: {  	[tilespmem:s8], [sflag:$0x3] =	stream.indirect.gather [hbm4b:s19+s18], $0x80, s5, s18, $0xb8;
	[tilespmem:$0x1CD00] =	vst v63  }
0x99: {  	s0 =	simm.s32 $0x180  }
0x9a: {  	[tilespmem:s21], [sflag:$0x4] =	stream.indirect.gather [hbm4b:s19+s18], $0x80, s0, s18, $0xb8;
	[tilespmem:$0x1CD00] =	vst v63  }
0x9b: {  	_ = 	snop  }
0x9c: {  	[tilespmem:s22], [sflag:$0x5] =	stream.indirect.gather [hbm4b:s19+s18], $0x80, s6, s18, $0xb8;
	[tilespmem:$0x1CD00] =	vst v63  }
0x9d: {  	_ =	swait.ge [sflag:s7], $0x100  }
0x9e: {  	[sflag:s7] =	ssyncset.done $0x0  }
0x9f: {  	[sflag:s7] =	ssyncadd.s32 $0xFFFFFF00  }
0xa0: {  	_ =	swait.ge [sflag:s7], $0x100  }
0xa1: {  	[sflag:s7] =	ssyncset.done $0x0  }
0xa2: {  	[sflag:s7] =	ssyncadd.s32 $0xFFFFFF00  }
0xa3: {  	_ =	swait.ge [sflag:s7], $0x100  }
0xa4: {  	[sflag:s7] =	ssyncset.done $0x0  }
0xa5: {  	[sflag:s7] =	ssyncadd.s32 $0xFFFFFF00  }
0xa6: {  	_ =	swait.ge [sflag:s7], $0x100  }
0xa7: {  	[sflag:s7] =	ssyncset.done $0x0  }
0xa8: {  	[sflag:s7] =	ssyncadd.s32 $0xFFFFFF00  }
0xa9: {  	_ =	swait.ge [sflag:s7], $0x100  }
0xaa: {  	[sflag:s7] =	ssyncset.done $0x0  }
0xab: {  	[sflag:s7] =	ssyncadd.s32 $0xFFFFFF00  }
0xac: {  	_ =	swait.ge [sflag:s7], $0x100  }
0xad: {  	[sflag:s7] =	ssyncset.done $0x0  }
0xae: {  	[sflag:s7] =	ssyncadd.s32 $0xFFFFFF00  }
0xaf: {  	_ =	swait.ge [sflag:s7], $0x100  }
0xb0: {  	[sflag:s7] =	ssyncset.done $0x0  }
0xb1: {  	[sflag:s7] =	ssyncadd.s32 $0xFFFFFF00  }
0xb2: {  	_ =	swait.ge [sflag:s7], $0x100  }
0xb3: {  	[sflag:s7] =	ssyncset.done $0x0  }
0xb4: {  	[sflag:s7] =	ssyncadd.s32 $0xFFFFFF00  }
0xb5: {  	_ =	swait.ge [sflag:s7], $0x100  }
0xb6: {  	[sflag:s7] =	ssyncset.done $0x0  }
0xb7: {  	[sflag:s7] =	ssyncadd.s32 $0xFFFFFF00  }
0xb8: {  	_ =	swait.ge [sflag:s7], $0x100  }
0xb9: {  	[sflag:s7] =	ssyncset.done $0x0;
	s6 =	sld [smem:$0x7FD]  }
0xba: {  	s1 =	simm.s32 $0x300;
	[sflag:s7] =	ssyncadd.s32 $0xFFFFFF00  }
0xbb: {  	v2 =	vld [tilespmem:s1+$0xFFFFFF90]  }
0xbc: {  	v4 =	vld [tilespmem:s1+$0xFFFFFFB0];
	s3 =	sadd.s32 $0xFFFFFF90, s6  }
0xbd: {  	v3 =	vld [tilespmem:s1+$0xFFFFFFA0];
	s4 =	sadd.s32 $0xFFFFFFA0, s6;
	s8 =	sadd.s32 $0xFFFFFFB0, s6;
	s3 =	sshrl.u32 s3, $0xC  }
0xbe: {  	v5 =	vld [tilespmem:s1+$0xFFFFFFC0];
	s16 =	sadd.s32 $0xFFFFFFC0, s6;
	s9 =	sshrl.u32 s8, $0xC;
	s3 =	smul.u32 $0x186A0, s3  }
0xbf: {  	v6 =	vld [tilespmem:s1+$0xFFFFFFD0];
	s17 =	sadd.s32 $0xFFFFFFD0, s6;
	s4 =	sshrl.u32 s4, $0xC;
	s10 =	smul.u32 $0x186A0, s9  }
0xc0: {  	s20 =	sadd.s32 $0xFFFFFFE0, s6;
	s16 =	sshrl.u32 s16, $0xC;
	s4 =	smul.u32 $0x186A0, s4;
	v2 =	vadd.s32 s3, v2  }
0xc1: {  	s25 =	sadd.s32 $0xFFFFFFF0, s6;
	s22 =	sshrl.u32 s17, $0xC;
	s21 =	smul.u32 $0x186A0, s16;
	v4 =	vadd.s32 s10, v4;
	[tilespmem:s1+$0xFFFFFF90] =	vst v2;
	v2 =	vld [tilespmem:s1+$0xFFFFFFE0]  }
0xc2: {  	s30 =	sshrl.u32 s6, $0xC;
	s26 =	sshrl.u32 s20, $0xC;
	s9 =	smul.u32 $0x186A0, s22;
	v3 =	vadd.s32 s4, v3;
	[tilespmem:s1+$0xFFFFFFB0] =	vst v4;
	v4 =	vld [tilespmem:s1+$0x0]  }
0xc3: {  	s20 =	simm.s32 $0x0;
	s17 =	smul.u32 $0x186A0, s30;
	s16 =	smov.u32 s6;
	v5 =	vadd.s32 s21, v5;
	[tilespmem:s1+$0xFFFFFFA0] =	vst v3;
	v3 =	vld [tilespmem:s1+$0xFFFFFFF0]  }
0xc4: {  	s3 =	smul.u32 $0x186A0, s26;
	s4 =	sshrl.u32 s25, $0xC;
	[tilespmem:s1+$0xFFFFFFC0] =	vst v5;
	v5 =	vadd.s32 s9, v6;
	s9 =	simm.s32 $0x380  }
.LBB2_4:
0xc5: {  	v6 =	vld [tilespmem:s9+$0xFFFFFF90];
	s16 =	sadd.s32 $0x80, s16  }
0xc6: {  	[tilespmem:s1+$0xFFFFFFD0] =	vst v5;
	v2 =	vadd.s32 s3, v2;
	s3 =	smul.u32 $0x186A0, s4;
	s20 =	sadd.s32 $0x8, s20;
	s4 =	sadd.s32 $0xFFFFFF90, s16  }
0xc7: {  	v5 =	vld [tilespmem:s9+$0xFFFFFFA0];
	s5 =	sadd.s32 $0xFFFFFFF0, s16;
	[tilespmem:s1+$0xFFFFFFE0] =	vst v2;
	v2 =	vadd.s32 s17, v4;
	s17 =	sadd.s32 $0xFFFFFFA0, s16;
	s4 =	sshrl.u32 s4, $0xC  }
0xc8: {  	s6 =	sadd.s32 $0xFFFFFFB0, s16;
	v7 =	vld [tilespmem:s9+$0xFFFFFFB0];
	v3 =	vadd.s32 s3, v3;
	[tilespmem:s1+$0x0] =	vst v2;
	s3 =	smul.u32 $0x186A0, s4;
	s4 =	sshrl.u32 s17, $0xC  }
0xc9: {  	s17 =	sadd.s32 $0xFFFFFFC0, s16;
	v8 =	vld [tilespmem:s9+$0xFFFFFFC0];
	[tilespmem:s1+$0xFFFFFFF0] =	vst v3;
	s1 =	smul.u32 $0x186A0, s4;
	s4 =	sshrl.u32 s6, $0xC  }
0xca: {  	p0 =	slt.u32 s20, $0x98;
	s6 =	sadd.s32 $0xFFFFFFD0, s16;
	v9 =	vld [tilespmem:s9+$0xFFFFFFD0];
	v3 =	vadd.s32 s3, v6;
	s3 =	smul.u32 $0x186A0, s4  }
.Ltmp1:
0xcb: {  	s4 =	sshrl.u32 s17, $0xC;
	s17 =	sadd.s32 $0xFFFFFFE0, s16;
	v2 =	vld [tilespmem:s9+$0xFFFFFFE0];
	(pc) =	sbr.rel @p0 .LBB2_4-.Ltmp1, $4  }
0xcc: {  	[tilespmem:s9+$0xFFFFFF90] =	vst v3;
	v3 =	vadd.s32 s1, v5;
	s1 =	smul.u32 $0x186A0, s4;
	s4 =	sshrl.u32 s6, $0xC;
	v4 =	vld [tilespmem:s9+$0x0]  }
0xcd: {  	[tilespmem:s9+$0xFFFFFFA0] =	vst v3;
	v5 =	vadd.s32 s3, v7;
	s6 =	smul.u32 $0x186A0, s4;
	s3 =	sshrl.u32 s17, $0xC;
	v3 =	vld [tilespmem:s9+$0xFFFFFFF0]  }
0xce: {  	s4 =	sshrl.u32 s5, $0xC;
	[tilespmem:s9+$0xFFFFFFB0] =	vst v5;
	v5 =	vadd.s32 s1, v8;
	s3 =	smul.u32 $0x186A0, s3;
	s1 =	sshrl.u32 s16, $0xC  }
0xcf: {  	[tilespmem:s9+$0xFFFFFFC0] =	vst v5;
	v5 =	vadd.s32 s6, v9;
	s17 =	smul.u32 $0x186A0, s1;
	s1 =	smov.u32 s9;
	s9 =	sadd.s32 $0x80, s9  }
0xd0: {  	v2 =	vadd.s32 s3, v2;
	[tilespmem:s1+$0xFFFFFFD0] =	vst v5;
	s16 =	smul.u32 $0x186A0, s4  }
0xd1: {  	v4 =	vadd.s32 s17, v4;
	[tilespmem:s1+$0xFFFFFFE0] =	vst v2  }
0xd2: {  	v2 =	vadd.s32 s16, v3;
	[tilespmem:s1+$0x0] =	vst v4  }
0xd3: {  	[tilespmem:s1+$0xFFFFFFF0] =	vst v2  }
0xd4: {  	v2 =	vld [tilespmem:$0xC90]  }
0xd5: {  	v3 =	vld [tilespmem:$0xCA0]  }
0xd6: {  	v4 =	vld [tilespmem:$0xCB0]  }
0xd7: {  	v5 =	vld [tilespmem:$0xCC0]  }
0xd8: {  	v6 =	vld [tilespmem:$0xCD0]  }
0xd9: {  	v7 =	vld [tilespmem:$0xCE0];
	v2 =	vadd.s32 v1, v2  }
0xda: {  	[tilespmem:$0xC90] =	vst v2;
	v2 =	vadd.s32 v1, v3;
	v3 =	vld [tilespmem:$0xCF0]  }
0xdb: {  	[tilespmem:$0xCA0] =	vst v2;
	v2 =	vadd.s32 v1, v4  }
0xdc: {  	[tilespmem:$0xCB0] =	vst v2;
	v2 =	vadd.s32 v1, v5  }
0xdd: {  	[tilespmem:$0xCC0] =	vst v2;
	v2 =	vadd.s32 v1, v6  }
0xde: {  	[tilespmem:$0xCD0] =	vst v2;
	v2 =	vadd.s32 v1, v7  }
0xdf: {  	[tilespmem:$0xCE0] =	vst v2;
	v2 =	vadd.s32 v1, v3  }
0xe0: {  	s8 =	simm.s32 $0x1;
	[tilespmem:$0xCF0] =	vst v2  }
0xe1: {  	_ =	swait.ge [sflag:s8], $0x4000  }
0xe2: {  	[sflag:s8] =	ssyncset.done $0x0  }
0xe3: {  	s5 =	simm.s32 $0xD00;
	s20 =	rddreg [dreg:$0x11];
	[sflag:s8] =	ssyncadd.s32 $0xFFFFC000  }
0xe4: {  	[hbm4b:s20+s14] =	stream.linear.scatter [tilespmem:s5], [sflag:$0x8], $0x4000, $0x38;
	[tilespmem:$0x1CD00] =	vst v63  }
0xe5: {  	s0 =	simm.s32 $0x280;
	s26 =	simm.s32 $0x14D00;
	s30 =	simm.s32 $0x2  }
0xe6: {  	[tilespmem:s26], [sflag:$0x6] =	stream.indirect.gather [hbm4b:s19+s18], $0x80, s0, s18, $0xb8;
	[tilespmem:$0x1CD00] =	vst v63  }
0xe7: {  	_ =	swait.ge [sflag:s30], $0x4000  }
0xe8: {  	s21 =	sld [smem:$0x7FC]  }
0xe9: {  	[sflag:s30] =	ssyncset.done $0x0  }
0xea: {  	s6 =	simm.s32 $0x4D00;
	[sflag:s30] =	ssyncadd.s32 $0xFFFFC000  }
0xeb: {  	[hbm4b:s21+s14] =	stream.linear.scatter [tilespmem:s6], [sflag:$0x9], $0x4000, $0x38;
	[tilespmem:$0x1CD00] =	vst v63  }
0xec: {  	s22 =	simm.s32 $0x300;
	s25 =	simm.s32 $0x18D00  }
0xed: {  	[tilespmem:s25], [sflag:$0x7] =	stream.indirect.gather [hbm4b:s19+s18], $0x80, s22, s18, $0xb8;
	[tilespmem:$0x1CD00] =	vst v63  }
0xee: {  	_ =	swait.ge [sflag:s23], $0x4000  }
0xef: {  	[sflag:s23] =	ssyncset.done $0x0  }
0xf0: {  	s21 =	simm.s32 $0x8D00;
	s0 =	rddreg [dreg:$0x13];
	[sflag:s23] =	ssyncadd.s32 $0xFFFFC000  }
0xf1: {  	[hbm4b:s0+s14] =	stream.linear.scatter [tilespmem:s21], [sflag:$0xA], $0x4000, $0x38;
	[tilespmem:$0x1CD00] =	vst v63  }
0xf2: {  	_ =	swait.ge [sflag:s12], $0x4000  }
0xf3: {  	[sflag:s12] =	ssyncset.done $0x0  }
0xf4: {  	s1 =	simm.s32 $0x380;
	[sflag:s12] =	ssyncadd.s32 $0xFFFFC000  }
0xf5: {  	[tilespmem:s5], [sflag:$0x1] =	stream.indirect.gather [hbm4b:s19+s18], $0x80, s1, s18, $0xb8;
	[tilespmem:$0x1CD00] =	vst v63  }
0xf6: {  	_ =	swait.ge [sflag:s24], $0x4000  }
0xf7: {  	[sflag:s24] =	ssyncset.done $0x0  }
0xf8: {  	s22 =	simm.s32 $0xCD00;
	s3 =	rddreg [dreg:$0x15];
	[sflag:s24] =	ssyncadd.s32 $0xFFFFC000  }
0xf9: {  	[hbm4b:s3+s14] =	stream.linear.scatter [tilespmem:s22], [sflag:$0xB], $0x4000, $0x38;
	[tilespmem:$0x1CD00] =	vst v63  }
0xfa: {  	_ =	swait.ge [sflag:s13], $0x4000  }
0xfb: {  	[sflag:s13] =	ssyncset.done $0x0  }
0xfc: {  	[sflag:s13] =	ssyncadd.s32 $0xFFFFC000  }
0xfd: {  	[tilespmem:s6], [sflag:$0x2] =	stream.indirect.gather [hbm4b:s19+s18], $0x80, s11, s18, $0xb8;
	[tilespmem:$0x1CD00] =	vst v63  }
0xfe: {  	_ =	swait.ge [sflag:s15], $0x4000  }
0xff: {  	[sflag:s15] =	ssyncset.done $0x0  }
0x100: {  	s11 =	simm.s32 $0x10D00;
	s4 =	rddreg [dreg:$0x16];
	[sflag:s15] =	ssyncadd.s32 $0xFFFFC000  }
0x101: {  	[hbm4b:s4+s14] =	stream.linear.scatter [tilespmem:s11], [sflag:$0xC], $0x4000, $0x38;
	[tilespmem:$0x1CD00] =	vst v63  }
0x102: {  	_ =	swait.ge [sflag:s28], $0x4000  }
0x103: {  	[sflag:s28] =	ssyncset.done $0x0  }
0x104: {  	s9 =	simm.s32 $0x480;
	s3 =	simm.s32 $0x6;
	[sflag:s28] =	ssyncadd.s32 $0xFFFFC000  }
0x105: {  	[tilespmem:s21], [sflag:$0x3] =	stream.indirect.gather [hbm4b:s19+s18], $0x80, s9, s18, $0xb8;
	[tilespmem:$0x1CD00] =	vst v63  }
0x106: {  	_ =	swait.ge [sflag:s3], $0x4000  }
0x107: {  	[sflag:s3] =	ssyncset.done $0x0  }
0x108: {  	s10 =	rddreg [dreg:$0x12];
	[sflag:s3] =	ssyncadd.s32 $0xFFFFC000  }
0x109: {  	[hbm4b:s10+s14] =	stream.linear.scatter [tilespmem:s26], [sflag:$0xD], $0x4000, $0x38;
	[tilespmem:$0x1CD00] =	vst v63  }
0x10a: {  	_ =	swait.ge [sflag:s31], $0x4000  }
0x10b: {  	[sflag:s31] =	ssyncset.done $0x0  }
0x10c: {  	s16 =	simm.s32 $0x500;
	s10 =	simm.s32 $0x7;
	[sflag:s31] =	ssyncadd.s32 $0xFFFFC000  }
0x10d: {  	[tilespmem:s22], [sflag:$0x4] =	stream.indirect.gather [hbm4b:s19+s18], $0x80, s16, s18, $0xb8;
	[tilespmem:$0x1CD00] =	vst v63  }
0x10e: {  	_ =	swait.ge [sflag:s10], $0x4000  }
0x10f: {  	[sflag:s10] =	ssyncset.done $0x0  }
0x110: {  	s2 =	simm.s32 $0x18D00;
	s17 =	rddreg [dreg:$0x17];
	[sflag:s10] =	ssyncadd.s32 $0xFFFFC000  }
0x111: {  	[hbm4b:s17+s14] =	stream.linear.scatter [tilespmem:s2], [sflag:$0xE], $0x4000, $0x38;
	[tilespmem:$0x1CD00] =	vst v63  }
0x112: {  	s2 =	simm.s32 $0xC  }
0x113: {  	_ =	swait.ge [sflag:s2], $0x4000  }
0x114: {  	[sflag:s2] =	ssyncset.done $0x0  }
0x115: {  	s20 =	simm.s32 $0x580;
	[sflag:s2] =	ssyncadd.s32 $0xFFFFC000  }
0x116: {  	[tilespmem:s11], [sflag:$0x5] =	stream.indirect.gather [hbm4b:s19+s18], $0x80, s20, s18, $0xb8;
	[tilespmem:$0x1CD00] =	vst v63  }
0x117: {  	_ =	swait.ge [sflag:s8], $0x4000  }
0x118: {  	[sflag:s8] =	ssyncset.done $0x0  }
0x119: {  	s4 =	simm.s32 $0xD;
	s25 =	rddreg [dreg:$0x18];
	[sflag:s8] =	ssyncadd.s32 $0xFFFFC000  }
0x11a: {  	[hbm4b:s25+s14] =	stream.linear.scatter [tilespmem:s5], [sflag:$0x8], $0x4000, $0x38;
	[tilespmem:$0x1CD00] =	vst v63  }
0x11b: {  	_ =	swait.ge [sflag:s4], $0x4000  }
0x11c: {  	[sflag:s4] =	ssyncset.done $0x0  }
0x11d: {  	s9 =	simm.s32 $0x600;
	[sflag:s4] =	ssyncadd.s32 $0xFFFFC000  }
0x11e: {  	[tilespmem:s26], [sflag:$0x6] =	stream.indirect.gather [hbm4b:s19+s18], $0x80, s9, s18, $0xb8;
	[tilespmem:$0x1CD00] =	vst v63  }
0x11f: {  	_ =	swait.ge [sflag:s30], $0x4000  }
0x120: {  	[sflag:s30] =	ssyncset.done $0x0  }
0x121: {  	s0 =	rddreg [dreg:$0x19];
	[sflag:s30] =	ssyncadd.s32 $0xFFFFC000  }
0x122: {  	[hbm4b:s0+s14] =	stream.linear.scatter [tilespmem:s6], [sflag:$0x9], $0x4000, $0x38;
	[tilespmem:$0x1CD00] =	vst v63  }
0x123: {  	_ =	swait.ge [sflag:s29], $0x4000  }
0x124: {  	[sflag:s29] =	ssyncset.done $0x0  }
0x125: {  	s16 =	simm.s32 $0x18D00;
	s17 =	simm.s32 $0x680;
	[sflag:s29] =	ssyncadd.s32 $0xFFFFC000  }
0x126: {  	[tilespmem:s16], [sflag:$0x7] =	stream.indirect.gather [hbm4b:s19+s18], $0x80, s17, s18, $0xb8;
	[tilespmem:$0x1CD00] =	vst v63  }
0x127: {  	_ =	swait.ge [sflag:s23], $0x4000  }
0x128: {  	[sflag:s23] =	ssyncset.done $0x0  }
0x129: {  	s20 =	rddreg [dreg:$0x1a];
	[sflag:s23] =	ssyncadd.s32 $0xFFFFC000  }
0x12a: {  	[hbm4b:s20+s14] =	stream.linear.scatter [tilespmem:s21], [sflag:$0xA], $0x4000, $0x38;
	[tilespmem:$0x1CD00] =	vst v63  }
0x12b: {  	_ =	swait.ge [sflag:s12], $0x4000  }
0x12c: {  	[sflag:s12] =	ssyncset.done $0x0  }
0x12d: {  	s16 =	simm.s32 $0x700;
	[sflag:s12] =	ssyncadd.s32 $0xFFFFC000  }
0x12e: {  	[tilespmem:s5], [sflag:$0x1] =	stream.indirect.gather [hbm4b:s19+s18], $0x80, s16, s18, $0xb8;
	[tilespmem:$0x1CD00] =	vst v63  }
0x12f: {  	_ =	swait.ge [sflag:s24], $0x4000  }
0x130: {  	[sflag:s24] =	ssyncset.done $0x0  }
0x131: {  	s0 =	rddreg [dreg:$0x1b];
	[sflag:s24] =	ssyncadd.s32 $0xFFFFC000  }
0x132: {  	[hbm4b:s0+s14] =	stream.linear.scatter [tilespmem:s22], [sflag:$0xB], $0x4000, $0x38;
	[tilespmem:$0x1CD00] =	vst v63  }
0x133: {  	_ =	swait.ge [sflag:s13], $0x4000  }
0x134: {  	[sflag:s13] =	ssyncset.done $0x0  }
0x135: {  	s17 =	simm.s32 $0x780;
	[sflag:s13] =	ssyncadd.s32 $0xFFFFC000  }
0x136: {  	[tilespmem:s6], [sflag:$0x2] =	stream.indirect.gather [hbm4b:s19+s18], $0x80, s17, s18, $0xb8;
	[tilespmem:$0x1CD00] =	vst v63  }
0x137: {  	_ =	swait.ge [sflag:s15], $0x4000  }
0x138: {  	[sflag:s15] =	ssyncset.done $0x0  }
0x139: {  	s20 =	rddreg [dreg:$0x1c];
	[sflag:s15] =	ssyncadd.s32 $0xFFFFC000  }
0x13a: {  	[hbm4b:s20+s14] =	stream.linear.scatter [tilespmem:s11], [sflag:$0xC], $0x4000, $0x38;
	[tilespmem:$0x1CD00] =	vst v63  }
0x13b: {  	_ =	swait.ge [sflag:s28], $0x4000  }
0x13c: {  	[sflag:s28] =	ssyncset.done $0x0  }
0x13d: {  	s17 =	simm.s32 $0x800;
	[sflag:s28] =	ssyncadd.s32 $0xFFFFC000  }
0x13e: {  	[tilespmem:s21], [sflag:$0x3] =	stream.indirect.gather [hbm4b:s19+s18], $0x80, s17, s18, $0xb8;
	[tilespmem:$0x1CD00] =	vst v63  }
0x13f: {  	_ =	swait.ge [sflag:s3], $0x4000  }
0x140: {  	[sflag:s3] =	ssyncset.done $0x0  }
0x141: {  	s0 =	rddreg [dreg:$0x1d];
	[sflag:s3] =	ssyncadd.s32 $0xFFFFC000  }
0x142: {  	[hbm4b:s0+s14] =	stream.linear.scatter [tilespmem:s26], [sflag:$0xD], $0x4000, $0x38;
	[tilespmem:$0x1CD00] =	vst v63  }
0x143: {  	_ =	swait.ge [sflag:s31], $0x4000  }
0x144: {  	[sflag:s31] =	ssyncset.done $0x0  }
0x145: {  	s1 =	simm.s32 $0x880;
	[sflag:s31] =	ssyncadd.s32 $0xFFFFC000  }
0x146: {  	[tilespmem:s22], [sflag:$0x4] =	stream.indirect.gather [hbm4b:s19+s18], $0x80, s1, s18, $0xb8;
	[tilespmem:$0x1CD00] =	vst v63  }
0x147: {  	_ =	swait.ge [sflag:s10], $0x4000  }
0x148: {  	[sflag:s10] =	ssyncset.done $0x0  }
0x149: {  	s25 =	simm.s32 $0x18D00;
	s20 =	rddreg [dreg:$0x1e];
	[sflag:s10] =	ssyncadd.s32 $0xFFFFC000  }
0x14a: {  	[hbm4b:s20+s14] =	stream.linear.scatter [tilespmem:s25], [sflag:$0xE], $0x4000, $0x38;
	[tilespmem:$0x1CD00] =	vst v63  }
0x14b: {  	_ =	swait.ge [sflag:s2], $0x4000  }
0x14c: {  	[sflag:s2] =	ssyncset.done $0x0  }
0x14d: {  	s20 =	simm.s32 $0x900;
	[sflag:s2] =	ssyncadd.s32 $0xFFFFC000  }
0x14e: {  	[tilespmem:s11], [sflag:$0x5] =	stream.indirect.gather [hbm4b:s19+s18], $0x80, s20, s18, $0xb8;
	[tilespmem:$0x1CD00] =	vst v63  }
0x14f: {  	_ =	swait.ge [sflag:s8], $0x4000  }
0x150: {  	[sflag:s8] =	ssyncset.done $0x0  }
0x151: {  	s0 =	rddreg [dreg:$0x1f];
	[sflag:s8] =	ssyncadd.s32 $0xFFFFC000  }
0x152: {  	[hbm4b:s0+s14] =	stream.linear.scatter [tilespmem:s5], [sflag:$0x8], $0x4000, $0x38;
	[tilespmem:$0x1CD00] =	vst v63  }
0x153: {  	_ =	swait.ge [sflag:s4], $0x4000  }
0x154: {  	[sflag:s4] =	ssyncset.done $0x0  }
0x155: {  	s1 =	simm.s32 $0x980;
	[sflag:s4] =	ssyncadd.s32 $0xFFFFC000  }
0x156: {  	[tilespmem:s26], [sflag:$0x6] =	stream.indirect.gather [hbm4b:s19+s18], $0x80, s1, s18, $0xb8;
	[tilespmem:$0x1CD00] =	vst v63  }
0x157: {  	_ =	swait.ge [sflag:s30], $0x4000  }
0x158: {  	s0 =	sld [smem:$0x7F0]  }
0x159: {  	[sflag:s30] =	ssyncset.done $0x0  }
0x15a: {  	[sflag:s30] =	ssyncadd.s32 $0xFFFFC000  }
0x15b: {  	[hbm4b:s0+s14] =	stream.linear.scatter [tilespmem:s6], [sflag:$0x9], $0x4000, $0x38;
	[tilespmem:$0x1CD00] =	vst v63  }
0x15c: {  	_ =	swait.ge [sflag:s29], $0x4000  }
0x15d: {  	[sflag:s29] =	ssyncset.done $0x0  }
0x15e: {  	s0 =	simm.s32 $0xA00;
	[sflag:s29] =	ssyncadd.s32 $0xFFFFC000  }
0x15f: {  	[tilespmem:s25], [sflag:$0x7] =	stream.indirect.gather [hbm4b:s19+s18], $0x80, s0, s18, $0xb8;
	[tilespmem:$0x1CD00] =	vst v63  }
0x160: {  	_ =	swait.ge [sflag:s23], $0x4000  }
0x161: {  	s25 =	sld [smem:$0x7F1]  }
0x162: {  	[sflag:s23] =	ssyncset.done $0x0  }
0x163: {  	[sflag:s23] =	ssyncadd.s32 $0xFFFFC000  }
0x164: {  	[hbm4b:s25+s14] =	stream.linear.scatter [tilespmem:s21], [sflag:$0xA], $0x4000, $0x38;
	[tilespmem:$0x1CD00] =	vst v63  }
0x165: {  	_ =	swait.ge [sflag:s12], $0x4000  }
0x166: {  	[sflag:s12] =	ssyncset.done $0x0  }
0x167: {  	s25 =	simm.s32 $0xA80;
	[sflag:s12] =	ssyncadd.s32 $0xFFFFC000  }
0x168: {  	[tilespmem:s5], [sflag:$0x1] =	stream.indirect.gather [hbm4b:s19+s18], $0x80, s25, s18, $0xb8;
	[tilespmem:$0x1CD00] =	vst v63  }
0x169: {  	_ =	swait.ge [sflag:s24], $0x4000  }
0x16a: {  	s25 =	sld [smem:$0x7F2]  }
0x16b: {  	[sflag:s24] =	ssyncset.done $0x0  }
0x16c: {  	[sflag:s24] =	ssyncadd.s32 $0xFFFFC000  }
0x16d: {  	[hbm4b:s25+s14] =	stream.linear.scatter [tilespmem:s22], [sflag:$0xB], $0x4000, $0x38;
	[tilespmem:$0x1CD00] =	vst v63  }
0x16e: {  	_ =	swait.ge [sflag:s13], $0x4000  }
0x16f: {  	[sflag:s13] =	ssyncset.done $0x0  }
0x170: {  	s25 =	simm.s32 $0xB00;
	[sflag:s13] =	ssyncadd.s32 $0xFFFFC000  }
0x171: {  	[tilespmem:s6], [sflag:$0x2] =	stream.indirect.gather [hbm4b:s19+s18], $0x80, s25, s18, $0xb8;
	[tilespmem:$0x1CD00] =	vst v63  }
0x172: {  	_ =	swait.ge [sflag:s15], $0x4000  }
0x173: {  	s1 =	sld [smem:$0x7F3]  }
0x174: {  	[sflag:s15] =	ssyncset.done $0x0  }
0x175: {  	[sflag:s15] =	ssyncadd.s32 $0xFFFFC000  }
0x176: {  	[hbm4b:s1+s14] =	stream.linear.scatter [tilespmem:s11], [sflag:$0xC], $0x4000, $0x38;
	[tilespmem:$0x1CD00] =	vst v63  }
0x177: {  	_ =	swait.ge [sflag:s28], $0x4000  }
0x178: {  	[sflag:s28] =	ssyncset.done $0x0  }
0x179: {  	s1 =	simm.s32 $0xB80;
	[sflag:s28] =	ssyncadd.s32 $0xFFFFC000  }
0x17a: {  	[tilespmem:s21], [sflag:$0x3] =	stream.indirect.gather [hbm4b:s19+s18], $0x80, s1, s18, $0xb8;
	[tilespmem:$0x1CD00] =	vst v63  }
0x17b: {  	_ =	swait.ge [sflag:s3], $0x4000  }
0x17c: {  	[sflag:s3] =	ssyncset.done $0x0  }
0x17d: {  	[sflag:s3] =	ssyncadd.s32 $0xFFFFC000;
	s3 =	sld [smem:$0x7F4];
	_ =	sdelay $0x2  }
0x17e: {  	[hbm4b:s3+s14] =	stream.linear.scatter [tilespmem:s26], [sflag:$0xD], $0x4000, $0x38;
	[tilespmem:$0x1CD00] =	vst v63  }
0x17f: {  	_ =	swait.ge [sflag:s31], $0x4000  }
0x180: {  	[sflag:s31] =	ssyncset.done $0x0  }
0x181: {  	s26 =	simm.s32 $0xC00;
	[sflag:s31] =	ssyncadd.s32 $0xFFFFC000  }
0x182: {  	[tilespmem:s22], [sflag:$0x4] =	stream.indirect.gather [hbm4b:s19+s18], $0x80, s26, s18, $0xb8;
	[tilespmem:$0x1CD00] =	vst v63  }
0x183: {  	_ =	swait.ge [sflag:s10], $0x4000  }
0x184: {  	s3 =	sld [smem:$0x7F5]  }
0x185: {  	[sflag:s10] =	ssyncset.done $0x0  }
0x186: {  	[sflag:s10] =	ssyncadd.s32 $0xFFFFC000;
	s10 =	simm.s32 $0x18D00  }
0x187: {  	[hbm4b:s3+s14] =	stream.linear.scatter [tilespmem:s10], [sflag:$0xE], $0x4000, $0x38;
	[tilespmem:$0x1CD00] =	vst v63  }
0x188: {  	_ =	swait.ge [sflag:s2], $0x4000  }
0x189: {  	[sflag:s2] =	ssyncset.done $0x0  }
0x18a: {  	s3 =	simm.s32 $0xC80;
	[sflag:s2] =	ssyncadd.s32 $0xFFFFC000  }
0x18b: {  	[tilespmem:s11], [sflag:$0x5] =	stream.indirect.gather [hbm4b:s19+s18], $0x80, s3, s18, $0xb8;
	[tilespmem:$0x1CD00] =	vst v63  }
0x18c: {  	_ =	swait.ge [sflag:s8], $0x4000  }
0x18d: {  	[sflag:s8] =	ssyncset.done $0x0  }
0x18e: {  	[sflag:s8] =	ssyncadd.s32 $0xFFFFC000;
	s8 =	sld [smem:$0x7F6];
	_ =	sdelay $0x2  }
0x18f: {  	[hbm4b:s8+s14] =	stream.linear.scatter [tilespmem:s5], [sflag:$0x8], $0x4000, $0x38;
	[tilespmem:$0x1CD00] =	vst v63  }
0x190: {  	_ =	swait.ge [sflag:s30], $0x4000  }
0x191: {  	s3 =	sld [smem:$0x7F7]  }
0x192: {  	[sflag:s30] =	ssyncset.done $0x0  }
0x193: {  	[sflag:s30] =	ssyncadd.s32 $0xFFFFC000  }
0x194: {  	[hbm4b:s3+s14] =	stream.linear.scatter [tilespmem:s6], [sflag:$0x9], $0x4000, $0x38;
	[tilespmem:$0x1CD00] =	vst v63  }
0x195: {  	_ =	swait.ge [sflag:s23], $0x4000  }
0x196: {  	s5 =	sld [smem:$0x7F8]  }
0x197: {  	[sflag:s23] =	ssyncset.done $0x0  }
0x198: {  	[sflag:s23] =	ssyncadd.s32 $0xFFFFC000  }
0x199: {  	[hbm4b:s5+s14] =	stream.linear.scatter [tilespmem:s21], [sflag:$0xA], $0x4000, $0x38;
	[tilespmem:$0x1CD00] =	vst v63  }
0x19a: {  	_ =	swait.ge [sflag:s24], $0x4000  }
0x19b: {  	s6 =	sld [smem:$0x7F9]  }
0x19c: {  	[sflag:s24] =	ssyncset.done $0x0  }
0x19d: {  	[sflag:s24] =	ssyncadd.s32 $0xFFFFC000  }
0x19e: {  	[hbm4b:s6+s14] =	stream.linear.scatter [tilespmem:s22], [sflag:$0xB], $0x4000, $0x38;
	[tilespmem:$0x1CD00] =	vst v63  }
0x19f: {  	_ =	swait.ge [sflag:s15], $0x4000  }
0x1a0: {  	s3 =	sld [smem:$0x7FA]  }
0x1a1: {  	[sflag:s15] =	ssyncset.done $0x0  }
0x1a2: {  	[sflag:s15] =	ssyncadd.s32 $0xFFFFC000  }
0x1a3: {  	[hbm4b:s3+s14] =	stream.linear.scatter [tilespmem:s11], [sflag:$0xC], $0x4000, $0x38;
	[tilespmem:$0x1CD00] =	vst v63  }
0x1a4: {  	_ =	swait.ge [sflag:s4], $0x4000  }
0x1a5: {  	[sflag:s4] =	ssyncset.done $0x0  }
0x1a6: {  	[sflag:s4] =	ssyncadd.s32 $0xFFFFC000  }
0x1a7: {  	_ =	swait.ge [sflag:s29], $0x4000  }
0x1a8: {  	[sflag:s29] =	ssyncset.done $0x0  }
0x1a9: {  	[sflag:s29] =	ssyncadd.s32 $0xFFFFC000  }
0x1aa: {  	_ =	swait.ge [sflag:s12], $0x4000  }
0x1ab: {  	[sflag:s12] =	ssyncset.done $0x0  }
0x1ac: {  	[sflag:s12] =	ssyncadd.s32 $0xFFFFC000  }
0x1ad: {  	_ =	swait.ge [sflag:s13], $0x4000  }
0x1ae: {  	[sflag:s13] =	ssyncset.done $0x0  }
0x1af: {  	[sflag:s13] =	ssyncadd.s32 $0xFFFFC000  }
0x1b0: {  	_ =	swait.ge [sflag:s28], $0x4000  }
0x1b1: {  	[sflag:s28] =	ssyncset.done $0x0  }
0x1b2: {  	[sflag:s28] =	ssyncadd.s32 $0xFFFFC000  }
0x1b3: {  	_ =	swait.ge [sflag:s31], $0x4000  }
0x1b4: {  	[sflag:s31] =	ssyncset.done $0x0  }
0x1b5: {  	[sflag:s31] =	ssyncadd.s32 $0xFFFFC000  }
0x1b6: {  	_ =	swait.ge [sflag:s2], $0x4000  }
0x1b7: {  	s5 =	sld [smem:$0x7EF]  }
0x1b8: {  	s6 =	sld [smem:$0x7FB];
	_ =	sdelay $0x1  }
0x1b9: {  	s3 =	sadd.s32 $0x1, s5  }
0x1ba: {  	p0 =	sne.s32 s3, s6  }
.Ltmp2:
0x1bb: {  	_ = 	snop;
	(pc) =	sbr.rel @p0 .LBB2_1-.Ltmp2, $4  }
0x1bc: {  	s10 =	simm.s32 $0xD00;
	s8 =	simm.s32 $0x8D00;
	s30 =	simm.s32 $0x4D00  }
0x1bd: {  	s21 =	simm.s32 $0xCD00;
	s22 =	simm.s32 $0x10D00;
	[sflag:s2] =	ssyncset.done $0x0  }
0x1be: {  	s11 =	simm.s32 $0x400;
	s4 =	simm.s32 $0x500;
	[sflag:s2] =	ssyncadd.s32 $0xFFFFC000  }
0x1bf: {  	s2 =	simm.s32 $0x300;
	s5 =	simm.s32 $0x100;
	s6 =	simm.s32 $0x200  }
0x1c0: {  	_ =	sfence.sel $0x180000  }
0x1c1: {  	[bflag:$0x0] =	sbarrier.arrive $0xFFFF  }
0x1c2: {  	_ =	strace $0x90000047  }
0x1c3: {  	s0 =	stileid.u32;
	[bflag:$0x2] =	sbarrier.arrive $0xFFFF  }
0x1c4: {  	p0 =	sne.s32 s0, $0x0;
	s0 =	rddreg [dreg:$0x3]  }
0x1c5: {  	s0 =	sadd.s32 @!p0 $0x100000, s0  }
0x1c6: {  	[sflag:s0] =	ssyncadd.tile.s32 @!p0 $0x1;
	_ =	shalt  }
.Lfunc_end2:
_tile_overlayer_lowered:
.L_overlay_start_2:
0x1c7: {  	(tag) =	ssettag $0x2  }
0x1c8: {  	s0 =	rddreg [dreg:$0x0];
	s2 =	stileid.u32  }
0x1c9: {  	s1 =	rddreg [dreg:$0x1];
	p0 =	sne.s32 s2, $0x0  }
0x1ca: {  	s3 =	rddreg [dreg:$0x2];
	[bflag:$0x3] =	sbarrier.arrive $0xFFFF;
	s2 =	simm.s32 @!p0 $0x1C11  }
0x1cb: {  	[timem:s3], [sflag:s2] =	dma.local @!p0 [hbm:s0], s1  }
0x1cc: {  	s0 =	simm.s32 @!p0 $0x11  }
0x1cd: {  	_ =	swait.ge @!p0 [sflag:s0], s1  }
0x1ce: {  	s1 =	ssub.s32 @!p0 $0x0, s1;
	[sflag:s0] =	ssyncset.done @!p0 $0x0  }
0x1cf: {  	[sflag:s0] =	ssyncadd.s32 @!p0 s1  }
0x1d0: {  	[bflag:$0x3] =	sbarrier.arrive $0xFFFF  }
0x1d1: {  	_ =	shalt  }

</sc_bundles>
